<compile_context>
chip_gen: v7x
topology: tpu7x:2x2x1
jax: 0.10.2.dev20260603
libtpu: 0.0.44.dev20260713+nightly
codegen_flags: <defaults>
</compile_context>

<pallas_src>
import functools
import math

import jax
import jax.numpy as jnp
from jax import lax
from jax.experimental import pallas as pl
from jax.experimental.pallas import tpu as pltpu
from jax.experimental.pallas import tpu_sc as plsc

_D = 64
_SCALE = math.sqrt(_D)
_G = 128
_AB = 2
_NBUF = 2


@functools.lru_cache(maxsize=None)
def _make_kernel(n_i: int, n_j: int, tw: int):
    info = plsc.get_sparse_core_info()
    NC, NS, L = info.num_cores, info.num_subcores, info.num_lanes
    NW = NC * NS
    n_a = n_i // _G
    n_groups = n_a * n_j
    g_per_w = n_groups // NW
    n_stages = g_per_w // _AB
    assert n_groups % NW == 0 and g_per_w % _AB == 0
    assert n_stages % _NBUF == 0 and n_a % _AB == 0 and g_per_w % _AB == 0
    stage_rows = _AB * _G
    tile_elems = _AB * _G * 8
    mesh = plsc.VectorSubcoreMesh(core_axis_name="c", subcore_axis_name="s")

    @functools.partial(
        pl.kernel,
        mesh=mesh,
        compiler_params=pltpu.CompilerParams(
            use_tc_tiling_on_sc=False, needs_layout_passes=False),
        out_type=jax.ShapeDtypeStruct((n_j, _D // 8, n_a // _AB, tile_elems),
                                      jnp.float32),
        scratch_types=[
            pltpu.VMEM((g_per_w, _G), jnp.int32),
            pltpu.VMEM((_NBUF, stage_rows, tw), jnp.float32),
            pltpu.VMEM((_NBUF, _D * stage_rows), jnp.float32),
            pltpu.SemaphoreType.DMA((_NBUF,)),
            pltpu.SemaphoreType.DMA((_NBUF,)),
        ],
    )
    def emb_kernel(idx_hbm, table_hbm, out_hbm, idx_v, rows_v, tr_v,
                   gsem, ssem):
        wid = lax.axis_index("s") * NC + lax.axis_index("c")
        g0 = wid * g_per_w
        pltpu.sync_copy(idx_hbm.at[pl.ds(g0, g_per_w)], idx_v)

        iota = lax.iota(jnp.int32, L)
        cvecs = [iota + c * L for c in range(_D // L)]
        pdst = [[(lax.shift_right_logical(cvecs[c], 3) * (_AB * 1024)
                  + lax.bitwise_and(cvecs[c], 7) * _G + t * (8 * _G))
                 for c in range(_D // L)] for t in range(_AB)]

        def fire_gathers(s, b):
            for t in range(_AB):
                pltpu.async_copy(table_hbm.at[idx_v.at[s * _AB + t]],
                                 rows_v.at[b, pl.ds(t * _G, _G)],
                                 gsem.at[b])

        for b in range(_NBUF):
            fire_gathers(b, b)

        def body(s0):
            for b in range(_NBUF):
                s = s0 + b
                g = g0 + s * _AB
                j = lax.div(g, n_a)
                a = lax.rem(g, n_a)

                pltpu.make_async_copy(table_hbm.at[pl.ds(0, stage_rows)],
                                      rows_v.at[b], gsem.at[b]).wait()

                @pl.when(s >= _NBUF)
                def _():
                    for kb in range(_D // 8):
                        pltpu.make_async_copy(
                            out_hbm.at[0, 0, 0],
                            tr_v.at[b, pl.ds(kb * tile_elems, tile_elems)],
                            ssem.at[b]).wait()

                for t in range(_AB):
                    def tr(r0, _t=t):
                        rvec = lax.bitwise_and(r0 + iota, _G - 1)
                        rfull = rvec + _t * _G
                        for c in range(_D // L):
                            v = plsc.load_gather(rows_v.at[b],
                                                 [rfull, cvecs[c]])
                            plsc.store_scatter(tr_v.at[b],
                                               [pdst[_t][c] + rvec],
                                               v * _SCALE)

                    plsc.parallel_loop(0, _G, unroll=4)(tr)

                a2 = lax.div(a, _AB)
                for kb in range(_D // 8):
                    pltpu.async_copy(
                        tr_v.at[b, pl.ds(kb * tile_elems, tile_elems)],
                        out_hbm.at[j, kb, a2], ssem.at[b])

                @pl.when(s + _NBUF < n_stages)
                def _():
                    fire_gathers(s + _NBUF, b)

        pl.loop(0, n_stages, step=_NBUF)(body)
        for b in range(_NBUF):
            for kb in range(_D // 8):
                pltpu.make_async_copy(
                    out_hbm.at[0, 0, 0],
                    tr_v.at[b, pl.ds(kb * tile_elems, tile_elems)],
                    ssem.at[b]).wait()

    return emb_kernel


def kernel(x, emb_weight):
    n_i, n_j = x.shape
    idx = jnp.reshape(jnp.transpose(x * 2),
                      (n_j * n_i // _G, _G)).astype(jnp.int32)
    padded = jnp.pad(emb_weight, ((0, 0), (0, 2 * _D - emb_weight.shape[1])))
    table = jnp.reshape(padded, (2 * padded.shape[0], _D))
    out4 = _make_kernel(n_i, n_j, _D)(idx, table)
    n_a = n_i // _G
    out6 = jnp.reshape(out4, (n_j, _D // 8, n_a // _AB, _AB, 8, _G))
    out = jnp.transpose(out6, (2, 3, 5, 0, 1, 4))
    return jnp.reshape(out, (n_i, n_j, _D))

# --- scband reference (transcript-rebuilt; emitter-appended) ---
"""Pipeline reference for scband-embeddings-85375359910133 (READ-ONLY COPY).

The authoritative reference and input builder live on the scoring server;
editing this copy changes nothing except your own understanding.
"""

import jax, jax.numpy as jnp
import numpy as np
import math

VOCAB = 1000000
D_MODEL = 64

def setup_inputs(seed: int = 0) -> dict:
    key = jax.random.key(seed)
    k1, k2 = jax.random.split(key)
    x = jax.random.randint(k1, (4096, 200), 0, VOCAB, dtype=jnp.int64 if jax.config.jax_enable_x64 else jnp.int32)
    emb_weight = jax.random.normal(k2, (VOCAB, D_MODEL), dtype=jnp.float32)
    return {"x": x, "emb_weight": emb_weight}

def reference(x, emb_weight):
    # nn.Embedding lookup followed by scaling by sqrt(d_model)
    out = jnp.take(emb_weight, x, axis=0)
    return out * math.sqrt(D_MODEL)

if __name__ == "__main__":
    import jax
    _d = setup_inputs()
    print(jax.jit(kernel)(*tuple(_d.values())))

</pallas_src>

<mosaic_0001>
#map = affine_map<(d0, d1) -> (0, 0)>
#map1 = affine_map<(d0, d1) -> (0, 0, 0, 0)>
module attributes {stable_mosaic.version = 14 : i64} {
  func.func @emb_kernel(%arg0: i32, %arg1: i32, %arg2: memref<6400x128xi32, #tpu.memory_space<hbm>>, %arg3: memref<2000000x64xf32, #tpu.memory_space<hbm>>, %arg4: memref<200x8x16x2048xf32, #tpu.memory_space<hbm>>, %arg5: memref<200x128xi32, #tpu.memory_space<vmem>>, %arg6: memref<2x256x64xf32, #tpu.memory_space<vmem>>, %arg7: memref<2x16384xf32, #tpu.memory_space<vmem>>, %arg8: memref<2x!tpu.dma_semaphore, #tpu.memory_space<semaphore_mem>>, %arg9: memref<2x!tpu.dma_semaphore, #tpu.memory_space<semaphore_mem>>) attributes {dimension_semantics = [#tpu.dimension_semantics<core_parallel>, #tpu.dimension_semantics<subcore_parallel>], iteration_bounds = array<i64: 2, 16>, scalar_prefetch = 0 : i64, scratch_operands = 5 : i64, tpu.core_type = #tpu.core_type<sc_vector_subcore>, window_params = [{transform_indices = #map}, {transform_indices = #map}, {transform_indices = #map1}]} {
    %mul3A = arith.constant 2 : i32
    %mul3A_0 = arith.muli %arg1, %mul3A : i32
    %add3A = arith.addi %mul3A_0, %arg0 : i32
    %mul3A_1 = arith.constant 200 : i32
    %mul3A_2 = arith.muli %add3A, %mul3A_1 : i32
    "tpu.region"() ({
      %run_scoped3A = tpu.sem_alloc : memref<!tpu.dma_semaphore, #tpu.memory_space<semaphore_mem>>
      %dma_start3A_507 = arith.constant 0 : i32
      %dma_start3A_508 = tpu.memref_slice %arg2[%mul3A_2, %dma_start3A_507] : memref<6400x128xi32, #tpu.memory_space<hbm>> -> memref<200x128xi32, #tpu.memory_space<hbm>>
      %dma_start3A_509 = arith.constant 0 : i32
      %dma_start3A_510 = tpu.memref_slice %arg2[%mul3A_2, %dma_start3A_509] : memref<6400x128xi32, #tpu.memory_space<hbm>> -> memref<200x128xi32, #tpu.memory_space<hbm>>
      tpu.enqueue_dma source(%dma_start3A_510 : memref<200x128xi32, #tpu.memory_space<hbm>>) target(%arg5 : memref<200x128xi32, #tpu.memory_space<vmem>>) target_semaphore(%run_scoped3A : memref<!tpu.dma_semaphore, #tpu.memory_space<semaphore_mem>>)
      %dma_wait3A_511 = arith.constant 0 : i32
      %dma_wait3A_512 = tpu.memref_slice %arg2[%mul3A_2, %dma_wait3A_511] : memref<6400x128xi32, #tpu.memory_space<hbm>> -> memref<200x128xi32, #tpu.memory_space<hbm>>
      %dma_wait3A_513 = arith.constant 0 : i32
      %dma_wait3A_514 = tpu.memref_slice %arg2[%mul3A_2, %dma_wait3A_513] : memref<6400x128xi32, #tpu.memory_space<hbm>> -> memref<200x128xi32, #tpu.memory_space<hbm>>
      tpu.wait_dma2 semaphore(%run_scoped3A : memref<!tpu.dma_semaphore, #tpu.memory_space<semaphore_mem>>) src(%dma_wait3A_514 : memref<200x128xi32, #tpu.memory_space<hbm>>) dst(%arg5 : memref<200x128xi32, #tpu.memory_space<vmem>>)
      tpu.yield
    }) : () -> ()
    %iota3A = tpu.iota {dimensions = array<i32: 0>} : vector<16xi32>
    %add3A_3 = arith.constant 0 : i32
    %add3A_4 = vector.broadcast %add3A_3 : i32 to vector<16xi32>
    %add3A_5 = arith.addi %iota3A, %add3A_4 : vector<16xi32>
    %add3A_6 = arith.constant 16 : i32
    %add3A_7 = vector.broadcast %add3A_6 : i32 to vector<16xi32>
    %add3A_8 = arith.addi %iota3A, %add3A_7 : vector<16xi32>
    %add3A_9 = arith.constant 32 : i32
    %add3A_10 = vector.broadcast %add3A_9 : i32 to vector<16xi32>
    %add3A_11 = arith.addi %iota3A, %add3A_10 : vector<16xi32>
    %add3A_12 = arith.constant 48 : i32
    %add3A_13 = vector.broadcast %add3A_12 : i32 to vector<16xi32>
    %add3A_14 = arith.addi %iota3A, %add3A_13 : vector<16xi32>
    %shift_right_logical3A = arith.constant 3 : i32
    %shift_right_logical3A_15 = vector.broadcast %shift_right_logical3A : i32 to vector<16xi32>
    %shift_right_logical3A_16 = arith.shrui %add3A_5, %shift_right_logical3A_15 : vector<16xi32>
    %mul3A_17 = arith.constant 2048 : i32
    %mul3A_18 = vector.broadcast %mul3A_17 : i32 to vector<16xi32>
    %mul3A_19 = arith.muli %shift_right_logical3A_16, %mul3A_18 : vector<16xi32>
    %and3A = arith.constant 7 : i32
    %and3A_20 = vector.broadcast %and3A : i32 to vector<16xi32>
    %and3A_21 = arith.andi %add3A_5, %and3A_20 : vector<16xi32>
    %mul3A_22 = arith.constant 128 : i32
    %mul3A_23 = vector.broadcast %mul3A_22 : i32 to vector<16xi32>
    %mul3A_24 = arith.muli %and3A_21, %mul3A_23 : vector<16xi32>
    %add3A_25 = arith.addi %mul3A_19, %mul3A_24 : vector<16xi32>
    %add3A_26 = arith.constant 0 : i32
    %add3A_27 = vector.broadcast %add3A_26 : i32 to vector<16xi32>
    %add3A_28 = arith.addi %add3A_25, %add3A_27 : vector<16xi32>
    %shift_right_logical3A_29 = arith.constant 3 : i32
    %shift_right_logical3A_30 = vector.broadcast %shift_right_logical3A_29 : i32 to vector<16xi32>
    %shift_right_logical3A_31 = arith.shrui %add3A_8, %shift_right_logical3A_30 : vector<16xi32>
    %mul3A_32 = arith.constant 2048 : i32
    %mul3A_33 = vector.broadcast %mul3A_32 : i32 to vector<16xi32>
    %mul3A_34 = arith.muli %shift_right_logical3A_31, %mul3A_33 : vector<16xi32>
    %and3A_35 = arith.constant 7 : i32
    %and3A_36 = vector.broadcast %and3A_35 : i32 to vector<16xi32>
    %and3A_37 = arith.andi %add3A_8, %and3A_36 : vector<16xi32>
    %mul3A_38 = arith.constant 128 : i32
    %mul3A_39 = vector.broadcast %mul3A_38 : i32 to vector<16xi32>
    %mul3A_40 = arith.muli %and3A_37, %mul3A_39 : vector<16xi32>
    %add3A_41 = arith.addi %mul3A_34, %mul3A_40 : vector<16xi32>
    %add3A_42 = arith.constant 0 : i32
    %add3A_43 = vector.broadcast %add3A_42 : i32 to vector<16xi32>
    %add3A_44 = arith.addi %add3A_41, %add3A_43 : vector<16xi32>
    %shift_right_logical3A_45 = arith.constant 3 : i32
    %shift_right_logical3A_46 = vector.broadcast %shift_right_logical3A_45 : i32 to vector<16xi32>
    %shift_right_logical3A_47 = arith.shrui %add3A_11, %shift_right_logical3A_46 : vector<16xi32>
    %mul3A_48 = arith.constant 2048 : i32
    %mul3A_49 = vector.broadcast %mul3A_48 : i32 to vector<16xi32>
    %mul3A_50 = arith.muli %shift_right_logical3A_47, %mul3A_49 : vector<16xi32>
    %and3A_51 = arith.constant 7 : i32
    %and3A_52 = vector.broadcast %and3A_51 : i32 to vector<16xi32>
    %and3A_53 = arith.andi %add3A_11, %and3A_52 : vector<16xi32>
    %mul3A_54 = arith.constant 128 : i32
    %mul3A_55 = vector.broadcast %mul3A_54 : i32 to vector<16xi32>
    %mul3A_56 = arith.muli %and3A_53, %mul3A_55 : vector<16xi32>
    %add3A_57 = arith.addi %mul3A_50, %mul3A_56 : vector<16xi32>
    %add3A_58 = arith.constant 0 : i32
    %add3A_59 = vector.broadcast %add3A_58 : i32 to vector<16xi32>
    %add3A_60 = arith.addi %add3A_57, %add3A_59 : vector<16xi32>
    %shift_right_logical3A_61 = arith.constant 3 : i32
    %shift_right_logical3A_62 = vector.broadcast %shift_right_logical3A_61 : i32 to vector<16xi32>
    %shift_right_logical3A_63 = arith.shrui %add3A_14, %shift_right_logical3A_62 : vector<16xi32>
    %mul3A_64 = arith.constant 2048 : i32
    %mul3A_65 = vector.broadcast %mul3A_64 : i32 to vector<16xi32>
    %mul3A_66 = arith.muli %shift_right_logical3A_63, %mul3A_65 : vector<16xi32>
    %and3A_67 = arith.constant 7 : i32
    %and3A_68 = vector.broadcast %and3A_67 : i32 to vector<16xi32>
    %and3A_69 = arith.andi %add3A_14, %and3A_68 : vector<16xi32>
    %mul3A_70 = arith.constant 128 : i32
    %mul3A_71 = vector.broadcast %mul3A_70 : i32 to vector<16xi32>
    %mul3A_72 = arith.muli %and3A_69, %mul3A_71 : vector<16xi32>
    %add3A_73 = arith.addi %mul3A_66, %mul3A_72 : vector<16xi32>
    %add3A_74 = arith.constant 0 : i32
    %add3A_75 = vector.broadcast %add3A_74 : i32 to vector<16xi32>
    %add3A_76 = arith.addi %add3A_73, %add3A_75 : vector<16xi32>
    %shift_right_logical3A_77 = arith.constant 3 : i32
    %shift_right_logical3A_78 = vector.broadcast %shift_right_logical3A_77 : i32 to vector<16xi32>
    %shift_right_logical3A_79 = arith.shrui %add3A_5, %shift_right_logical3A_78 : vector<16xi32>
    %mul3A_80 = arith.constant 2048 : i32
    %mul3A_81 = vector.broadcast %mul3A_80 : i32 to vector<16xi32>
    %mul3A_82 = arith.muli %shift_right_logical3A_79, %mul3A_81 : vector<16xi32>
    %and3A_83 = arith.constant 7 : i32
    %and3A_84 = vector.broadcast %and3A_83 : i32 to vector<16xi32>
    %and3A_85 = arith.andi %add3A_5, %and3A_84 : vector<16xi32>
    %mul3A_86 = arith.constant 128 : i32
    %mul3A_87 = vector.broadcast %mul3A_86 : i32 to vector<16xi32>
    %mul3A_88 = arith.muli %and3A_85, %mul3A_87 : vector<16xi32>
    %add3A_89 = arith.addi %mul3A_82, %mul3A_88 : vector<16xi32>
    %add3A_90 = arith.constant 1024 : i32
    %add3A_91 = vector.broadcast %add3A_90 : i32 to vector<16xi32>
    %add3A_92 = arith.addi %add3A_89, %add3A_91 : vector<16xi32>
    %shift_right_logical3A_93 = arith.constant 3 : i32
    %shift_right_logical3A_94 = vector.broadcast %shift_right_logical3A_93 : i32 to vector<16xi32>
    %shift_right_logical3A_95 = arith.shrui %add3A_8, %shift_right_logical3A_94 : vector<16xi32>
    %mul3A_96 = arith.constant 2048 : i32
    %mul3A_97 = vector.broadcast %mul3A_96 : i32 to vector<16xi32>
    %mul3A_98 = arith.muli %shift_right_logical3A_95, %mul3A_97 : vector<16xi32>
    %and3A_99 = arith.constant 7 : i32
    %and3A_100 = vector.broadcast %and3A_99 : i32 to vector<16xi32>
    %and3A_101 = arith.andi %add3A_8, %and3A_100 : vector<16xi32>
    %mul3A_102 = arith.constant 128 : i32
    %mul3A_103 = vector.broadcast %mul3A_102 : i32 to vector<16xi32>
    %mul3A_104 = arith.muli %and3A_101, %mul3A_103 : vector<16xi32>
    %add3A_105 = arith.addi %mul3A_98, %mul3A_104 : vector<16xi32>
    %add3A_106 = arith.constant 1024 : i32
    %add3A_107 = vector.broadcast %add3A_106 : i32 to vector<16xi32>
    %add3A_108 = arith.addi %add3A_105, %add3A_107 : vector<16xi32>
    %shift_right_logical3A_109 = arith.constant 3 : i32
    %shift_right_logical3A_110 = vector.broadcast %shift_right_logical3A_109 : i32 to vector<16xi32>
    %shift_right_logical3A_111 = arith.shrui %add3A_11, %shift_right_logical3A_110 : vector<16xi32>
    %mul3A_112 = arith.constant 2048 : i32
    %mul3A_113 = vector.broadcast %mul3A_112 : i32 to vector<16xi32>
    %mul3A_114 = arith.muli %shift_right_logical3A_111, %mul3A_113 : vector<16xi32>
    %and3A_115 = arith.constant 7 : i32
    %and3A_116 = vector.broadcast %and3A_115 : i32 to vector<16xi32>
    %and3A_117 = arith.andi %add3A_11, %and3A_116 : vector<16xi32>
    %mul3A_118 = arith.constant 128 : i32
    %mul3A_119 = vector.broadcast %mul3A_118 : i32 to vector<16xi32>
    %mul3A_120 = arith.muli %and3A_117, %mul3A_119 : vector<16xi32>
    %add3A_121 = arith.addi %mul3A_114, %mul3A_120 : vector<16xi32>
    %add3A_122 = arith.constant 1024 : i32
    %add3A_123 = vector.broadcast %add3A_122 : i32 to vector<16xi32>
    %add3A_124 = arith.addi %add3A_121, %add3A_123 : vector<16xi32>
    %shift_right_logical3A_125 = arith.constant 3 : i32
    %shift_right_logical3A_126 = vector.broadcast %shift_right_logical3A_125 : i32 to vector<16xi32>
    %shift_right_logical3A_127 = arith.shrui %add3A_14, %shift_right_logical3A_126 : vector<16xi32>
    %mul3A_128 = arith.constant 2048 : i32
    %mul3A_129 = vector.broadcast %mul3A_128 : i32 to vector<16xi32>
    %mul3A_130 = arith.muli %shift_right_logical3A_127, %mul3A_129 : vector<16xi32>
    %and3A_131 = arith.constant 7 : i32
    %and3A_132 = vector.broadcast %and3A_131 : i32 to vector<16xi32>
    %and3A_133 = arith.andi %add3A_14, %and3A_132 : vector<16xi32>
    %mul3A_134 = arith.constant 128 : i32
    %mul3A_135 = vector.broadcast %mul3A_134 : i32 to vector<16xi32>
    %mul3A_136 = arith.muli %and3A_133, %mul3A_135 : vector<16xi32>
    %add3A_137 = arith.addi %mul3A_130, %mul3A_136 : vector<16xi32>
    %add3A_138 = arith.constant 1024 : i32
    %add3A_139 = vector.broadcast %add3A_138 : i32 to vector<16xi32>
    %add3A_140 = arith.addi %add3A_137, %add3A_139 : vector<16xi32>
    %dma_start3A = arith.constant 0 : i32
    %dma_start3A_141 = arith.constant 0 : i32
    %dma_start3A_142 = arith.constant 0 : i32
    %dma_start3A_143 = arith.constant 0 : i32
    %dma_start3A_144 = arith.constant 0 : i32
    %dma_start3A_145 = tpu.memref_slice %arg6[%dma_start3A_141, %dma_start3A_143, %dma_start3A_144] : memref<2x256x64xf32, #tpu.memory_space<vmem>> -> memref<1x128x64xf32, #tpu.memory_space<vmem>>
    %dma_start3A_146 = tpu.memref_squeeze %dma_start3A_145 : memref<1x128x64xf32, #tpu.memory_space<vmem>> -> memref<128x64xf32, #tpu.memory_space<vmem>>
    %dma_start3A_147 = arith.constant 0 : i32
    %dma_start3A_148 = tpu.memref_slice %arg5[%dma_start3A, %dma_start3A_147] : memref<200x128xi32, #tpu.memory_space<vmem>> -> memref<1x128xi32, #tpu.memory_space<vmem>>
    %dma_start3A_149 = tpu.memref_squeeze %dma_start3A_148 : memref<1x128xi32, #tpu.memory_space<vmem>> -> memref<128xi32, #tpu.memory_space<vmem>>
    %dma_start3A_150 = arith.constant 0 : i32
    %dma_start3A_151 = arith.constant 0 : i32
    %dma_start3A_152 = tpu.memref_slice %arg3[%dma_start3A_150, %dma_start3A_151] : memref<2000000x64xf32, #tpu.memory_space<hbm>> -> memref<2000000x64xf32, #tpu.memory_space<hbm>>
    %dma_start3A_153 = tpu.memref_slice %arg8[%dma_start3A_142] : memref<2x!tpu.dma_semaphore, #tpu.memory_space<semaphore_mem>> -> memref<1x!tpu.dma_semaphore, #tpu.memory_space<semaphore_mem>>
    %dma_start3A_154 = tpu.memref_squeeze %dma_start3A_153 : memref<1x!tpu.dma_semaphore, #tpu.memory_space<semaphore_mem>> -> memref<!tpu.dma_semaphore, #tpu.memory_space<semaphore_mem>>
    tpu.enqueue_indirect_dma source(%dma_start3A_152 : memref<2000000x64xf32, #tpu.memory_space<hbm>>) target(%dma_start3A_146 : memref<128x64xf32, #tpu.memory_space<vmem>>) offsets(%dma_start3A_149 : memref<128xi32, #tpu.memory_space<vmem>>) semaphore(%dma_start3A_154 : memref<!tpu.dma_semaphore, #tpu.memory_space<semaphore_mem>>)
    %dma_start3A_155 = arith.constant 1 : i32
    %dma_start3A_156 = arith.constant 0 : i32
    %dma_start3A_157 = arith.constant 0 : i32
    %dma_start3A_158 = arith.constant 128 : i32
    %dma_start3A_159 = arith.constant 0 : i32
    %dma_start3A_160 = tpu.memref_slice %arg6[%dma_start3A_156, %dma_start3A_158, %dma_start3A_159] : memref<2x256x64xf32, #tpu.memory_space<vmem>> -> memref<1x128x64xf32, #tpu.memory_space<vmem>>
    %dma_start3A_161 = tpu.memref_squeeze %dma_start3A_160 : memref<1x128x64xf32, #tpu.memory_space<vmem>> -> memref<128x64xf32, #tpu.memory_space<vmem>>
    %dma_start3A_162 = arith.constant 0 : i32
    %dma_start3A_163 = tpu.memref_slice %arg5[%dma_start3A_155, %dma_start3A_162] : memref<200x128xi32, #tpu.memory_space<vmem>> -> memref<1x128xi32, #tpu.memory_space<vmem>>
    %dma_start3A_164 = tpu.memref_squeeze %dma_start3A_163 : memref<1x128xi32, #tpu.memory_space<vmem>> -> memref<128xi32, #tpu.memory_space<vmem>>
    %dma_start3A_165 = arith.constant 0 : i32
    %dma_start3A_166 = arith.constant 0 : i32
    %dma_start3A_167 = tpu.memref_slice %arg3[%dma_start3A_165, %dma_start3A_166] : memref<2000000x64xf32, #tpu.memory_space<hbm>> -> memref<2000000x64xf32, #tpu.memory_space<hbm>>
    %dma_start3A_168 = tpu.memref_slice %arg8[%dma_start3A_157] : memref<2x!tpu.dma_semaphore, #tpu.memory_space<semaphore_mem>> -> memref<1x!tpu.dma_semaphore, #tpu.memory_space<semaphore_mem>>
    %dma_start3A_169 = tpu.memref_squeeze %dma_start3A_168 : memref<1x!tpu.dma_semaphore, #tpu.memory_space<semaphore_mem>> -> memref<!tpu.dma_semaphore, #tpu.memory_space<semaphore_mem>>
    tpu.enqueue_indirect_dma source(%dma_start3A_167 : memref<2000000x64xf32, #tpu.memory_space<hbm>>) target(%dma_start3A_161 : memref<128x64xf32, #tpu.memory_space<vmem>>) offsets(%dma_start3A_164 : memref<128xi32, #tpu.memory_space<vmem>>) semaphore(%dma_start3A_169 : memref<!tpu.dma_semaphore, #tpu.memory_space<semaphore_mem>>)
    %dma_start3A_170 = arith.constant 2 : i32
    %dma_start3A_171 = arith.constant 1 : i32
    %dma_start3A_172 = arith.constant 1 : i32
    %dma_start3A_173 = arith.constant 0 : i32
    %dma_start3A_174 = arith.constant 0 : i32
    %dma_start3A_175 = tpu.memref_slice %arg6[%dma_start3A_171, %dma_start3A_173, %dma_start3A_174] : memref<2x256x64xf32, #tpu.memory_space<vmem>> -> memref<1x128x64xf32, #tpu.memory_space<vmem>>
    %dma_start3A_176 = tpu.memref_squeeze %dma_start3A_175 : memref<1x128x64xf32, #tpu.memory_space<vmem>> -> memref<128x64xf32, #tpu.memory_space<vmem>>
    %dma_start3A_177 = arith.constant 0 : i32
    %dma_start3A_178 = tpu.memref_slice %arg5[%dma_start3A_170, %dma_start3A_177] : memref<200x128xi32, #tpu.memory_space<vmem>> -> memref<1x128xi32, #tpu.memory_space<vmem>>
    %dma_start3A_179 = tpu.memref_squeeze %dma_start3A_178 : memref<1x128xi32, #tpu.memory_space<vmem>> -> memref<128xi32, #tpu.memory_space<vmem>>
    %dma_start3A_180 = arith.constant 0 : i32
    %dma_start3A_181 = arith.constant 0 : i32
    %dma_start3A_182 = tpu.memref_slice %arg3[%dma_start3A_180, %dma_start3A_181] : memref<2000000x64xf32, #tpu.memory_space<hbm>> -> memref<2000000x64xf32, #tpu.memory_space<hbm>>
    %dma_start3A_183 = tpu.memref_slice %arg8[%dma_start3A_172] : memref<2x!tpu.dma_semaphore, #tpu.memory_space<semaphore_mem>> -> memref<1x!tpu.dma_semaphore, #tpu.memory_space<semaphore_mem>>
    %dma_start3A_184 = tpu.memref_squeeze %dma_start3A_183 : memref<1x!tpu.dma_semaphore, #tpu.memory_space<semaphore_mem>> -> memref<!tpu.dma_semaphore, #tpu.memory_space<semaphore_mem>>
    tpu.enqueue_indirect_dma source(%dma_start3A_182 : memref<2000000x64xf32, #tpu.memory_space<hbm>>) target(%dma_start3A_176 : memref<128x64xf32, #tpu.memory_space<vmem>>) offsets(%dma_start3A_179 : memref<128xi32, #tpu.memory_space<vmem>>) semaphore(%dma_start3A_184 : memref<!tpu.dma_semaphore, #tpu.memory_space<semaphore_mem>>)
    %dma_start3A_185 = arith.constant 3 : i32
    %dma_start3A_186 = arith.constant 1 : i32
    %dma_start3A_187 = arith.constant 1 : i32
    %dma_start3A_188 = arith.constant 128 : i32
    %dma_start3A_189 = arith.constant 0 : i32
    %dma_start3A_190 = tpu.memref_slice %arg6[%dma_start3A_186, %dma_start3A_188, %dma_start3A_189] : memref<2x256x64xf32, #tpu.memory_space<vmem>> -> memref<1x128x64xf32, #tpu.memory_space<vmem>>
    %dma_start3A_191 = tpu.memref_squeeze %dma_start3A_190 : memref<1x128x64xf32, #tpu.memory_space<vmem>> -> memref<128x64xf32, #tpu.memory_space<vmem>>
    %dma_start3A_192 = arith.constant 0 : i32
    %dma_start3A_193 = tpu.memref_slice %arg5[%dma_start3A_185, %dma_start3A_192] : memref<200x128xi32, #tpu.memory_space<vmem>> -> memref<1x128xi32, #tpu.memory_space<vmem>>
    %dma_start3A_194 = tpu.memref_squeeze %dma_start3A_193 : memref<1x128xi32, #tpu.memory_space<vmem>> -> memref<128xi32, #tpu.memory_space<vmem>>
    %dma_start3A_195 = arith.constant 0 : i32
    %dma_start3A_196 = arith.constant 0 : i32
    %dma_start3A_197 = tpu.memref_slice %arg3[%dma_start3A_195, %dma_start3A_196] : memref<2000000x64xf32, #tpu.memory_space<hbm>> -> memref<2000000x64xf32, #tpu.memory_space<hbm>>
    %dma_start3A_198 = tpu.memref_slice %arg8[%dma_start3A_187] : memref<2x!tpu.dma_semaphore, #tpu.memory_space<semaphore_mem>> -> memref<1x!tpu.dma_semaphore, #tpu.memory_space<semaphore_mem>>
    %dma_start3A_199 = tpu.memref_squeeze %dma_start3A_198 : memref<1x!tpu.dma_semaphore, #tpu.memory_space<semaphore_mem>> -> memref<!tpu.dma_semaphore, #tpu.memory_space<semaphore_mem>>
    tpu.enqueue_indirect_dma source(%dma_start3A_197 : memref<2000000x64xf32, #tpu.memory_space<hbm>>) target(%dma_start3A_191 : memref<128x64xf32, #tpu.memory_space<vmem>>) offsets(%dma_start3A_194 : memref<128xi32, #tpu.memory_space<vmem>>) semaphore(%dma_start3A_199 : memref<!tpu.dma_semaphore, #tpu.memory_space<semaphore_mem>>)
    %scan3A = arith.constant 0 : i32
    %scan3A_200 = arith.constant 50 : i32
    %scan3A_201 = arith.addi %scan3A, %scan3A_200 : i32
    %scan3A_202 = arith.constant 1 : i32
    scf.for %scan3A_507 = %scan3A to %scan3A_201 step %scan3A_202  : i32 {
      %mul3A_508 = arith.constant 2 : i32
      %mul3A_509 = arith.muli %scan3A_507, %mul3A_508 : i32
      %add3A_510 = arith.constant 0 : i32
      %add3A_511 = arith.addi %add3A_510, %mul3A_509 : i32
      %add3A_512 = arith.constant 0 : i32
      %add3A_513 = arith.addi %add3A_511, %add3A_512 : i32
      %mul3A_514 = arith.constant 2 : i32
      %mul3A_515 = arith.muli %add3A_513, %mul3A_514 : i32
      %add3A_516 = arith.addi %mul3A_2, %mul3A_515 : i32
      %div3A = arith.constant 32 : i32
      %div3A_517 = arith.divsi %add3A_516, %div3A : i32
      %rem3A = arith.constant 32 : i32
      %rem3A_518 = arith.remsi %add3A_516, %rem3A : i32
      %dma_wait3A_519 = arith.constant 0 : i32
      %dma_wait3A_520 = arith.constant 0 : i32
      %dma_wait3A_521 = arith.constant 0 : i32
      %dma_wait3A_522 = arith.constant 0 : i32
      %dma_wait3A_523 = tpu.memref_slice %arg6[%dma_wait3A_519, %dma_wait3A_521, %dma_wait3A_522] : memref<2x256x64xf32, #tpu.memory_space<vmem>> -> memref<1x256x64xf32, #tpu.memory_space<vmem>>
      %dma_wait3A_524 = tpu.memref_squeeze %dma_wait3A_523 : memref<1x256x64xf32, #tpu.memory_space<vmem>> -> memref<256x64xf32, #tpu.memory_space<vmem>>
      %dma_wait3A_525 = arith.constant 0 : i32
      %dma_wait3A_526 = arith.constant 0 : i32
      %dma_wait3A_527 = tpu.memref_slice %arg3[%dma_wait3A_525, %dma_wait3A_526] : memref<2000000x64xf32, #tpu.memory_space<hbm>> -> memref<256x64xf32, #tpu.memory_space<hbm>>
      %dma_wait3A_528 = tpu.memref_slice %arg8[%dma_wait3A_520] : memref<2x!tpu.dma_semaphore, #tpu.memory_space<semaphore_mem>> -> memref<1x!tpu.dma_semaphore, #tpu.memory_space<semaphore_mem>>
      %dma_wait3A_529 = tpu.memref_squeeze %dma_wait3A_528 : memref<1x!tpu.dma_semaphore, #tpu.memory_space<semaphore_mem>> -> memref<!tpu.dma_semaphore, #tpu.memory_space<semaphore_mem>>
      %dma_wait3A_530 = arith.constant 0 : i32
      %dma_wait3A_531 = arith.constant 0 : i32
      %dma_wait3A_532 = tpu.memref_slice %arg6[%dma_wait3A_519, %dma_wait3A_530, %dma_wait3A_531] : memref<2x256x64xf32, #tpu.memory_space<vmem>> -> memref<1x256x64xf32, #tpu.memory_space<vmem>>
      %dma_wait3A_533 = tpu.memref_squeeze %dma_wait3A_532 : memref<1x256x64xf32, #tpu.memory_space<vmem>> -> memref<256x64xf32, #tpu.memory_space<vmem>>
      %dma_wait3A_534 = arith.constant 0 : i32
      %dma_wait3A_535 = arith.constant 0 : i32
      %dma_wait3A_536 = tpu.memref_slice %arg3[%dma_wait3A_534, %dma_wait3A_535] : memref<2000000x64xf32, #tpu.memory_space<hbm>> -> memref<256x64xf32, #tpu.memory_space<hbm>>
      tpu.wait_dma2 semaphore(%dma_wait3A_529 : memref<!tpu.dma_semaphore, #tpu.memory_space<semaphore_mem>>) src(%dma_wait3A_536 : memref<256x64xf32, #tpu.memory_space<hbm>>) dst(%dma_wait3A_533 : memref<256x64xf32, #tpu.memory_space<vmem>>)
      %ge3A = arith.constant 2 : i32
      %ge3A_537 = arith.cmpi sge, %add3A_513, %ge3A : i32
      %convert_element_type3A = arith.extui %ge3A_537 : i1 to i32
      %cond3A = arith.constant 0 : i32
      %cond3A_538 = arith.cmpi ne, %convert_element_type3A, %cond3A : i32
      scf.if %cond3A_538 {
        %dma_wait3A_871 = arith.constant 0 : i32
        %dma_wait3A_872 = arith.constant 0 : i32
        %dma_wait3A_873 = arith.constant 0 : i32
        %dma_wait3A_874 = arith.constant 0 : i32
        %dma_wait3A_875 = arith.constant 0 : i32
        %dma_wait3A_876 = arith.constant 0 : i32
        %dma_wait3A_877 = tpu.memref_slice %arg7[%dma_wait3A_874, %dma_wait3A_876] : memref<2x16384xf32, #tpu.memory_space<vmem>> -> memref<1x2048xf32, #tpu.memory_space<vmem>>
        %dma_wait3A_878 = tpu.memref_squeeze %dma_wait3A_877 : memref<1x2048xf32, #tpu.memory_space<vmem>> -> memref<2048xf32, #tpu.memory_space<vmem>>
        %dma_wait3A_879 = arith.constant 0 : i32
        %dma_wait3A_880 = tpu.memref_slice %arg4[%dma_wait3A_871, %dma_wait3A_872, %dma_wait3A_873, %dma_wait3A_879] : memref<200x8x16x2048xf32, #tpu.memory_space<hbm>> -> memref<1x1x1x2048xf32, #tpu.memory_space<hbm>>
        %dma_wait3A_881 = tpu.memref_squeeze %dma_wait3A_880 : memref<1x1x1x2048xf32, #tpu.memory_space<hbm>> -> memref<2048xf32, #tpu.memory_space<hbm>>
        %dma_wait3A_882 = tpu.memref_slice %arg9[%dma_wait3A_875] : memref<2x!tpu.dma_semaphore, #tpu.memory_space<semaphore_mem>> -> memref<1x!tpu.dma_semaphore, #tpu.memory_space<semaphore_mem>>
        %dma_wait3A_883 = tpu.memref_squeeze %dma_wait3A_882 : memref<1x!tpu.dma_semaphore, #tpu.memory_space<semaphore_mem>> -> memref<!tpu.dma_semaphore, #tpu.memory_space<semaphore_mem>>
        %dma_wait3A_884 = arith.constant 0 : i32
        %dma_wait3A_885 = tpu.memref_slice %arg7[%dma_wait3A_874, %dma_wait3A_884] : memref<2x16384xf32, #tpu.memory_space<vmem>> -> memref<1x2048xf32, #tpu.memory_space<vmem>>
        %dma_wait3A_886 = tpu.memref_squeeze %dma_wait3A_885 : memref<1x2048xf32, #tpu.memory_space<vmem>> -> memref<2048xf32, #tpu.memory_space<vmem>>
        %dma_wait3A_887 = arith.constant 0 : i32
        %dma_wait3A_888 = tpu.memref_slice %arg4[%dma_wait3A_871, %dma_wait3A_872, %dma_wait3A_873, %dma_wait3A_887] : memref<200x8x16x2048xf32, #tpu.memory_space<hbm>> -> memref<1x1x1x2048xf32, #tpu.memory_space<hbm>>
        %dma_wait3A_889 = tpu.memref_squeeze %dma_wait3A_888 : memref<1x1x1x2048xf32, #tpu.memory_space<hbm>> -> memref<2048xf32, #tpu.memory_space<hbm>>
        tpu.wait_dma2 semaphore(%dma_wait3A_883 : memref<!tpu.dma_semaphore, #tpu.memory_space<semaphore_mem>>) src(%dma_wait3A_889 : memref<2048xf32, #tpu.memory_space<hbm>>) dst(%dma_wait3A_886 : memref<2048xf32, #tpu.memory_space<vmem>>)
        %dma_wait3A_890 = arith.constant 0 : i32
        %dma_wait3A_891 = arith.constant 0 : i32
        %dma_wait3A_892 = arith.constant 0 : i32
        %dma_wait3A_893 = arith.constant 0 : i32
        %dma_wait3A_894 = arith.constant 0 : i32
        %dma_wait3A_895 = arith.constant 2048 : i32
        %dma_wait3A_896 = tpu.memref_slice %arg7[%dma_wait3A_893, %dma_wait3A_895] : memref<2x16384xf32, #tpu.memory_space<vmem>> -> memref<1x2048xf32, #tpu.memory_space<vmem>>
        %dma_wait3A_897 = tpu.memref_squeeze %dma_wait3A_896 : memref<1x2048xf32, #tpu.memory_space<vmem>> -> memref<2048xf32, #tpu.memory_space<vmem>>
        %dma_wait3A_898 = arith.constant 0 : i32
        %dma_wait3A_899 = tpu.memref_slice %arg4[%dma_wait3A_890, %dma_wait3A_891, %dma_wait3A_892, %dma_wait3A_898] : memref<200x8x16x2048xf32, #tpu.memory_space<hbm>> -> memref<1x1x1x2048xf32, #tpu.memory_space<hbm>>
        %dma_wait3A_900 = tpu.memref_squeeze %dma_wait3A_899 : memref<1x1x1x2048xf32, #tpu.memory_space<hbm>> -> memref<2048xf32, #tpu.memory_space<hbm>>
        %dma_wait3A_901 = tpu.memref_slice %arg9[%dma_wait3A_894] : memref<2x!tpu.dma_semaphore, #tpu.memory_space<semaphore_mem>> -> memref<1x!tpu.dma_semaphore, #tpu.memory_space<semaphore_mem>>
        %dma_wait3A_902 = tpu.memref_squeeze %dma_wait3A_901 : memref<1x!tpu.dma_semaphore, #tpu.memory_space<semaphore_mem>> -> memref<!tpu.dma_semaphore, #tpu.memory_space<semaphore_mem>>
        %dma_wait3A_903 = arith.constant 2048 : i32
        %dma_wait3A_904 = tpu.memref_slice %arg7[%dma_wait3A_893, %dma_wait3A_903] : memref<2x16384xf32, #tpu.memory_space<vmem>> -> memref<1x2048xf32, #tpu.memory_space<vmem>>
        %dma_wait3A_905 = tpu.memref_squeeze %dma_wait3A_904 : memref<1x2048xf32, #tpu.memory_space<vmem>> -> memref<2048xf32, #tpu.memory_space<vmem>>
        %dma_wait3A_906 = arith.constant 0 : i32
        %dma_wait3A_907 = tpu.memref_slice %arg4[%dma_wait3A_890, %dma_wait3A_891, %dma_wait3A_892, %dma_wait3A_906] : memref<200x8x16x2048xf32, #tpu.memory_space<hbm>> -> memref<1x1x1x2048xf32, #tpu.memory_space<hbm>>
        %dma_wait3A_908 = tpu.memref_squeeze %dma_wait3A_907 : memref<1x1x1x2048xf32, #tpu.memory_space<hbm>> -> memref<2048xf32, #tpu.memory_space<hbm>>
        tpu.wait_dma2 semaphore(%dma_wait3A_902 : memref<!tpu.dma_semaphore, #tpu.memory_space<semaphore_mem>>) src(%dma_wait3A_908 : memref<2048xf32, #tpu.memory_space<hbm>>) dst(%dma_wait3A_905 : memref<2048xf32, #tpu.memory_space<vmem>>)
        %dma_wait3A_909 = arith.constant 0 : i32
        %dma_wait3A_910 = arith.constant 0 : i32
        %dma_wait3A_911 = arith.constant 0 : i32
        %dma_wait3A_912 = arith.constant 0 : i32
        %dma_wait3A_913 = arith.constant 0 : i32
        %dma_wait3A_914 = arith.constant 4096 : i32
        %dma_wait3A_915 = tpu.memref_slice %arg7[%dma_wait3A_912, %dma_wait3A_914] : memref<2x16384xf32, #tpu.memory_space<vmem>> -> memref<1x2048xf32, #tpu.memory_space<vmem>>
        %dma_wait3A_916 = tpu.memref_squeeze %dma_wait3A_915 : memref<1x2048xf32, #tpu.memory_space<vmem>> -> memref<2048xf32, #tpu.memory_space<vmem>>
        %dma_wait3A_917 = arith.constant 0 : i32
        %dma_wait3A_918 = tpu.memref_slice %arg4[%dma_wait3A_909, %dma_wait3A_910, %dma_wait3A_911, %dma_wait3A_917] : memref<200x8x16x2048xf32, #tpu.memory_space<hbm>> -> memref<1x1x1x2048xf32, #tpu.memory_space<hbm>>
        %dma_wait3A_919 = tpu.memref_squeeze %dma_wait3A_918 : memref<1x1x1x2048xf32, #tpu.memory_space<hbm>> -> memref<2048xf32, #tpu.memory_space<hbm>>
        %dma_wait3A_920 = tpu.memref_slice %arg9[%dma_wait3A_913] : memref<2x!tpu.dma_semaphore, #tpu.memory_space<semaphore_mem>> -> memref<1x!tpu.dma_semaphore, #tpu.memory_space<semaphore_mem>>
        %dma_wait3A_921 = tpu.memref_squeeze %dma_wait3A_920 : memref<1x!tpu.dma_semaphore, #tpu.memory_space<semaphore_mem>> -> memref<!tpu.dma_semaphore, #tpu.memory_space<semaphore_mem>>
        %dma_wait3A_922 = arith.constant 4096 : i32
        %dma_wait3A_923 = tpu.memref_slice %arg7[%dma_wait3A_912, %dma_wait3A_922] : memref<2x16384xf32, #tpu.memory_space<vmem>> -> memref<1x2048xf32, #tpu.memory_space<vmem>>
        %dma_wait3A_924 = tpu.memref_squeeze %dma_wait3A_923 : memref<1x2048xf32, #tpu.memory_space<vmem>> -> memref<2048xf32, #tpu.memory_space<vmem>>
        %dma_wait3A_925 = arith.constant 0 : i32
        %dma_wait3A_926 = tpu.memref_slice %arg4[%dma_wait3A_909, %dma_wait3A_910, %dma_wait3A_911, %dma_wait3A_925] : memref<200x8x16x2048xf32, #tpu.memory_space<hbm>> -> memref<1x1x1x2048xf32, #tpu.memory_space<hbm>>
        %dma_wait3A_927 = tpu.memref_squeeze %dma_wait3A_926 : memref<1x1x1x2048xf32, #tpu.memory_space<hbm>> -> memref<2048xf32, #tpu.memory_space<hbm>>
        tpu.wait_dma2 semaphore(%dma_wait3A_921 : memref<!tpu.dma_semaphore, #tpu.memory_space<semaphore_mem>>) src(%dma_wait3A_927 : memref<2048xf32, #tpu.memory_space<hbm>>) dst(%dma_wait3A_924 : memref<2048xf32, #tpu.memory_space<vmem>>)
        %dma_wait3A_928 = arith.constant 0 : i32
        %dma_wait3A_929 = arith.constant 0 : i32
        %dma_wait3A_930 = arith.constant 0 : i32
        %dma_wait3A_931 = arith.constant 0 : i32
        %dma_wait3A_932 = arith.constant 0 : i32
        %dma_wait3A_933 = arith.constant 6144 : i32
        %dma_wait3A_934 = tpu.memref_slice %arg7[%dma_wait3A_931, %dma_wait3A_933] : memref<2x16384xf32, #tpu.memory_space<vmem>> -> memref<1x2048xf32, #tpu.memory_space<vmem>>
        %dma_wait3A_935 = tpu.memref_squeeze %dma_wait3A_934 : memref<1x2048xf32, #tpu.memory_space<vmem>> -> memref<2048xf32, #tpu.memory_space<vmem>>
        %dma_wait3A_936 = arith.constant 0 : i32
        %dma_wait3A_937 = tpu.memref_slice %arg4[%dma_wait3A_928, %dma_wait3A_929, %dma_wait3A_930, %dma_wait3A_936] : memref<200x8x16x2048xf32, #tpu.memory_space<hbm>> -> memref<1x1x1x2048xf32, #tpu.memory_space<hbm>>
        %dma_wait3A_938 = tpu.memref_squeeze %dma_wait3A_937 : memref<1x1x1x2048xf32, #tpu.memory_space<hbm>> -> memref<2048xf32, #tpu.memory_space<hbm>>
        %dma_wait3A_939 = tpu.memref_slice %arg9[%dma_wait3A_932] : memref<2x!tpu.dma_semaphore, #tpu.memory_space<semaphore_mem>> -> memref<1x!tpu.dma_semaphore, #tpu.memory_space<semaphore_mem>>
        %dma_wait3A_940 = tpu.memref_squeeze %dma_wait3A_939 : memref<1x!tpu.dma_semaphore, #tpu.memory_space<semaphore_mem>> -> memref<!tpu.dma_semaphore, #tpu.memory_space<semaphore_mem>>
        %dma_wait3A_941 = arith.constant 6144 : i32
        %dma_wait3A_942 = tpu.memref_slice %arg7[%dma_wait3A_931, %dma_wait3A_941] : memref<2x16384xf32, #tpu.memory_space<vmem>> -> memref<1x2048xf32, #tpu.memory_space<vmem>>
        %dma_wait3A_943 = tpu.memref_squeeze %dma_wait3A_942 : memref<1x2048xf32, #tpu.memory_space<vmem>> -> memref<2048xf32, #tpu.memory_space<vmem>>
        %dma_wait3A_944 = arith.constant 0 : i32
        %dma_wait3A_945 = tpu.memref_slice %arg4[%dma_wait3A_928, %dma_wait3A_929, %dma_wait3A_930, %dma_wait3A_944] : memref<200x8x16x2048xf32, #tpu.memory_space<hbm>> -> memref<1x1x1x2048xf32, #tpu.memory_space<hbm>>
        %dma_wait3A_946 = tpu.memref_squeeze %dma_wait3A_945 : memref<1x1x1x2048xf32, #tpu.memory_space<hbm>> -> memref<2048xf32, #tpu.memory_space<hbm>>
        tpu.wait_dma2 semaphore(%dma_wait3A_940 : memref<!tpu.dma_semaphore, #tpu.memory_space<semaphore_mem>>) src(%dma_wait3A_946 : memref<2048xf32, #tpu.memory_space<hbm>>) dst(%dma_wait3A_943 : memref<2048xf32, #tpu.memory_space<vmem>>)
        %dma_wait3A_947 = arith.constant 0 : i32
        %dma_wait3A_948 = arith.constant 0 : i32
        %dma_wait3A_949 = arith.constant 0 : i32
        %dma_wait3A_950 = arith.constant 0 : i32
        %dma_wait3A_951 = arith.constant 0 : i32
        %dma_wait3A_952 = arith.constant 8192 : i32
        %dma_wait3A_953 = tpu.memref_slice %arg7[%dma_wait3A_950, %dma_wait3A_952] : memref<2x16384xf32, #tpu.memory_space<vmem>> -> memref<1x2048xf32, #tpu.memory_space<vmem>>
        %dma_wait3A_954 = tpu.memref_squeeze %dma_wait3A_953 : memref<1x2048xf32, #tpu.memory_space<vmem>> -> memref<2048xf32, #tpu.memory_space<vmem>>
        %dma_wait3A_955 = arith.constant 0 : i32
        %dma_wait3A_956 = tpu.memref_slice %arg4[%dma_wait3A_947, %dma_wait3A_948, %dma_wait3A_949, %dma_wait3A_955] : memref<200x8x16x2048xf32, #tpu.memory_space<hbm>> -> memref<1x1x1x2048xf32, #tpu.memory_space<hbm>>
        %dma_wait3A_957 = tpu.memref_squeeze %dma_wait3A_956 : memref<1x1x1x2048xf32, #tpu.memory_space<hbm>> -> memref<2048xf32, #tpu.memory_space<hbm>>
        %dma_wait3A_958 = tpu.memref_slice %arg9[%dma_wait3A_951] : memref<2x!tpu.dma_semaphore, #tpu.memory_space<semaphore_mem>> -> memref<1x!tpu.dma_semaphore, #tpu.memory_space<semaphore_mem>>
        %dma_wait3A_959 = tpu.memref_squeeze %dma_wait3A_958 : memref<1x!tpu.dma_semaphore, #tpu.memory_space<semaphore_mem>> -> memref<!tpu.dma_semaphore, #tpu.memory_space<semaphore_mem>>
        %dma_wait3A_960 = arith.constant 8192 : i32
        %dma_wait3A_961 = tpu.memref_slice %arg7[%dma_wait3A_950, %dma_wait3A_960] : memref<2x16384xf32, #tpu.memory_space<vmem>> -> memref<1x2048xf32, #tpu.memory_space<vmem>>
        %dma_wait3A_962 = tpu.memref_squeeze %dma_wait3A_961 : memref<1x2048xf32, #tpu.memory_space<vmem>> -> memref<2048xf32, #tpu.memory_space<vmem>>
        %dma_wait3A_963 = arith.constant 0 : i32
        %dma_wait3A_964 = tpu.memref_slice %arg4[%dma_wait3A_947, %dma_wait3A_948, %dma_wait3A_949, %dma_wait3A_963] : memref<200x8x16x2048xf32, #tpu.memory_space<hbm>> -> memref<1x1x1x2048xf32, #tpu.memory_space<hbm>>
        %dma_wait3A_965 = tpu.memref_squeeze %dma_wait3A_964 : memref<1x1x1x2048xf32, #tpu.memory_space<hbm>> -> memref<2048xf32, #tpu.memory_space<hbm>>
        tpu.wait_dma2 semaphore(%dma_wait3A_959 : memref<!tpu.dma_semaphore, #tpu.memory_space<semaphore_mem>>) src(%dma_wait3A_965 : memref<2048xf32, #tpu.memory_space<hbm>>) dst(%dma_wait3A_962 : memref<2048xf32, #tpu.memory_space<vmem>>)
        %dma_wait3A_966 = arith.constant 0 : i32
        %dma_wait3A_967 = arith.constant 0 : i32
        %dma_wait3A_968 = arith.constant 0 : i32
        %dma_wait3A_969 = arith.constant 0 : i32
        %dma_wait3A_970 = arith.constant 0 : i32
        %dma_wait3A_971 = arith.constant 10240 : i32
        %dma_wait3A_972 = tpu.memref_slice %arg7[%dma_wait3A_969, %dma_wait3A_971] : memref<2x16384xf32, #tpu.memory_space<vmem>> -> memref<1x2048xf32, #tpu.memory_space<vmem>>
        %dma_wait3A_973 = tpu.memref_squeeze %dma_wait3A_972 : memref<1x2048xf32, #tpu.memory_space<vmem>> -> memref<2048xf32, #tpu.memory_space<vmem>>
        %dma_wait3A_974 = arith.constant 0 : i32
        %dma_wait3A_975 = tpu.memref_slice %arg4[%dma_wait3A_966, %dma_wait3A_967, %dma_wait3A_968, %dma_wait3A_974] : memref<200x8x16x2048xf32, #tpu.memory_space<hbm>> -> memref<1x1x1x2048xf32, #tpu.memory_space<hbm>>
        %dma_wait3A_976 = tpu.memref_squeeze %dma_wait3A_975 : memref<1x1x1x2048xf32, #tpu.memory_space<hbm>> -> memref<2048xf32, #tpu.memory_space<hbm>>
        %dma_wait3A_977 = tpu.memref_slice %arg9[%dma_wait3A_970] : memref<2x!tpu.dma_semaphore, #tpu.memory_space<semaphore_mem>> -> memref<1x!tpu.dma_semaphore, #tpu.memory_space<semaphore_mem>>
        %dma_wait3A_978 = tpu.memref_squeeze %dma_wait3A_977 : memref<1x!tpu.dma_semaphore, #tpu.memory_space<semaphore_mem>> -> memref<!tpu.dma_semaphore, #tpu.memory_space<semaphore_mem>>
        %dma_wait3A_979 = arith.constant 10240 : i32
        %dma_wait3A_980 = tpu.memref_slice %arg7[%dma_wait3A_969, %dma_wait3A_979] : memref<2x16384xf32, #tpu.memory_space<vmem>> -> memref<1x2048xf32, #tpu.memory_space<vmem>>
        %dma_wait3A_981 = tpu.memref_squeeze %dma_wait3A_980 : memref<1x2048xf32, #tpu.memory_space<vmem>> -> memref<2048xf32, #tpu.memory_space<vmem>>
        %dma_wait3A_982 = arith.constant 0 : i32
        %dma_wait3A_983 = tpu.memref_slice %arg4[%dma_wait3A_966, %dma_wait3A_967, %dma_wait3A_968, %dma_wait3A_982] : memref<200x8x16x2048xf32, #tpu.memory_space<hbm>> -> memref<1x1x1x2048xf32, #tpu.memory_space<hbm>>
        %dma_wait3A_984 = tpu.memref_squeeze %dma_wait3A_983 : memref<1x1x1x2048xf32, #tpu.memory_space<hbm>> -> memref<2048xf32, #tpu.memory_space<hbm>>
        tpu.wait_dma2 semaphore(%dma_wait3A_978 : memref<!tpu.dma_semaphore, #tpu.memory_space<semaphore_mem>>) src(%dma_wait3A_984 : memref<2048xf32, #tpu.memory_space<hbm>>) dst(%dma_wait3A_981 : memref<2048xf32, #tpu.memory_space<vmem>>)
        %dma_wait3A_985 = arith.constant 0 : i32
        %dma_wait3A_986 = arith.constant 0 : i32
        %dma_wait3A_987 = arith.constant 0 : i32
        %dma_wait3A_988 = arith.constant 0 : i32
        %dma_wait3A_989 = arith.constant 0 : i32
        %dma_wait3A_990 = arith.constant 12288 : i32
        %dma_wait3A_991 = tpu.memref_slice %arg7[%dma_wait3A_988, %dma_wait3A_990] : memref<2x16384xf32, #tpu.memory_space<vmem>> -> memref<1x2048xf32, #tpu.memory_space<vmem>>
        %dma_wait3A_992 = tpu.memref_squeeze %dma_wait3A_991 : memref<1x2048xf32, #tpu.memory_space<vmem>> -> memref<2048xf32, #tpu.memory_space<vmem>>
        %dma_wait3A_993 = arith.constant 0 : i32
        %dma_wait3A_994 = tpu.memref_slice %arg4[%dma_wait3A_985, %dma_wait3A_986, %dma_wait3A_987, %dma_wait3A_993] : memref<200x8x16x2048xf32, #tpu.memory_space<hbm>> -> memref<1x1x1x2048xf32, #tpu.memory_space<hbm>>
        %dma_wait3A_995 = tpu.memref_squeeze %dma_wait3A_994 : memref<1x1x1x2048xf32, #tpu.memory_space<hbm>> -> memref<2048xf32, #tpu.memory_space<hbm>>
        %dma_wait3A_996 = tpu.memref_slice %arg9[%dma_wait3A_989] : memref<2x!tpu.dma_semaphore, #tpu.memory_space<semaphore_mem>> -> memref<1x!tpu.dma_semaphore, #tpu.memory_space<semaphore_mem>>
        %dma_wait3A_997 = tpu.memref_squeeze %dma_wait3A_996 : memref<1x!tpu.dma_semaphore, #tpu.memory_space<semaphore_mem>> -> memref<!tpu.dma_semaphore, #tpu.memory_space<semaphore_mem>>
        %dma_wait3A_998 = arith.constant 12288 : i32
        %dma_wait3A_999 = tpu.memref_slice %arg7[%dma_wait3A_988, %dma_wait3A_998] : memref<2x16384xf32, #tpu.memory_space<vmem>> -> memref<1x2048xf32, #tpu.memory_space<vmem>>
        %dma_wait3A_1000 = tpu.memref_squeeze %dma_wait3A_999 : memref<1x2048xf32, #tpu.memory_space<vmem>> -> memref<2048xf32, #tpu.memory_space<vmem>>
        %dma_wait3A_1001 = arith.constant 0 : i32
        %dma_wait3A_1002 = tpu.memref_slice %arg4[%dma_wait3A_985, %dma_wait3A_986, %dma_wait3A_987, %dma_wait3A_1001] : memref<200x8x16x2048xf32, #tpu.memory_space<hbm>> -> memref<1x1x1x2048xf32, #tpu.memory_space<hbm>>
        %dma_wait3A_1003 = tpu.memref_squeeze %dma_wait3A_1002 : memref<1x1x1x2048xf32, #tpu.memory_space<hbm>> -> memref<2048xf32, #tpu.memory_space<hbm>>
        tpu.wait_dma2 semaphore(%dma_wait3A_997 : memref<!tpu.dma_semaphore, #tpu.memory_space<semaphore_mem>>) src(%dma_wait3A_1003 : memref<2048xf32, #tpu.memory_space<hbm>>) dst(%dma_wait3A_1000 : memref<2048xf32, #tpu.memory_space<vmem>>)
        %dma_wait3A_1004 = arith.constant 0 : i32
        %dma_wait3A_1005 = arith.constant 0 : i32
        %dma_wait3A_1006 = arith.constant 0 : i32
        %dma_wait3A_1007 = arith.constant 0 : i32
        %dma_wait3A_1008 = arith.constant 0 : i32
        %dma_wait3A_1009 = arith.constant 14336 : i32
        %dma_wait3A_1010 = tpu.memref_slice %arg7[%dma_wait3A_1007, %dma_wait3A_1009] : memref<2x16384xf32, #tpu.memory_space<vmem>> -> memref<1x2048xf32, #tpu.memory_space<vmem>>
        %dma_wait3A_1011 = tpu.memref_squeeze %dma_wait3A_1010 : memref<1x2048xf32, #tpu.memory_space<vmem>> -> memref<2048xf32, #tpu.memory_space<vmem>>
        %dma_wait3A_1012 = arith.constant 0 : i32
        %dma_wait3A_1013 = tpu.memref_slice %arg4[%dma_wait3A_1004, %dma_wait3A_1005, %dma_wait3A_1006, %dma_wait3A_1012] : memref<200x8x16x2048xf32, #tpu.memory_space<hbm>> -> memref<1x1x1x2048xf32, #tpu.memory_space<hbm>>
        %dma_wait3A_1014 = tpu.memref_squeeze %dma_wait3A_1013 : memref<1x1x1x2048xf32, #tpu.memory_space<hbm>> -> memref<2048xf32, #tpu.memory_space<hbm>>
        %dma_wait3A_1015 = tpu.memref_slice %arg9[%dma_wait3A_1008] : memref<2x!tpu.dma_semaphore, #tpu.memory_space<semaphore_mem>> -> memref<1x!tpu.dma_semaphore, #tpu.memory_space<semaphore_mem>>
        %dma_wait3A_1016 = tpu.memref_squeeze %dma_wait3A_1015 : memref<1x!tpu.dma_semaphore, #tpu.memory_space<semaphore_mem>> -> memref<!tpu.dma_semaphore, #tpu.memory_space<semaphore_mem>>
        %dma_wait3A_1017 = arith.constant 14336 : i32
        %dma_wait3A_1018 = tpu.memref_slice %arg7[%dma_wait3A_1007, %dma_wait3A_1017] : memref<2x16384xf32, #tpu.memory_space<vmem>> -> memref<1x2048xf32, #tpu.memory_space<vmem>>
        %dma_wait3A_1019 = tpu.memref_squeeze %dma_wait3A_1018 : memref<1x2048xf32, #tpu.memory_space<vmem>> -> memref<2048xf32, #tpu.memory_space<vmem>>
        %dma_wait3A_1020 = arith.constant 0 : i32
        %dma_wait3A_1021 = tpu.memref_slice %arg4[%dma_wait3A_1004, %dma_wait3A_1005, %dma_wait3A_1006, %dma_wait3A_1020] : memref<200x8x16x2048xf32, #tpu.memory_space<hbm>> -> memref<1x1x1x2048xf32, #tpu.memory_space<hbm>>
        %dma_wait3A_1022 = tpu.memref_squeeze %dma_wait3A_1021 : memref<1x1x1x2048xf32, #tpu.memory_space<hbm>> -> memref<2048xf32, #tpu.memory_space<hbm>>
        tpu.wait_dma2 semaphore(%dma_wait3A_1016 : memref<!tpu.dma_semaphore, #tpu.memory_space<semaphore_mem>>) src(%dma_wait3A_1022 : memref<2048xf32, #tpu.memory_space<hbm>>) dst(%dma_wait3A_1019 : memref<2048xf32, #tpu.memory_space<vmem>>)
      } else {
      }
      %parallel_loop3A = arith.constant 0 : i32
      %parallel_loop3A_539 = arith.constant 128 : i32
      %parallel_loop3A_540 = arith.constant 1 : i32
      scf.for %parallel_loop3A_871 = %parallel_loop3A to %parallel_loop3A_539 step %parallel_loop3A_540  : i32 {
        %parallel_loop3A_872 = vector.broadcast %parallel_loop3A_871 : i32 to vector<16xi32>
        %parallel_loop3A_873 = arith.addi %parallel_loop3A_872, %iota3A : vector<16xi32>
        %parallel_loop3A_874 = arith.constant 127 : i32
        %parallel_loop3A_875 = vector.broadcast %parallel_loop3A_874 : i32 to vector<16xi32>
        %parallel_loop3A_876 = arith.andi %parallel_loop3A_873, %parallel_loop3A_875 : vector<16xi32>
        %parallel_loop3A_877 = arith.constant 0 : i32
        %parallel_loop3A_878 = vector.broadcast %parallel_loop3A_877 : i32 to vector<16xi32>
        %parallel_loop3A_879 = arith.addi %parallel_loop3A_876, %parallel_loop3A_878 : vector<16xi32>
        %parallel_loop3A_880 = arith.constant 0 : i32
        %parallel_loop3A_881 = arith.constant 0 : i32
        %parallel_loop3A_882 = arith.constant 0 : i32
        %parallel_loop3A_883 = tpu.memref_slice %arg6[%parallel_loop3A_880, %parallel_loop3A_881, %parallel_loop3A_882] : memref<2x256x64xf32, #tpu.memory_space<vmem>> -> memref<1x256x64xf32, #tpu.memory_space<vmem>>
        %parallel_loop3A_884 = tpu.memref_squeeze %parallel_loop3A_883 : memref<1x256x64xf32, #tpu.memory_space<vmem>> -> memref<256x64xf32, #tpu.memory_space<vmem>>
        %parallel_loop3A_885 = tpu.vector_load_idx %parallel_loop3A_884[%parallel_loop3A_879, %add3A_5] : memref<256x64xf32, #tpu.memory_space<vmem>>[vector<16xi32>, vector<16xi32>], vector<16xf32>,
        %parallel_loop3A_886 = arith.addi %add3A_28, %parallel_loop3A_876 : vector<16xi32>
        %parallel_loop3A_887 = arith.constant 8.000000e+00 : f32
        %parallel_loop3A_888 = vector.broadcast %parallel_loop3A_887 : f32 to vector<16xf32>
        %parallel_loop3A_889 = arith.mulf %parallel_loop3A_885, %parallel_loop3A_888 : vector<16xf32>
        %parallel_loop3A_890 = arith.constant 0 : i32
        %parallel_loop3A_891 = arith.constant 0 : i32
        %parallel_loop3A_892 = tpu.memref_slice %arg7[%parallel_loop3A_890, %parallel_loop3A_891] : memref<2x16384xf32, #tpu.memory_space<vmem>> -> memref<1x16384xf32, #tpu.memory_space<vmem>>
        %parallel_loop3A_893 = tpu.memref_squeeze %parallel_loop3A_892 : memref<1x16384xf32, #tpu.memory_space<vmem>> -> memref<16384xf32, #tpu.memory_space<vmem>>
        tpu.vector_store_idx %parallel_loop3A_893[%parallel_loop3A_886], %parallel_loop3A_889 : memref<16384xf32, #tpu.memory_space<vmem>>[vector<16xi32>], vector<16xf32>,
        %parallel_loop3A_894 = arith.constant 0 : i32
        %parallel_loop3A_895 = arith.constant 0 : i32
        %parallel_loop3A_896 = arith.constant 0 : i32
        %parallel_loop3A_897 = tpu.memref_slice %arg6[%parallel_loop3A_894, %parallel_loop3A_895, %parallel_loop3A_896] : memref<2x256x64xf32, #tpu.memory_space<vmem>> -> memref<1x256x64xf32, #tpu.memory_space<vmem>>
        %parallel_loop3A_898 = tpu.memref_squeeze %parallel_loop3A_897 : memref<1x256x64xf32, #tpu.memory_space<vmem>> -> memref<256x64xf32, #tpu.memory_space<vmem>>
        %parallel_loop3A_899 = tpu.vector_load_idx %parallel_loop3A_898[%parallel_loop3A_879, %add3A_8] : memref<256x64xf32, #tpu.memory_space<vmem>>[vector<16xi32>, vector<16xi32>], vector<16xf32>,
        %parallel_loop3A_900 = arith.addi %add3A_44, %parallel_loop3A_876 : vector<16xi32>
        %parallel_loop3A_901 = arith.constant 8.000000e+00 : f32
        %parallel_loop3A_902 = vector.broadcast %parallel_loop3A_901 : f32 to vector<16xf32>
        %parallel_loop3A_903 = arith.mulf %parallel_loop3A_899, %parallel_loop3A_902 : vector<16xf32>
        %parallel_loop3A_904 = arith.constant 0 : i32
        %parallel_loop3A_905 = arith.constant 0 : i32
        %parallel_loop3A_906 = tpu.memref_slice %arg7[%parallel_loop3A_904, %parallel_loop3A_905] : memref<2x16384xf32, #tpu.memory_space<vmem>> -> memref<1x16384xf32, #tpu.memory_space<vmem>>
        %parallel_loop3A_907 = tpu.memref_squeeze %parallel_loop3A_906 : memref<1x16384xf32, #tpu.memory_space<vmem>> -> memref<16384xf32, #tpu.memory_space<vmem>>
        tpu.vector_store_idx %parallel_loop3A_907[%parallel_loop3A_900], %parallel_loop3A_903 : memref<16384xf32, #tpu.memory_space<vmem>>[vector<16xi32>], vector<16xf32>,
        %parallel_loop3A_908 = arith.constant 0 : i32
        %parallel_loop3A_909 = arith.constant 0 : i32
        %parallel_loop3A_910 = arith.constant 0 : i32
        %parallel_loop3A_911 = tpu.memref_slice %arg6[%parallel_loop3A_908, %parallel_loop3A_909, %parallel_loop3A_910] : memref<2x256x64xf32, #tpu.memory_space<vmem>> -> memref<1x256x64xf32, #tpu.memory_space<vmem>>
        %parallel_loop3A_912 = tpu.memref_squeeze %parallel_loop3A_911 : memref<1x256x64xf32, #tpu.memory_space<vmem>> -> memref<256x64xf32, #tpu.memory_space<vmem>>
        %parallel_loop3A_913 = tpu.vector_load_idx %parallel_loop3A_912[%parallel_loop3A_879, %add3A_11] : memref<256x64xf32, #tpu.memory_space<vmem>>[vector<16xi32>, vector<16xi32>], vector<16xf32>,
        %parallel_loop3A_914 = arith.addi %add3A_60, %parallel_loop3A_876 : vector<16xi32>
        %parallel_loop3A_915 = arith.constant 8.000000e+00 : f32
        %parallel_loop3A_916 = vector.broadcast %parallel_loop3A_915 : f32 to vector<16xf32>
        %parallel_loop3A_917 = arith.mulf %parallel_loop3A_913, %parallel_loop3A_916 : vector<16xf32>
        %parallel_loop3A_918 = arith.constant 0 : i32
        %parallel_loop3A_919 = arith.constant 0 : i32
        %parallel_loop3A_920 = tpu.memref_slice %arg7[%parallel_loop3A_918, %parallel_loop3A_919] : memref<2x16384xf32, #tpu.memory_space<vmem>> -> memref<1x16384xf32, #tpu.memory_space<vmem>>
        %parallel_loop3A_921 = tpu.memref_squeeze %parallel_loop3A_920 : memref<1x16384xf32, #tpu.memory_space<vmem>> -> memref<16384xf32, #tpu.memory_space<vmem>>
        tpu.vector_store_idx %parallel_loop3A_921[%parallel_loop3A_914], %parallel_loop3A_917 : memref<16384xf32, #tpu.memory_space<vmem>>[vector<16xi32>], vector<16xf32>,
        %parallel_loop3A_922 = arith.constant 0 : i32
        %parallel_loop3A_923 = arith.constant 0 : i32
        %parallel_loop3A_924 = arith.constant 0 : i32
        %parallel_loop3A_925 = tpu.memref_slice %arg6[%parallel_loop3A_922, %parallel_loop3A_923, %parallel_loop3A_924] : memref<2x256x64xf32, #tpu.memory_space<vmem>> -> memref<1x256x64xf32, #tpu.memory_space<vmem>>
        %parallel_loop3A_926 = tpu.memref_squeeze %parallel_loop3A_925 : memref<1x256x64xf32, #tpu.memory_space<vmem>> -> memref<256x64xf32, #tpu.memory_space<vmem>>
        %parallel_loop3A_927 = tpu.vector_load_idx %parallel_loop3A_926[%parallel_loop3A_879, %add3A_14] : memref<256x64xf32, #tpu.memory_space<vmem>>[vector<16xi32>, vector<16xi32>], vector<16xf32>,
        %parallel_loop3A_928 = arith.addi %add3A_76, %parallel_loop3A_876 : vector<16xi32>
        %parallel_loop3A_929 = arith.constant 8.000000e+00 : f32
        %parallel_loop3A_930 = vector.broadcast %parallel_loop3A_929 : f32 to vector<16xf32>
        %parallel_loop3A_931 = arith.mulf %parallel_loop3A_927, %parallel_loop3A_930 : vector<16xf32>
        %parallel_loop3A_932 = arith.constant 0 : i32
        %parallel_loop3A_933 = arith.constant 0 : i32
        %parallel_loop3A_934 = tpu.memref_slice %arg7[%parallel_loop3A_932, %parallel_loop3A_933] : memref<2x16384xf32, #tpu.memory_space<vmem>> -> memref<1x16384xf32, #tpu.memory_space<vmem>>
        %parallel_loop3A_935 = tpu.memref_squeeze %parallel_loop3A_934 : memref<1x16384xf32, #tpu.memory_space<vmem>> -> memref<16384xf32, #tpu.memory_space<vmem>>
        tpu.vector_store_idx %parallel_loop3A_935[%parallel_loop3A_928], %parallel_loop3A_931 : memref<16384xf32, #tpu.memory_space<vmem>>[vector<16xi32>], vector<16xf32>,
      } {sc.loop_unroll_factor = 4 : i64, sc.parallel_access}
      %parallel_loop3A_541 = arith.constant 0 : i32
      %parallel_loop3A_542 = arith.constant 128 : i32
      %parallel_loop3A_543 = arith.constant 1 : i32
      scf.for %parallel_loop3A_871 = %parallel_loop3A_541 to %parallel_loop3A_542 step %parallel_loop3A_543  : i32 {
        %parallel_loop3A_872 = vector.broadcast %parallel_loop3A_871 : i32 to vector<16xi32>
        %parallel_loop3A_873 = arith.addi %parallel_loop3A_872, %iota3A : vector<16xi32>
        %parallel_loop3A_874 = arith.constant 127 : i32
        %parallel_loop3A_875 = vector.broadcast %parallel_loop3A_874 : i32 to vector<16xi32>
        %parallel_loop3A_876 = arith.andi %parallel_loop3A_873, %parallel_loop3A_875 : vector<16xi32>
        %parallel_loop3A_877 = arith.constant 128 : i32
        %parallel_loop3A_878 = vector.broadcast %parallel_loop3A_877 : i32 to vector<16xi32>
        %parallel_loop3A_879 = arith.addi %parallel_loop3A_876, %parallel_loop3A_878 : vector<16xi32>
        %parallel_loop3A_880 = arith.constant 0 : i32
        %parallel_loop3A_881 = arith.constant 0 : i32
        %parallel_loop3A_882 = arith.constant 0 : i32
        %parallel_loop3A_883 = tpu.memref_slice %arg6[%parallel_loop3A_880, %parallel_loop3A_881, %parallel_loop3A_882] : memref<2x256x64xf32, #tpu.memory_space<vmem>> -> memref<1x256x64xf32, #tpu.memory_space<vmem>>
        %parallel_loop3A_884 = tpu.memref_squeeze %parallel_loop3A_883 : memref<1x256x64xf32, #tpu.memory_space<vmem>> -> memref<256x64xf32, #tpu.memory_space<vmem>>
        %parallel_loop3A_885 = tpu.vector_load_idx %parallel_loop3A_884[%parallel_loop3A_879, %add3A_5] : memref<256x64xf32, #tpu.memory_space<vmem>>[vector<16xi32>, vector<16xi32>], vector<16xf32>,
        %parallel_loop3A_886 = arith.addi %add3A_92, %parallel_loop3A_876 : vector<16xi32>
        %parallel_loop3A_887 = arith.constant 8.000000e+00 : f32
        %parallel_loop3A_888 = vector.broadcast %parallel_loop3A_887 : f32 to vector<16xf32>
        %parallel_loop3A_889 = arith.mulf %parallel_loop3A_885, %parallel_loop3A_888 : vector<16xf32>
        %parallel_loop3A_890 = arith.constant 0 : i32
        %parallel_loop3A_891 = arith.constant 0 : i32
        %parallel_loop3A_892 = tpu.memref_slice %arg7[%parallel_loop3A_890, %parallel_loop3A_891] : memref<2x16384xf32, #tpu.memory_space<vmem>> -> memref<1x16384xf32, #tpu.memory_space<vmem>>
        %parallel_loop3A_893 = tpu.memref_squeeze %parallel_loop3A_892 : memref<1x16384xf32, #tpu.memory_space<vmem>> -> memref<16384xf32, #tpu.memory_space<vmem>>
        tpu.vector_store_idx %parallel_loop3A_893[%parallel_loop3A_886], %parallel_loop3A_889 : memref<16384xf32, #tpu.memory_space<vmem>>[vector<16xi32>], vector<16xf32>,
        %parallel_loop3A_894 = arith.constant 0 : i32
        %parallel_loop3A_895 = arith.constant 0 : i32
        %parallel_loop3A_896 = arith.constant 0 : i32
        %parallel_loop3A_897 = tpu.memref_slice %arg6[%parallel_loop3A_894, %parallel_loop3A_895, %parallel_loop3A_896] : memref<2x256x64xf32, #tpu.memory_space<vmem>> -> memref<1x256x64xf32, #tpu.memory_space<vmem>>
        %parallel_loop3A_898 = tpu.memref_squeeze %parallel_loop3A_897 : memref<1x256x64xf32, #tpu.memory_space<vmem>> -> memref<256x64xf32, #tpu.memory_space<vmem>>
        %parallel_loop3A_899 = tpu.vector_load_idx %parallel_loop3A_898[%parallel_loop3A_879, %add3A_8] : memref<256x64xf32, #tpu.memory_space<vmem>>[vector<16xi32>, vector<16xi32>], vector<16xf32>,
        %parallel_loop3A_900 = arith.addi %add3A_108, %parallel_loop3A_876 : vector<16xi32>
        %parallel_loop3A_901 = arith.constant 8.000000e+00 : f32
        %parallel_loop3A_902 = vector.broadcast %parallel_loop3A_901 : f32 to vector<16xf32>
        %parallel_loop3A_903 = arith.mulf %parallel_loop3A_899, %parallel_loop3A_902 : vector<16xf32>
        %parallel_loop3A_904 = arith.constant 0 : i32
        %parallel_loop3A_905 = arith.constant 0 : i32
        %parallel_loop3A_906 = tpu.memref_slice %arg7[%parallel_loop3A_904, %parallel_loop3A_905] : memref<2x16384xf32, #tpu.memory_space<vmem>> -> memref<1x16384xf32, #tpu.memory_space<vmem>>
        %parallel_loop3A_907 = tpu.memref_squeeze %parallel_loop3A_906 : memref<1x16384xf32, #tpu.memory_space<vmem>> -> memref<16384xf32, #tpu.memory_space<vmem>>
        tpu.vector_store_idx %parallel_loop3A_907[%parallel_loop3A_900], %parallel_loop3A_903 : memref<16384xf32, #tpu.memory_space<vmem>>[vector<16xi32>], vector<16xf32>,
        %parallel_loop3A_908 = arith.constant 0 : i32
        %parallel_loop3A_909 = arith.constant 0 : i32
        %parallel_loop3A_910 = arith.constant 0 : i32
        %parallel_loop3A_911 = tpu.memref_slice %arg6[%parallel_loop3A_908, %parallel_loop3A_909, %parallel_loop3A_910] : memref<2x256x64xf32, #tpu.memory_space<vmem>> -> memref<1x256x64xf32, #tpu.memory_space<vmem>>
        %parallel_loop3A_912 = tpu.memref_squeeze %parallel_loop3A_911 : memref<1x256x64xf32, #tpu.memory_space<vmem>> -> memref<256x64xf32, #tpu.memory_space<vmem>>
        %parallel_loop3A_913 = tpu.vector_load_idx %parallel_loop3A_912[%parallel_loop3A_879, %add3A_11] : memref<256x64xf32, #tpu.memory_space<vmem>>[vector<16xi32>, vector<16xi32>], vector<16xf32>,
        %parallel_loop3A_914 = arith.addi %add3A_124, %parallel_loop3A_876 : vector<16xi32>
        %parallel_loop3A_915 = arith.constant 8.000000e+00 : f32
        %parallel_loop3A_916 = vector.broadcast %parallel_loop3A_915 : f32 to vector<16xf32>
        %parallel_loop3A_917 = arith.mulf %parallel_loop3A_913, %parallel_loop3A_916 : vector<16xf32>
        %parallel_loop3A_918 = arith.constant 0 : i32
        %parallel_loop3A_919 = arith.constant 0 : i32
        %parallel_loop3A_920 = tpu.memref_slice %arg7[%parallel_loop3A_918, %parallel_loop3A_919] : memref<2x16384xf32, #tpu.memory_space<vmem>> -> memref<1x16384xf32, #tpu.memory_space<vmem>>
        %parallel_loop3A_921 = tpu.memref_squeeze %parallel_loop3A_920 : memref<1x16384xf32, #tpu.memory_space<vmem>> -> memref<16384xf32, #tpu.memory_space<vmem>>
        tpu.vector_store_idx %parallel_loop3A_921[%parallel_loop3A_914], %parallel_loop3A_917 : memref<16384xf32, #tpu.memory_space<vmem>>[vector<16xi32>], vector<16xf32>,
        %parallel_loop3A_922 = arith.constant 0 : i32
        %parallel_loop3A_923 = arith.constant 0 : i32
        %parallel_loop3A_924 = arith.constant 0 : i32
        %parallel_loop3A_925 = tpu.memref_slice %arg6[%parallel_loop3A_922, %parallel_loop3A_923, %parallel_loop3A_924] : memref<2x256x64xf32, #tpu.memory_space<vmem>> -> memref<1x256x64xf32, #tpu.memory_space<vmem>>
        %parallel_loop3A_926 = tpu.memref_squeeze %parallel_loop3A_925 : memref<1x256x64xf32, #tpu.memory_space<vmem>> -> memref<256x64xf32, #tpu.memory_space<vmem>>
        %parallel_loop3A_927 = tpu.vector_load_idx %parallel_loop3A_926[%parallel_loop3A_879, %add3A_14] : memref<256x64xf32, #tpu.memory_space<vmem>>[vector<16xi32>, vector<16xi32>], vector<16xf32>,
        %parallel_loop3A_928 = arith.addi %add3A_140, %parallel_loop3A_876 : vector<16xi32>
        %parallel_loop3A_929 = arith.constant 8.000000e+00 : f32
        %parallel_loop3A_930 = vector.broadcast %parallel_loop3A_929 : f32 to vector<16xf32>
        %parallel_loop3A_931 = arith.mulf %parallel_loop3A_927, %parallel_loop3A_930 : vector<16xf32>
        %parallel_loop3A_932 = arith.constant 0 : i32
        %parallel_loop3A_933 = arith.constant 0 : i32
        %parallel_loop3A_934 = tpu.memref_slice %arg7[%parallel_loop3A_932, %parallel_loop3A_933] : memref<2x16384xf32, #tpu.memory_space<vmem>> -> memref<1x16384xf32, #tpu.memory_space<vmem>>
        %parallel_loop3A_935 = tpu.memref_squeeze %parallel_loop3A_934 : memref<1x16384xf32, #tpu.memory_space<vmem>> -> memref<16384xf32, #tpu.memory_space<vmem>>
        tpu.vector_store_idx %parallel_loop3A_935[%parallel_loop3A_928], %parallel_loop3A_931 : memref<16384xf32, #tpu.memory_space<vmem>>[vector<16xi32>], vector<16xf32>,
      } {sc.loop_unroll_factor = 4 : i64, sc.parallel_access}
      %div3A_544 = arith.constant 2 : i32
      %div3A_545 = arith.divsi %rem3A_518, %div3A_544 : i32
      %dma_start3A_546 = arith.constant 0 : i32
      %dma_start3A_547 = arith.constant 0 : i32
      %dma_start3A_548 = arith.constant 0 : i32
      %dma_start3A_549 = arith.constant 0 : i32
      %dma_start3A_550 = tpu.memref_slice %arg7[%dma_start3A_546, %dma_start3A_549] : memref<2x16384xf32, #tpu.memory_space<vmem>> -> memref<1x2048xf32, #tpu.memory_space<vmem>>
      %dma_start3A_551 = tpu.memref_squeeze %dma_start3A_550 : memref<1x2048xf32, #tpu.memory_space<vmem>> -> memref<2048xf32, #tpu.memory_space<vmem>>
      %dma_start3A_552 = arith.constant 0 : i32
      %dma_start3A_553 = tpu.memref_slice %arg4[%div3A_517, %dma_start3A_547, %div3A_545, %dma_start3A_552] : memref<200x8x16x2048xf32, #tpu.memory_space<hbm>> -> memref<1x1x1x2048xf32, #tpu.memory_space<hbm>>
      %dma_start3A_554 = tpu.memref_squeeze %dma_start3A_553 : memref<1x1x1x2048xf32, #tpu.memory_space<hbm>> -> memref<2048xf32, #tpu.memory_space<hbm>>
      %dma_start3A_555 = tpu.memref_slice %arg9[%dma_start3A_548] : memref<2x!tpu.dma_semaphore, #tpu.memory_space<semaphore_mem>> -> memref<1x!tpu.dma_semaphore, #tpu.memory_space<semaphore_mem>>
      %dma_start3A_556 = tpu.memref_squeeze %dma_start3A_555 : memref<1x!tpu.dma_semaphore, #tpu.memory_space<semaphore_mem>> -> memref<!tpu.dma_semaphore, #tpu.memory_space<semaphore_mem>>
      %dma_start3A_557 = arith.constant 0 : i32
      %dma_start3A_558 = tpu.memref_slice %arg4[%div3A_517, %dma_start3A_547, %div3A_545, %dma_start3A_557] : memref<200x8x16x2048xf32, #tpu.memory_space<hbm>> -> memref<1x1x1x2048xf32, #tpu.memory_space<hbm>>
      %dma_start3A_559 = tpu.memref_squeeze %dma_start3A_558 : memref<1x1x1x2048xf32, #tpu.memory_space<hbm>> -> memref<2048xf32, #tpu.memory_space<hbm>>
      %dma_start3A_560 = arith.constant 0 : i32
      %dma_start3A_561 = tpu.memref_slice %arg7[%dma_start3A_546, %dma_start3A_560] : memref<2x16384xf32, #tpu.memory_space<vmem>> -> memref<1x2048xf32, #tpu.memory_space<vmem>>
      %dma_start3A_562 = tpu.memref_squeeze %dma_start3A_561 : memref<1x2048xf32, #tpu.memory_space<vmem>> -> memref<2048xf32, #tpu.memory_space<vmem>>
      tpu.enqueue_dma source(%dma_start3A_562 : memref<2048xf32, #tpu.memory_space<vmem>>) target(%dma_start3A_559 : memref<2048xf32, #tpu.memory_space<hbm>>) target_semaphore(%dma_start3A_556 : memref<!tpu.dma_semaphore, #tpu.memory_space<semaphore_mem>>)
      %dma_start3A_563 = arith.constant 0 : i32
      %dma_start3A_564 = arith.constant 1 : i32
      %dma_start3A_565 = arith.constant 0 : i32
      %dma_start3A_566 = arith.constant 2048 : i32
      %dma_start3A_567 = tpu.memref_slice %arg7[%dma_start3A_563, %dma_start3A_566] : memref<2x16384xf32, #tpu.memory_space<vmem>> -> memref<1x2048xf32, #tpu.memory_space<vmem>>
      %dma_start3A_568 = tpu.memref_squeeze %dma_start3A_567 : memref<1x2048xf32, #tpu.memory_space<vmem>> -> memref<2048xf32, #tpu.memory_space<vmem>>
      %dma_start3A_569 = arith.constant 0 : i32
      %dma_start3A_570 = tpu.memref_slice %arg4[%div3A_517, %dma_start3A_564, %div3A_545, %dma_start3A_569] : memref<200x8x16x2048xf32, #tpu.memory_space<hbm>> -> memref<1x1x1x2048xf32, #tpu.memory_space<hbm>>
      %dma_start3A_571 = tpu.memref_squeeze %dma_start3A_570 : memref<1x1x1x2048xf32, #tpu.memory_space<hbm>> -> memref<2048xf32, #tpu.memory_space<hbm>>
      %dma_start3A_572 = tpu.memref_slice %arg9[%dma_start3A_565] : memref<2x!tpu.dma_semaphore, #tpu.memory_space<semaphore_mem>> -> memref<1x!tpu.dma_semaphore, #tpu.memory_space<semaphore_mem>>
      %dma_start3A_573 = tpu.memref_squeeze %dma_start3A_572 : memref<1x!tpu.dma_semaphore, #tpu.memory_space<semaphore_mem>> -> memref<!tpu.dma_semaphore, #tpu.memory_space<semaphore_mem>>
      %dma_start3A_574 = arith.constant 0 : i32
      %dma_start3A_575 = tpu.memref_slice %arg4[%div3A_517, %dma_start3A_564, %div3A_545, %dma_start3A_574] : memref<200x8x16x2048xf32, #tpu.memory_space<hbm>> -> memref<1x1x1x2048xf32, #tpu.memory_space<hbm>>
      %dma_start3A_576 = tpu.memref_squeeze %dma_start3A_575 : memref<1x1x1x2048xf32, #tpu.memory_space<hbm>> -> memref<2048xf32, #tpu.memory_space<hbm>>
      %dma_start3A_577 = arith.constant 2048 : i32
      %dma_start3A_578 = tpu.memref_slice %arg7[%dma_start3A_563, %dma_start3A_577] : memref<2x16384xf32, #tpu.memory_space<vmem>> -> memref<1x2048xf32, #tpu.memory_space<vmem>>
      %dma_start3A_579 = tpu.memref_squeeze %dma_start3A_578 : memref<1x2048xf32, #tpu.memory_space<vmem>> -> memref<2048xf32, #tpu.memory_space<vmem>>
      tpu.enqueue_dma source(%dma_start3A_579 : memref<2048xf32, #tpu.memory_space<vmem>>) target(%dma_start3A_576 : memref<2048xf32, #tpu.memory_space<hbm>>) target_semaphore(%dma_start3A_573 : memref<!tpu.dma_semaphore, #tpu.memory_space<semaphore_mem>>)
      %dma_start3A_580 = arith.constant 0 : i32
      %dma_start3A_581 = arith.constant 2 : i32
      %dma_start3A_582 = arith.constant 0 : i32
      %dma_start3A_583 = arith.constant 4096 : i32
      %dma_start3A_584 = tpu.memref_slice %arg7[%dma_start3A_580, %dma_start3A_583] : memref<2x16384xf32, #tpu.memory_space<vmem>> -> memref<1x2048xf32, #tpu.memory_space<vmem>>
      %dma_start3A_585 = tpu.memref_squeeze %dma_start3A_584 : memref<1x2048xf32, #tpu.memory_space<vmem>> -> memref<2048xf32, #tpu.memory_space<vmem>>
      %dma_start3A_586 = arith.constant 0 : i32
      %dma_start3A_587 = tpu.memref_slice %arg4[%div3A_517, %dma_start3A_581, %div3A_545, %dma_start3A_586] : memref<200x8x16x2048xf32, #tpu.memory_space<hbm>> -> memref<1x1x1x2048xf32, #tpu.memory_space<hbm>>
      %dma_start3A_588 = tpu.memref_squeeze %dma_start3A_587 : memref<1x1x1x2048xf32, #tpu.memory_space<hbm>> -> memref<2048xf32, #tpu.memory_space<hbm>>
      %dma_start3A_589 = tpu.memref_slice %arg9[%dma_start3A_582] : memref<2x!tpu.dma_semaphore, #tpu.memory_space<semaphore_mem>> -> memref<1x!tpu.dma_semaphore, #tpu.memory_space<semaphore_mem>>
      %dma_start3A_590 = tpu.memref_squeeze %dma_start3A_589 : memref<1x!tpu.dma_semaphore, #tpu.memory_space<semaphore_mem>> -> memref<!tpu.dma_semaphore, #tpu.memory_space<semaphore_mem>>
      %dma_start3A_591 = arith.constant 0 : i32
      %dma_start3A_592 = tpu.memref_slice %arg4[%div3A_517, %dma_start3A_581, %div3A_545, %dma_start3A_591] : memref<200x8x16x2048xf32, #tpu.memory_space<hbm>> -> memref<1x1x1x2048xf32, #tpu.memory_space<hbm>>
      %dma_start3A_593 = tpu.memref_squeeze %dma_start3A_592 : memref<1x1x1x2048xf32, #tpu.memory_space<hbm>> -> memref<2048xf32, #tpu.memory_space<hbm>>
      %dma_start3A_594 = arith.constant 4096 : i32
      %dma_start3A_595 = tpu.memref_slice %arg7[%dma_start3A_580, %dma_start3A_594] : memref<2x16384xf32, #tpu.memory_space<vmem>> -> memref<1x2048xf32, #tpu.memory_space<vmem>>
      %dma_start3A_596 = tpu.memref_squeeze %dma_start3A_595 : memref<1x2048xf32, #tpu.memory_space<vmem>> -> memref<2048xf32, #tpu.memory_space<vmem>>
      tpu.enqueue_dma source(%dma_start3A_596 : memref<2048xf32, #tpu.memory_space<vmem>>) target(%dma_start3A_593 : memref<2048xf32, #tpu.memory_space<hbm>>) target_semaphore(%dma_start3A_590 : memref<!tpu.dma_semaphore, #tpu.memory_space<semaphore_mem>>)
      %dma_start3A_597 = arith.constant 0 : i32
      %dma_start3A_598 = arith.constant 3 : i32
      %dma_start3A_599 = arith.constant 0 : i32
      %dma_start3A_600 = arith.constant 6144 : i32
      %dma_start3A_601 = tpu.memref_slice %arg7[%dma_start3A_597, %dma_start3A_600] : memref<2x16384xf32, #tpu.memory_space<vmem>> -> memref<1x2048xf32, #tpu.memory_space<vmem>>
      %dma_start3A_602 = tpu.memref_squeeze %dma_start3A_601 : memref<1x2048xf32, #tpu.memory_space<vmem>> -> memref<2048xf32, #tpu.memory_space<vmem>>
      %dma_start3A_603 = arith.constant 0 : i32
      %dma_start3A_604 = tpu.memref_slice %arg4[%div3A_517, %dma_start3A_598, %div3A_545, %dma_start3A_603] : memref<200x8x16x2048xf32, #tpu.memory_space<hbm>> -> memref<1x1x1x2048xf32, #tpu.memory_space<hbm>>
      %dma_start3A_605 = tpu.memref_squeeze %dma_start3A_604 : memref<1x1x1x2048xf32, #tpu.memory_space<hbm>> -> memref<2048xf32, #tpu.memory_space<hbm>>
      %dma_start3A_606 = tpu.memref_slice %arg9[%dma_start3A_599] : memref<2x!tpu.dma_semaphore, #tpu.memory_space<semaphore_mem>> -> memref<1x!tpu.dma_semaphore, #tpu.memory_space<semaphore_mem>>
      %dma_start3A_607 = tpu.memref_squeeze %dma_start3A_606 : memref<1x!tpu.dma_semaphore, #tpu.memory_space<semaphore_mem>> -> memref<!tpu.dma_semaphore, #tpu.memory_space<semaphore_mem>>
      %dma_start3A_608 = arith.constant 0 : i32
      %dma_start3A_609 = tpu.memref_slice %arg4[%div3A_517, %dma_start3A_598, %div3A_545, %dma_start3A_608] : memref<200x8x16x2048xf32, #tpu.memory_space<hbm>> -> memref<1x1x1x2048xf32, #tpu.memory_space<hbm>>
      %dma_start3A_610 = tpu.memref_squeeze %dma_start3A_609 : memref<1x1x1x2048xf32, #tpu.memory_space<hbm>> -> memref<2048xf32, #tpu.memory_space<hbm>>
      %dma_start3A_611 = arith.constant 6144 : i32
      %dma_start3A_612 = tpu.memref_slice %arg7[%dma_start3A_597, %dma_start3A_611] : memref<2x16384xf32, #tpu.memory_space<vmem>> -> memref<1x2048xf32, #tpu.memory_space<vmem>>
      %dma_start3A_613 = tpu.memref_squeeze %dma_start3A_612 : memref<1x2048xf32, #tpu.memory_space<vmem>> -> memref<2048xf32, #tpu.memory_space<vmem>>
      tpu.enqueue_dma source(%dma_start3A_613 : memref<2048xf32, #tpu.memory_space<vmem>>) target(%dma_start3A_610 : memref<2048xf32, #tpu.memory_space<hbm>>) target_semaphore(%dma_start3A_607 : memref<!tpu.dma_semaphore, #tpu.memory_space<semaphore_mem>>)
      %dma_start3A_614 = arith.constant 0 : i32
      %dma_start3A_615 = arith.constant 4 : i32
      %dma_start3A_616 = arith.constant 0 : i32
      %dma_start3A_617 = arith.constant 8192 : i32
      %dma_start3A_618 = tpu.memref_slice %arg7[%dma_start3A_614, %dma_start3A_617] : memref<2x16384xf32, #tpu.memory_space<vmem>> -> memref<1x2048xf32, #tpu.memory_space<vmem>>
      %dma_start3A_619 = tpu.memref_squeeze %dma_start3A_618 : memref<1x2048xf32, #tpu.memory_space<vmem>> -> memref<2048xf32, #tpu.memory_space<vmem>>
      %dma_start3A_620 = arith.constant 0 : i32
      %dma_start3A_621 = tpu.memref_slice %arg4[%div3A_517, %dma_start3A_615, %div3A_545, %dma_start3A_620] : memref<200x8x16x2048xf32, #tpu.memory_space<hbm>> -> memref<1x1x1x2048xf32, #tpu.memory_space<hbm>>
      %dma_start3A_622 = tpu.memref_squeeze %dma_start3A_621 : memref<1x1x1x2048xf32, #tpu.memory_space<hbm>> -> memref<2048xf32, #tpu.memory_space<hbm>>
      %dma_start3A_623 = tpu.memref_slice %arg9[%dma_start3A_616] : memref<2x!tpu.dma_semaphore, #tpu.memory_space<semaphore_mem>> -> memref<1x!tpu.dma_semaphore, #tpu.memory_space<semaphore_mem>>
      %dma_start3A_624 = tpu.memref_squeeze %dma_start3A_623 : memref<1x!tpu.dma_semaphore, #tpu.memory_space<semaphore_mem>> -> memref<!tpu.dma_semaphore, #tpu.memory_space<semaphore_mem>>
      %dma_start3A_625 = arith.constant 0 : i32
      %dma_start3A_626 = tpu.memref_slice %arg4[%div3A_517, %dma_start3A_615, %div3A_545, %dma_start3A_625] : memref<200x8x16x2048xf32, #tpu.memory_space<hbm>> -> memref<1x1x1x2048xf32, #tpu.memory_space<hbm>>
      %dma_start3A_627 = tpu.memref_squeeze %dma_start3A_626 : memref<1x1x1x2048xf32, #tpu.memory_space<hbm>> -> memref<2048xf32, #tpu.memory_space<hbm>>
      %dma_start3A_628 = arith.constant 8192 : i32
      %dma_start3A_629 = tpu.memref_slice %arg7[%dma_start3A_614, %dma_start3A_628] : memref<2x16384xf32, #tpu.memory_space<vmem>> -> memref<1x2048xf32, #tpu.memory_space<vmem>>
      %dma_start3A_630 = tpu.memref_squeeze %dma_start3A_629 : memref<1x2048xf32, #tpu.memory_space<vmem>> -> memref<2048xf32, #tpu.memory_space<vmem>>
      tpu.enqueue_dma source(%dma_start3A_630 : memref<2048xf32, #tpu.memory_space<vmem>>) target(%dma_start3A_627 : memref<2048xf32, #tpu.memory_space<hbm>>) target_semaphore(%dma_start3A_624 : memref<!tpu.dma_semaphore, #tpu.memory_space<semaphore_mem>>)
      %dma_start3A_631 = arith.constant 0 : i32
      %dma_start3A_632 = arith.constant 5 : i32
      %dma_start3A_633 = arith.constant 0 : i32
      %dma_start3A_634 = arith.constant 10240 : i32
      %dma_start3A_635 = tpu.memref_slice %arg7[%dma_start3A_631, %dma_start3A_634] : memref<2x16384xf32, #tpu.memory_space<vmem>> -> memref<1x2048xf32, #tpu.memory_space<vmem>>
      %dma_start3A_636 = tpu.memref_squeeze %dma_start3A_635 : memref<1x2048xf32, #tpu.memory_space<vmem>> -> memref<2048xf32, #tpu.memory_space<vmem>>
      %dma_start3A_637 = arith.constant 0 : i32
      %dma_start3A_638 = tpu.memref_slice %arg4[%div3A_517, %dma_start3A_632, %div3A_545, %dma_start3A_637] : memref<200x8x16x2048xf32, #tpu.memory_space<hbm>> -> memref<1x1x1x2048xf32, #tpu.memory_space<hbm>>
      %dma_start3A_639 = tpu.memref_squeeze %dma_start3A_638 : memref<1x1x1x2048xf32, #tpu.memory_space<hbm>> -> memref<2048xf32, #tpu.memory_space<hbm>>
      %dma_start3A_640 = tpu.memref_slice %arg9[%dma_start3A_633] : memref<2x!tpu.dma_semaphore, #tpu.memory_space<semaphore_mem>> -> memref<1x!tpu.dma_semaphore, #tpu.memory_space<semaphore_mem>>
      %dma_start3A_641 = tpu.memref_squeeze %dma_start3A_640 : memref<1x!tpu.dma_semaphore, #tpu.memory_space<semaphore_mem>> -> memref<!tpu.dma_semaphore, #tpu.memory_space<semaphore_mem>>
      %dma_start3A_642 = arith.constant 0 : i32
      %dma_start3A_643 = tpu.memref_slice %arg4[%div3A_517, %dma_start3A_632, %div3A_545, %dma_start3A_642] : memref<200x8x16x2048xf32, #tpu.memory_space<hbm>> -> memref<1x1x1x2048xf32, #tpu.memory_space<hbm>>
      %dma_start3A_644 = tpu.memref_squeeze %dma_start3A_643 : memref<1x1x1x2048xf32, #tpu.memory_space<hbm>> -> memref<2048xf32, #tpu.memory_space<hbm>>
      %dma_start3A_645 = arith.constant 10240 : i32
      %dma_start3A_646 = tpu.memref_slice %arg7[%dma_start3A_631, %dma_start3A_645] : memref<2x16384xf32, #tpu.memory_space<vmem>> -> memref<1x2048xf32, #tpu.memory_space<vmem>>
      %dma_start3A_647 = tpu.memref_squeeze %dma_start3A_646 : memref<1x2048xf32, #tpu.memory_space<vmem>> -> memref<2048xf32, #tpu.memory_space<vmem>>
      tpu.enqueue_dma source(%dma_start3A_647 : memref<2048xf32, #tpu.memory_space<vmem>>) target(%dma_start3A_644 : memref<2048xf32, #tpu.memory_space<hbm>>) target_semaphore(%dma_start3A_641 : memref<!tpu.dma_semaphore, #tpu.memory_space<semaphore_mem>>)
      %dma_start3A_648 = arith.constant 0 : i32
      %dma_start3A_649 = arith.constant 6 : i32
      %dma_start3A_650 = arith.constant 0 : i32
      %dma_start3A_651 = arith.constant 12288 : i32
      %dma_start3A_652 = tpu.memref_slice %arg7[%dma_start3A_648, %dma_start3A_651] : memref<2x16384xf32, #tpu.memory_space<vmem>> -> memref<1x2048xf32, #tpu.memory_space<vmem>>
      %dma_start3A_653 = tpu.memref_squeeze %dma_start3A_652 : memref<1x2048xf32, #tpu.memory_space<vmem>> -> memref<2048xf32, #tpu.memory_space<vmem>>
      %dma_start3A_654 = arith.constant 0 : i32
      %dma_start3A_655 = tpu.memref_slice %arg4[%div3A_517, %dma_start3A_649, %div3A_545, %dma_start3A_654] : memref<200x8x16x2048xf32, #tpu.memory_space<hbm>> -> memref<1x1x1x2048xf32, #tpu.memory_space<hbm>>
      %dma_start3A_656 = tpu.memref_squeeze %dma_start3A_655 : memref<1x1x1x2048xf32, #tpu.memory_space<hbm>> -> memref<2048xf32, #tpu.memory_space<hbm>>
      %dma_start3A_657 = tpu.memref_slice %arg9[%dma_start3A_650] : memref<2x!tpu.dma_semaphore, #tpu.memory_space<semaphore_mem>> -> memref<1x!tpu.dma_semaphore, #tpu.memory_space<semaphore_mem>>
      %dma_start3A_658 = tpu.memref_squeeze %dma_start3A_657 : memref<1x!tpu.dma_semaphore, #tpu.memory_space<semaphore_mem>> -> memref<!tpu.dma_semaphore, #tpu.memory_space<semaphore_mem>>
      %dma_start3A_659 = arith.constant 0 : i32
      %dma_start3A_660 = tpu.memref_slice %arg4[%div3A_517, %dma_start3A_649, %div3A_545, %dma_start3A_659] : memref<200x8x16x2048xf32, #tpu.memory_space<hbm>> -> memref<1x1x1x2048xf32, #tpu.memory_space<hbm>>
      %dma_start3A_661 = tpu.memref_squeeze %dma_start3A_660 : memref<1x1x1x2048xf32, #tpu.memory_space<hbm>> -> memref<2048xf32, #tpu.memory_space<hbm>>
      %dma_start3A_662 = arith.constant 12288 : i32
      %dma_start3A_663 = tpu.memref_slice %arg7[%dma_start3A_648, %dma_start3A_662] : memref<2x16384xf32, #tpu.memory_space<vmem>> -> memref<1x2048xf32, #tpu.memory_space<vmem>>
      %dma_start3A_664 = tpu.memref_squeeze %dma_start3A_663 : memref<1x2048xf32, #tpu.memory_space<vmem>> -> memref<2048xf32, #tpu.memory_space<vmem>>
      tpu.enqueue_dma source(%dma_start3A_664 : memref<2048xf32, #tpu.memory_space<vmem>>) target(%dma_start3A_661 : memref<2048xf32, #tpu.memory_space<hbm>>) target_semaphore(%dma_start3A_658 : memref<!tpu.dma_semaphore, #tpu.memory_space<semaphore_mem>>)
      %dma_start3A_665 = arith.constant 0 : i32
      %dma_start3A_666 = arith.constant 7 : i32
      %dma_start3A_667 = arith.constant 0 : i32
      %dma_start3A_668 = arith.constant 14336 : i32
      %dma_start3A_669 = tpu.memref_slice %arg7[%dma_start3A_665, %dma_start3A_668] : memref<2x16384xf32, #tpu.memory_space<vmem>> -> memref<1x2048xf32, #tpu.memory_space<vmem>>
      %dma_start3A_670 = tpu.memref_squeeze %dma_start3A_669 : memref<1x2048xf32, #tpu.memory_space<vmem>> -> memref<2048xf32, #tpu.memory_space<vmem>>
      %dma_start3A_671 = arith.constant 0 : i32
      %dma_start3A_672 = tpu.memref_slice %arg4[%div3A_517, %dma_start3A_666, %div3A_545, %dma_start3A_671] : memref<200x8x16x2048xf32, #tpu.memory_space<hbm>> -> memref<1x1x1x2048xf32, #tpu.memory_space<hbm>>
      %dma_start3A_673 = tpu.memref_squeeze %dma_start3A_672 : memref<1x1x1x2048xf32, #tpu.memory_space<hbm>> -> memref<2048xf32, #tpu.memory_space<hbm>>
      %dma_start3A_674 = tpu.memref_slice %arg9[%dma_start3A_667] : memref<2x!tpu.dma_semaphore, #tpu.memory_space<semaphore_mem>> -> memref<1x!tpu.dma_semaphore, #tpu.memory_space<semaphore_mem>>
      %dma_start3A_675 = tpu.memref_squeeze %dma_start3A_674 : memref<1x!tpu.dma_semaphore, #tpu.memory_space<semaphore_mem>> -> memref<!tpu.dma_semaphore, #tpu.memory_space<semaphore_mem>>
      %dma_start3A_676 = arith.constant 0 : i32
      %dma_start3A_677 = tpu.memref_slice %arg4[%div3A_517, %dma_start3A_666, %div3A_545, %dma_start3A_676] : memref<200x8x16x2048xf32, #tpu.memory_space<hbm>> -> memref<1x1x1x2048xf32, #tpu.memory_space<hbm>>
      %dma_start3A_678 = tpu.memref_squeeze %dma_start3A_677 : memref<1x1x1x2048xf32, #tpu.memory_space<hbm>> -> memref<2048xf32, #tpu.memory_space<hbm>>
      %dma_start3A_679 = arith.constant 14336 : i32
      %dma_start3A_680 = tpu.memref_slice %arg7[%dma_start3A_665, %dma_start3A_679] : memref<2x16384xf32, #tpu.memory_space<vmem>> -> memref<1x2048xf32, #tpu.memory_space<vmem>>
      %dma_start3A_681 = tpu.memref_squeeze %dma_start3A_680 : memref<1x2048xf32, #tpu.memory_space<vmem>> -> memref<2048xf32, #tpu.memory_space<vmem>>
      tpu.enqueue_dma source(%dma_start3A_681 : memref<2048xf32, #tpu.memory_space<vmem>>) target(%dma_start3A_678 : memref<2048xf32, #tpu.memory_space<hbm>>) target_semaphore(%dma_start3A_675 : memref<!tpu.dma_semaphore, #tpu.memory_space<semaphore_mem>>)
      %add3A_682 = arith.constant 2 : i32
      %add3A_683 = arith.addi %add3A_513, %add3A_682 : i32
      %lt3A = arith.constant 100 : i32
      %lt3A_684 = arith.cmpi slt, %add3A_683, %lt3A : i32
      %convert_element_type3A_685 = arith.extui %lt3A_684 : i1 to i32
      %cond3A_686 = arith.constant 0 : i32
      %cond3A_687 = arith.cmpi ne, %convert_element_type3A_685, %cond3A_686 : i32
      scf.if %cond3A_687 {
        %add3A_871 = arith.constant 2 : i32
        %add3A_872 = arith.addi %add3A_513, %add3A_871 : i32
        %mul3A_873 = arith.constant 2 : i32
        %mul3A_874 = arith.muli %add3A_872, %mul3A_873 : i32
        %add3A_875 = arith.constant 0 : i32
        %add3A_876 = arith.addi %mul3A_874, %add3A_875 : i32
        %dma_start3A_877 = arith.constant 0 : i32
        %dma_start3A_878 = arith.constant 0 : i32
        %dma_start3A_879 = arith.constant 0 : i32
        %dma_start3A_880 = arith.constant 0 : i32
        %dma_start3A_881 = tpu.memref_slice %arg6[%dma_start3A_877, %dma_start3A_879, %dma_start3A_880] : memref<2x256x64xf32, #tpu.memory_space<vmem>> -> memref<1x128x64xf32, #tpu.memory_space<vmem>>
        %dma_start3A_882 = tpu.memref_squeeze %dma_start3A_881 : memref<1x128x64xf32, #tpu.memory_space<vmem>> -> memref<128x64xf32, #tpu.memory_space<vmem>>
        %dma_start3A_883 = arith.constant 0 : i32
        %dma_start3A_884 = tpu.memref_slice %arg5[%add3A_876, %dma_start3A_883] : memref<200x128xi32, #tpu.memory_space<vmem>> -> memref<1x128xi32, #tpu.memory_space<vmem>>
        %dma_start3A_885 = tpu.memref_squeeze %dma_start3A_884 : memref<1x128xi32, #tpu.memory_space<vmem>> -> memref<128xi32, #tpu.memory_space<vmem>>
        %dma_start3A_886 = arith.constant 0 : i32
        %dma_start3A_887 = arith.constant 0 : i32
        %dma_start3A_888 = tpu.memref_slice %arg3[%dma_start3A_886, %dma_start3A_887] : memref<2000000x64xf32, #tpu.memory_space<hbm>> -> memref<2000000x64xf32, #tpu.memory_space<hbm>>
        %dma_start3A_889 = tpu.memref_slice %arg8[%dma_start3A_878] : memref<2x!tpu.dma_semaphore, #tpu.memory_space<semaphore_mem>> -> memref<1x!tpu.dma_semaphore, #tpu.memory_space<semaphore_mem>>
        %dma_start3A_890 = tpu.memref_squeeze %dma_start3A_889 : memref<1x!tpu.dma_semaphore, #tpu.memory_space<semaphore_mem>> -> memref<!tpu.dma_semaphore, #tpu.memory_space<semaphore_mem>>
        tpu.enqueue_indirect_dma source(%dma_start3A_888 : memref<2000000x64xf32, #tpu.memory_space<hbm>>) target(%dma_start3A_882 : memref<128x64xf32, #tpu.memory_space<vmem>>) offsets(%dma_start3A_885 : memref<128xi32, #tpu.memory_space<vmem>>) semaphore(%dma_start3A_890 : memref<!tpu.dma_semaphore, #tpu.memory_space<semaphore_mem>>)
        %mul3A_891 = arith.constant 2 : i32
        %mul3A_892 = arith.muli %add3A_872, %mul3A_891 : i32
        %add3A_893 = arith.constant 1 : i32
        %add3A_894 = arith.addi %mul3A_892, %add3A_893 : i32
        %dma_start3A_895 = arith.constant 0 : i32
        %dma_start3A_896 = arith.constant 0 : i32
        %dma_start3A_897 = arith.constant 128 : i32
        %dma_start3A_898 = arith.constant 0 : i32
        %dma_start3A_899 = tpu.memref_slice %arg6[%dma_start3A_895, %dma_start3A_897, %dma_start3A_898] : memref<2x256x64xf32, #tpu.memory_space<vmem>> -> memref<1x128x64xf32, #tpu.memory_space<vmem>>
        %dma_start3A_900 = tpu.memref_squeeze %dma_start3A_899 : memref<1x128x64xf32, #tpu.memory_space<vmem>> -> memref<128x64xf32, #tpu.memory_space<vmem>>
        %dma_start3A_901 = arith.constant 0 : i32
        %dma_start3A_902 = tpu.memref_slice %arg5[%add3A_894, %dma_start3A_901] : memref<200x128xi32, #tpu.memory_space<vmem>> -> memref<1x128xi32, #tpu.memory_space<vmem>>
        %dma_start3A_903 = tpu.memref_squeeze %dma_start3A_902 : memref<1x128xi32, #tpu.memory_space<vmem>> -> memref<128xi32, #tpu.memory_space<vmem>>
        %dma_start3A_904 = arith.constant 0 : i32
        %dma_start3A_905 = arith.constant 0 : i32
        %dma_start3A_906 = tpu.memref_slice %arg3[%dma_start3A_904, %dma_start3A_905] : memref<2000000x64xf32, #tpu.memory_space<hbm>> -> memref<2000000x64xf32, #tpu.memory_space<hbm>>
        %dma_start3A_907 = tpu.memref_slice %arg8[%dma_start3A_896] : memref<2x!tpu.dma_semaphore, #tpu.memory_space<semaphore_mem>> -> memref<1x!tpu.dma_semaphore, #tpu.memory_space<semaphore_mem>>
        %dma_start3A_908 = tpu.memref_squeeze %dma_start3A_907 : memref<1x!tpu.dma_semaphore, #tpu.memory_space<semaphore_mem>> -> memref<!tpu.dma_semaphore, #tpu.memory_space<semaphore_mem>>
        tpu.enqueue_indirect_dma source(%dma_start3A_906 : memref<2000000x64xf32, #tpu.memory_space<hbm>>) target(%dma_start3A_900 : memref<128x64xf32, #tpu.memory_space<vmem>>) offsets(%dma_start3A_903 : memref<128xi32, #tpu.memory_space<vmem>>) semaphore(%dma_start3A_908 : memref<!tpu.dma_semaphore, #tpu.memory_space<semaphore_mem>>)
      } else {
      }
      %add3A_688 = arith.constant 1 : i32
      %add3A_689 = arith.addi %add3A_511, %add3A_688 : i32
      %mul3A_690 = arith.constant 2 : i32
      %mul3A_691 = arith.muli %add3A_689, %mul3A_690 : i32
      %add3A_692 = arith.addi %mul3A_2, %mul3A_691 : i32
      %div3A_693 = arith.constant 32 : i32
      %div3A_694 = arith.divsi %add3A_692, %div3A_693 : i32
      %rem3A_695 = arith.constant 32 : i32
      %rem3A_696 = arith.remsi %add3A_692, %rem3A_695 : i32
      %dma_wait3A_697 = arith.constant 1 : i32
      %dma_wait3A_698 = arith.constant 1 : i32
      %dma_wait3A_699 = arith.constant 0 : i32
      %dma_wait3A_700 = arith.constant 0 : i32
      %dma_wait3A_701 = tpu.memref_slice %arg6[%dma_wait3A_697, %dma_wait3A_699, %dma_wait3A_700] : memref<2x256x64xf32, #tpu.memory_space<vmem>> -> memref<1x256x64xf32, #tpu.memory_space<vmem>>
      %dma_wait3A_702 = tpu.memref_squeeze %dma_wait3A_701 : memref<1x256x64xf32, #tpu.memory_space<vmem>> -> memref<256x64xf32, #tpu.memory_space<vmem>>
      %dma_wait3A_703 = arith.constant 0 : i32
      %dma_wait3A_704 = arith.constant 0 : i32
      %dma_wait3A_705 = tpu.memref_slice %arg3[%dma_wait3A_703, %dma_wait3A_704] : memref<2000000x64xf32, #tpu.memory_space<hbm>> -> memref<256x64xf32, #tpu.memory_space<hbm>>
      %dma_wait3A_706 = tpu.memref_slice %arg8[%dma_wait3A_698] : memref<2x!tpu.dma_semaphore, #tpu.memory_space<semaphore_mem>> -> memref<1x!tpu.dma_semaphore, #tpu.memory_space<semaphore_mem>>
      %dma_wait3A_707 = tpu.memref_squeeze %dma_wait3A_706 : memref<1x!tpu.dma_semaphore, #tpu.memory_space<semaphore_mem>> -> memref<!tpu.dma_semaphore, #tpu.memory_space<semaphore_mem>>
      %dma_wait3A_708 = arith.constant 0 : i32
      %dma_wait3A_709 = arith.constant 0 : i32
      %dma_wait3A_710 = tpu.memref_slice %arg6[%dma_wait3A_697, %dma_wait3A_708, %dma_wait3A_709] : memref<2x256x64xf32, #tpu.memory_space<vmem>> -> memref<1x256x64xf32, #tpu.memory_space<vmem>>
      %dma_wait3A_711 = tpu.memref_squeeze %dma_wait3A_710 : memref<1x256x64xf32, #tpu.memory_space<vmem>> -> memref<256x64xf32, #tpu.memory_space<vmem>>
      %dma_wait3A_712 = arith.constant 0 : i32
      %dma_wait3A_713 = arith.constant 0 : i32
      %dma_wait3A_714 = tpu.memref_slice %arg3[%dma_wait3A_712, %dma_wait3A_713] : memref<2000000x64xf32, #tpu.memory_space<hbm>> -> memref<256x64xf32, #tpu.memory_space<hbm>>
      tpu.wait_dma2 semaphore(%dma_wait3A_707 : memref<!tpu.dma_semaphore, #tpu.memory_space<semaphore_mem>>) src(%dma_wait3A_714 : memref<256x64xf32, #tpu.memory_space<hbm>>) dst(%dma_wait3A_711 : memref<256x64xf32, #tpu.memory_space<vmem>>)
      %ge3A_715 = arith.constant 2 : i32
      %ge3A_716 = arith.cmpi sge, %add3A_689, %ge3A_715 : i32
      %convert_element_type3A_717 = arith.extui %ge3A_716 : i1 to i32
      %cond3A_718 = arith.constant 0 : i32
      %cond3A_719 = arith.cmpi ne, %convert_element_type3A_717, %cond3A_718 : i32
      scf.if %cond3A_719 {
        %dma_wait3A_871 = arith.constant 0 : i32
        %dma_wait3A_872 = arith.constant 0 : i32
        %dma_wait3A_873 = arith.constant 0 : i32
        %dma_wait3A_874 = arith.constant 1 : i32
        %dma_wait3A_875 = arith.constant 1 : i32
        %dma_wait3A_876 = arith.constant 0 : i32
        %dma_wait3A_877 = tpu.memref_slice %arg7[%dma_wait3A_874, %dma_wait3A_876] : memref<2x16384xf32, #tpu.memory_space<vmem>> -> memref<1x2048xf32, #tpu.memory_space<vmem>>
        %dma_wait3A_878 = tpu.memref_squeeze %dma_wait3A_877 : memref<1x2048xf32, #tpu.memory_space<vmem>> -> memref<2048xf32, #tpu.memory_space<vmem>>
        %dma_wait3A_879 = arith.constant 0 : i32
        %dma_wait3A_880 = tpu.memref_slice %arg4[%dma_wait3A_871, %dma_wait3A_872, %dma_wait3A_873, %dma_wait3A_879] : memref<200x8x16x2048xf32, #tpu.memory_space<hbm>> -> memref<1x1x1x2048xf32, #tpu.memory_space<hbm>>
        %dma_wait3A_881 = tpu.memref_squeeze %dma_wait3A_880 : memref<1x1x1x2048xf32, #tpu.memory_space<hbm>> -> memref<2048xf32, #tpu.memory_space<hbm>>
        %dma_wait3A_882 = tpu.memref_slice %arg9[%dma_wait3A_875] : memref<2x!tpu.dma_semaphore, #tpu.memory_space<semaphore_mem>> -> memref<1x!tpu.dma_semaphore, #tpu.memory_space<semaphore_mem>>
        %dma_wait3A_883 = tpu.memref_squeeze %dma_wait3A_882 : memref<1x!tpu.dma_semaphore, #tpu.memory_space<semaphore_mem>> -> memref<!tpu.dma_semaphore, #tpu.memory_space<semaphore_mem>>
        %dma_wait3A_884 = arith.constant 0 : i32
        %dma_wait3A_885 = tpu.memref_slice %arg7[%dma_wait3A_874, %dma_wait3A_884] : memref<2x16384xf32, #tpu.memory_space<vmem>> -> memref<1x2048xf32, #tpu.memory_space<vmem>>
        %dma_wait3A_886 = tpu.memref_squeeze %dma_wait3A_885 : memref<1x2048xf32, #tpu.memory_space<vmem>> -> memref<2048xf32, #tpu.memory_space<vmem>>
        %dma_wait3A_887 = arith.constant 0 : i32
        %dma_wait3A_888 = tpu.memref_slice %arg4[%dma_wait3A_871, %dma_wait3A_872, %dma_wait3A_873, %dma_wait3A_887] : memref<200x8x16x2048xf32, #tpu.memory_space<hbm>> -> memref<1x1x1x2048xf32, #tpu.memory_space<hbm>>
        %dma_wait3A_889 = tpu.memref_squeeze %dma_wait3A_888 : memref<1x1x1x2048xf32, #tpu.memory_space<hbm>> -> memref<2048xf32, #tpu.memory_space<hbm>>
        tpu.wait_dma2 semaphore(%dma_wait3A_883 : memref<!tpu.dma_semaphore, #tpu.memory_space<semaphore_mem>>) src(%dma_wait3A_889 : memref<2048xf32, #tpu.memory_space<hbm>>) dst(%dma_wait3A_886 : memref<2048xf32, #tpu.memory_space<vmem>>)
        %dma_wait3A_890 = arith.constant 0 : i32
        %dma_wait3A_891 = arith.constant 0 : i32
        %dma_wait3A_892 = arith.constant 0 : i32
        %dma_wait3A_893 = arith.constant 1 : i32
        %dma_wait3A_894 = arith.constant 1 : i32
        %dma_wait3A_895 = arith.constant 2048 : i32
        %dma_wait3A_896 = tpu.memref_slice %arg7[%dma_wait3A_893, %dma_wait3A_895] : memref<2x16384xf32, #tpu.memory_space<vmem>> -> memref<1x2048xf32, #tpu.memory_space<vmem>>
        %dma_wait3A_897 = tpu.memref_squeeze %dma_wait3A_896 : memref<1x2048xf32, #tpu.memory_space<vmem>> -> memref<2048xf32, #tpu.memory_space<vmem>>
        %dma_wait3A_898 = arith.constant 0 : i32
        %dma_wait3A_899 = tpu.memref_slice %arg4[%dma_wait3A_890, %dma_wait3A_891, %dma_wait3A_892, %dma_wait3A_898] : memref<200x8x16x2048xf32, #tpu.memory_space<hbm>> -> memref<1x1x1x2048xf32, #tpu.memory_space<hbm>>
        %dma_wait3A_900 = tpu.memref_squeeze %dma_wait3A_899 : memref<1x1x1x2048xf32, #tpu.memory_space<hbm>> -> memref<2048xf32, #tpu.memory_space<hbm>>
        %dma_wait3A_901 = tpu.memref_slice %arg9[%dma_wait3A_894] : memref<2x!tpu.dma_semaphore, #tpu.memory_space<semaphore_mem>> -> memref<1x!tpu.dma_semaphore, #tpu.memory_space<semaphore_mem>>
        %dma_wait3A_902 = tpu.memref_squeeze %dma_wait3A_901 : memref<1x!tpu.dma_semaphore, #tpu.memory_space<semaphore_mem>> -> memref<!tpu.dma_semaphore, #tpu.memory_space<semaphore_mem>>
        %dma_wait3A_903 = arith.constant 2048 : i32
        %dma_wait3A_904 = tpu.memref_slice %arg7[%dma_wait3A_893, %dma_wait3A_903] : memref<2x16384xf32, #tpu.memory_space<vmem>> -> memref<1x2048xf32, #tpu.memory_space<vmem>>
        %dma_wait3A_905 = tpu.memref_squeeze %dma_wait3A_904 : memref<1x2048xf32, #tpu.memory_space<vmem>> -> memref<2048xf32, #tpu.memory_space<vmem>>
        %dma_wait3A_906 = arith.constant 0 : i32
        %dma_wait3A_907 = tpu.memref_slice %arg4[%dma_wait3A_890, %dma_wait3A_891, %dma_wait3A_892, %dma_wait3A_906] : memref<200x8x16x2048xf32, #tpu.memory_space<hbm>> -> memref<1x1x1x2048xf32, #tpu.memory_space<hbm>>
        %dma_wait3A_908 = tpu.memref_squeeze %dma_wait3A_907 : memref<1x1x1x2048xf32, #tpu.memory_space<hbm>> -> memref<2048xf32, #tpu.memory_space<hbm>>
        tpu.wait_dma2 semaphore(%dma_wait3A_902 : memref<!tpu.dma_semaphore, #tpu.memory_space<semaphore_mem>>) src(%dma_wait3A_908 : memref<2048xf32, #tpu.memory_space<hbm>>) dst(%dma_wait3A_905 : memref<2048xf32, #tpu.memory_space<vmem>>)
        %dma_wait3A_909 = arith.constant 0 : i32
        %dma_wait3A_910 = arith.constant 0 : i32
        %dma_wait3A_911 = arith.constant 0 : i32
        %dma_wait3A_912 = arith.constant 1 : i32
        %dma_wait3A_913 = arith.constant 1 : i32
        %dma_wait3A_914 = arith.constant 4096 : i32
        %dma_wait3A_915 = tpu.memref_slice %arg7[%dma_wait3A_912, %dma_wait3A_914] : memref<2x16384xf32, #tpu.memory_space<vmem>> -> memref<1x2048xf32, #tpu.memory_space<vmem>>
        %dma_wait3A_916 = tpu.memref_squeeze %dma_wait3A_915 : memref<1x2048xf32, #tpu.memory_space<vmem>> -> memref<2048xf32, #tpu.memory_space<vmem>>
        %dma_wait3A_917 = arith.constant 0 : i32
        %dma_wait3A_918 = tpu.memref_slice %arg4[%dma_wait3A_909, %dma_wait3A_910, %dma_wait3A_911, %dma_wait3A_917] : memref<200x8x16x2048xf32, #tpu.memory_space<hbm>> -> memref<1x1x1x2048xf32, #tpu.memory_space<hbm>>
        %dma_wait3A_919 = tpu.memref_squeeze %dma_wait3A_918 : memref<1x1x1x2048xf32, #tpu.memory_space<hbm>> -> memref<2048xf32, #tpu.memory_space<hbm>>
        %dma_wait3A_920 = tpu.memref_slice %arg9[%dma_wait3A_913] : memref<2x!tpu.dma_semaphore, #tpu.memory_space<semaphore_mem>> -> memref<1x!tpu.dma_semaphore, #tpu.memory_space<semaphore_mem>>
        %dma_wait3A_921 = tpu.memref_squeeze %dma_wait3A_920 : memref<1x!tpu.dma_semaphore, #tpu.memory_space<semaphore_mem>> -> memref<!tpu.dma_semaphore, #tpu.memory_space<semaphore_mem>>
        %dma_wait3A_922 = arith.constant 4096 : i32
        %dma_wait3A_923 = tpu.memref_slice %arg7[%dma_wait3A_912, %dma_wait3A_922] : memref<2x16384xf32, #tpu.memory_space<vmem>> -> memref<1x2048xf32, #tpu.memory_space<vmem>>
        %dma_wait3A_924 = tpu.memref_squeeze %dma_wait3A_923 : memref<1x2048xf32, #tpu.memory_space<vmem>> -> memref<2048xf32, #tpu.memory_space<vmem>>
        %dma_wait3A_925 = arith.constant 0 : i32
        %dma_wait3A_926 = tpu.memref_slice %arg4[%dma_wait3A_909, %dma_wait3A_910, %dma_wait3A_911, %dma_wait3A_925] : memref<200x8x16x2048xf32, #tpu.memory_space<hbm>> -> memref<1x1x1x2048xf32, #tpu.memory_space<hbm>>
        %dma_wait3A_927 = tpu.memref_squeeze %dma_wait3A_926 : memref<1x1x1x2048xf32, #tpu.memory_space<hbm>> -> memref<2048xf32, #tpu.memory_space<hbm>>
        tpu.wait_dma2 semaphore(%dma_wait3A_921 : memref<!tpu.dma_semaphore, #tpu.memory_space<semaphore_mem>>) src(%dma_wait3A_927 : memref<2048xf32, #tpu.memory_space<hbm>>) dst(%dma_wait3A_924 : memref<2048xf32, #tpu.memory_space<vmem>>)
        %dma_wait3A_928 = arith.constant 0 : i32
        %dma_wait3A_929 = arith.constant 0 : i32
        %dma_wait3A_930 = arith.constant 0 : i32
        %dma_wait3A_931 = arith.constant 1 : i32
        %dma_wait3A_932 = arith.constant 1 : i32
        %dma_wait3A_933 = arith.constant 6144 : i32
        %dma_wait3A_934 = tpu.memref_slice %arg7[%dma_wait3A_931, %dma_wait3A_933] : memref<2x16384xf32, #tpu.memory_space<vmem>> -> memref<1x2048xf32, #tpu.memory_space<vmem>>
        %dma_wait3A_935 = tpu.memref_squeeze %dma_wait3A_934 : memref<1x2048xf32, #tpu.memory_space<vmem>> -> memref<2048xf32, #tpu.memory_space<vmem>>
        %dma_wait3A_936 = arith.constant 0 : i32
        %dma_wait3A_937 = tpu.memref_slice %arg4[%dma_wait3A_928, %dma_wait3A_929, %dma_wait3A_930, %dma_wait3A_936] : memref<200x8x16x2048xf32, #tpu.memory_space<hbm>> -> memref<1x1x1x2048xf32, #tpu.memory_space<hbm>>
        %dma_wait3A_938 = tpu.memref_squeeze %dma_wait3A_937 : memref<1x1x1x2048xf32, #tpu.memory_space<hbm>> -> memref<2048xf32, #tpu.memory_space<hbm>>
        %dma_wait3A_939 = tpu.memref_slice %arg9[%dma_wait3A_932] : memref<2x!tpu.dma_semaphore, #tpu.memory_space<semaphore_mem>> -> memref<1x!tpu.dma_semaphore, #tpu.memory_space<semaphore_mem>>
        %dma_wait3A_940 = tpu.memref_squeeze %dma_wait3A_939 : memref<1x!tpu.dma_semaphore, #tpu.memory_space<semaphore_mem>> -> memref<!tpu.dma_semaphore, #tpu.memory_space<semaphore_mem>>
        %dma_wait3A_941 = arith.constant 6144 : i32
        %dma_wait3A_942 = tpu.memref_slice %arg7[%dma_wait3A_931, %dma_wait3A_941] : memref<2x16384xf32, #tpu.memory_space<vmem>> -> memref<1x2048xf32, #tpu.memory_space<vmem>>
        %dma_wait3A_943 = tpu.memref_squeeze %dma_wait3A_942 : memref<1x2048xf32, #tpu.memory_space<vmem>> -> memref<2048xf32, #tpu.memory_space<vmem>>
        %dma_wait3A_944 = arith.constant 0 : i32
        %dma_wait3A_945 = tpu.memref_slice %arg4[%dma_wait3A_928, %dma_wait3A_929, %dma_wait3A_930, %dma_wait3A_944] : memref<200x8x16x2048xf32, #tpu.memory_space<hbm>> -> memref<1x1x1x2048xf32, #tpu.memory_space<hbm>>
        %dma_wait3A_946 = tpu.memref_squeeze %dma_wait3A_945 : memref<1x1x1x2048xf32, #tpu.memory_space<hbm>> -> memref<2048xf32, #tpu.memory_space<hbm>>
        tpu.wait_dma2 semaphore(%dma_wait3A_940 : memref<!tpu.dma_semaphore, #tpu.memory_space<semaphore_mem>>) src(%dma_wait3A_946 : memref<2048xf32, #tpu.memory_space<hbm>>) dst(%dma_wait3A_943 : memref<2048xf32, #tpu.memory_space<vmem>>)
        %dma_wait3A_947 = arith.constant 0 : i32
        %dma_wait3A_948 = arith.constant 0 : i32
        %dma_wait3A_949 = arith.constant 0 : i32
        %dma_wait3A_950 = arith.constant 1 : i32
        %dma_wait3A_951 = arith.constant 1 : i32
        %dma_wait3A_952 = arith.constant 8192 : i32
        %dma_wait3A_953 = tpu.memref_slice %arg7[%dma_wait3A_950, %dma_wait3A_952] : memref<2x16384xf32, #tpu.memory_space<vmem>> -> memref<1x2048xf32, #tpu.memory_space<vmem>>
        %dma_wait3A_954 = tpu.memref_squeeze %dma_wait3A_953 : memref<1x2048xf32, #tpu.memory_space<vmem>> -> memref<2048xf32, #tpu.memory_space<vmem>>
        %dma_wait3A_955 = arith.constant 0 : i32
        %dma_wait3A_956 = tpu.memref_slice %arg4[%dma_wait3A_947, %dma_wait3A_948, %dma_wait3A_949, %dma_wait3A_955] : memref<200x8x16x2048xf32, #tpu.memory_space<hbm>> -> memref<1x1x1x2048xf32, #tpu.memory_space<hbm>>
        %dma_wait3A_957 = tpu.memref_squeeze %dma_wait3A_956 : memref<1x1x1x2048xf32, #tpu.memory_space<hbm>> -> memref<2048xf32, #tpu.memory_space<hbm>>
        %dma_wait3A_958 = tpu.memref_slice %arg9[%dma_wait3A_951] : memref<2x!tpu.dma_semaphore, #tpu.memory_space<semaphore_mem>> -> memref<1x!tpu.dma_semaphore, #tpu.memory_space<semaphore_mem>>
        %dma_wait3A_959 = tpu.memref_squeeze %dma_wait3A_958 : memref<1x!tpu.dma_semaphore, #tpu.memory_space<semaphore_mem>> -> memref<!tpu.dma_semaphore, #tpu.memory_space<semaphore_mem>>
        %dma_wait3A_960 = arith.constant 8192 : i32
        %dma_wait3A_961 = tpu.memref_slice %arg7[%dma_wait3A_950, %dma_wait3A_960] : memref<2x16384xf32, #tpu.memory_space<vmem>> -> memref<1x2048xf32, #tpu.memory_space<vmem>>
        %dma_wait3A_962 = tpu.memref_squeeze %dma_wait3A_961 : memref<1x2048xf32, #tpu.memory_space<vmem>> -> memref<2048xf32, #tpu.memory_space<vmem>>
        %dma_wait3A_963 = arith.constant 0 : i32
        %dma_wait3A_964 = tpu.memref_slice %arg4[%dma_wait3A_947, %dma_wait3A_948, %dma_wait3A_949, %dma_wait3A_963] : memref<200x8x16x2048xf32, #tpu.memory_space<hbm>> -> memref<1x1x1x2048xf32, #tpu.memory_space<hbm>>
        %dma_wait3A_965 = tpu.memref_squeeze %dma_wait3A_964 : memref<1x1x1x2048xf32, #tpu.memory_space<hbm>> -> memref<2048xf32, #tpu.memory_space<hbm>>
        tpu.wait_dma2 semaphore(%dma_wait3A_959 : memref<!tpu.dma_semaphore, #tpu.memory_space<semaphore_mem>>) src(%dma_wait3A_965 : memref<2048xf32, #tpu.memory_space<hbm>>) dst(%dma_wait3A_962 : memref<2048xf32, #tpu.memory_space<vmem>>)
        %dma_wait3A_966 = arith.constant 0 : i32
        %dma_wait3A_967 = arith.constant 0 : i32
        %dma_wait3A_968 = arith.constant 0 : i32
        %dma_wait3A_969 = arith.constant 1 : i32
        %dma_wait3A_970 = arith.constant 1 : i32
        %dma_wait3A_971 = arith.constant 10240 : i32
        %dma_wait3A_972 = tpu.memref_slice %arg7[%dma_wait3A_969, %dma_wait3A_971] : memref<2x16384xf32, #tpu.memory_space<vmem>> -> memref<1x2048xf32, #tpu.memory_space<vmem>>
        %dma_wait3A_973 = tpu.memref_squeeze %dma_wait3A_972 : memref<1x2048xf32, #tpu.memory_space<vmem>> -> memref<2048xf32, #tpu.memory_space<vmem>>
        %dma_wait3A_974 = arith.constant 0 : i32
        %dma_wait3A_975 = tpu.memref_slice %arg4[%dma_wait3A_966, %dma_wait3A_967, %dma_wait3A_968, %dma_wait3A_974] : memref<200x8x16x2048xf32, #tpu.memory_space<hbm>> -> memref<1x1x1x2048xf32, #tpu.memory_space<hbm>>
        %dma_wait3A_976 = tpu.memref_squeeze %dma_wait3A_975 : memref<1x1x1x2048xf32, #tpu.memory_space<hbm>> -> memref<2048xf32, #tpu.memory_space<hbm>>
        %dma_wait3A_977 = tpu.memref_slice %arg9[%dma_wait3A_970] : memref<2x!tpu.dma_semaphore, #tpu.memory_space<semaphore_mem>> -> memref<1x!tpu.dma_semaphore, #tpu.memory_space<semaphore_mem>>
        %dma_wait3A_978 = tpu.memref_squeeze %dma_wait3A_977 : memref<1x!tpu.dma_semaphore, #tpu.memory_space<semaphore_mem>> -> memref<!tpu.dma_semaphore, #tpu.memory_space<semaphore_mem>>
        %dma_wait3A_979 = arith.constant 10240 : i32
        %dma_wait3A_980 = tpu.memref_slice %arg7[%dma_wait3A_969, %dma_wait3A_979] : memref<2x16384xf32, #tpu.memory_space<vmem>> -> memref<1x2048xf32, #tpu.memory_space<vmem>>
        %dma_wait3A_981 = tpu.memref_squeeze %dma_wait3A_980 : memref<1x2048xf32, #tpu.memory_space<vmem>> -> memref<2048xf32, #tpu.memory_space<vmem>>
        %dma_wait3A_982 = arith.constant 0 : i32
        %dma_wait3A_983 = tpu.memref_slice %arg4[%dma_wait3A_966, %dma_wait3A_967, %dma_wait3A_968, %dma_wait3A_982] : memref<200x8x16x2048xf32, #tpu.memory_space<hbm>> -> memref<1x1x1x2048xf32, #tpu.memory_space<hbm>>
        %dma_wait3A_984 = tpu.memref_squeeze %dma_wait3A_983 : memref<1x1x1x2048xf32, #tpu.memory_space<hbm>> -> memref<2048xf32, #tpu.memory_space<hbm>>
        tpu.wait_dma2 semaphore(%dma_wait3A_978 : memref<!tpu.dma_semaphore, #tpu.memory_space<semaphore_mem>>) src(%dma_wait3A_984 : memref<2048xf32, #tpu.memory_space<hbm>>) dst(%dma_wait3A_981 : memref<2048xf32, #tpu.memory_space<vmem>>)
        %dma_wait3A_985 = arith.constant 0 : i32
        %dma_wait3A_986 = arith.constant 0 : i32
        %dma_wait3A_987 = arith.constant 0 : i32
        %dma_wait3A_988 = arith.constant 1 : i32
        %dma_wait3A_989 = arith.constant 1 : i32
        %dma_wait3A_990 = arith.constant 12288 : i32
        %dma_wait3A_991 = tpu.memref_slice %arg7[%dma_wait3A_988, %dma_wait3A_990] : memref<2x16384xf32, #tpu.memory_space<vmem>> -> memref<1x2048xf32, #tpu.memory_space<vmem>>
        %dma_wait3A_992 = tpu.memref_squeeze %dma_wait3A_991 : memref<1x2048xf32, #tpu.memory_space<vmem>> -> memref<2048xf32, #tpu.memory_space<vmem>>
        %dma_wait3A_993 = arith.constant 0 : i32
        %dma_wait3A_994 = tpu.memref_slice %arg4[%dma_wait3A_985, %dma_wait3A_986, %dma_wait3A_987, %dma_wait3A_993] : memref<200x8x16x2048xf32, #tpu.memory_space<hbm>> -> memref<1x1x1x2048xf32, #tpu.memory_space<hbm>>
        %dma_wait3A_995 = tpu.memref_squeeze %dma_wait3A_994 : memref<1x1x1x2048xf32, #tpu.memory_space<hbm>> -> memref<2048xf32, #tpu.memory_space<hbm>>
        %dma_wait3A_996 = tpu.memref_slice %arg9[%dma_wait3A_989] : memref<2x!tpu.dma_semaphore, #tpu.memory_space<semaphore_mem>> -> memref<1x!tpu.dma_semaphore, #tpu.memory_space<semaphore_mem>>
        %dma_wait3A_997 = tpu.memref_squeeze %dma_wait3A_996 : memref<1x!tpu.dma_semaphore, #tpu.memory_space<semaphore_mem>> -> memref<!tpu.dma_semaphore, #tpu.memory_space<semaphore_mem>>
        %dma_wait3A_998 = arith.constant 12288 : i32
        %dma_wait3A_999 = tpu.memref_slice %arg7[%dma_wait3A_988, %dma_wait3A_998] : memref<2x16384xf32, #tpu.memory_space<vmem>> -> memref<1x2048xf32, #tpu.memory_space<vmem>>
        %dma_wait3A_1000 = tpu.memref_squeeze %dma_wait3A_999 : memref<1x2048xf32, #tpu.memory_space<vmem>> -> memref<2048xf32, #tpu.memory_space<vmem>>
        %dma_wait3A_1001 = arith.constant 0 : i32
        %dma_wait3A_1002 = tpu.memref_slice %arg4[%dma_wait3A_985, %dma_wait3A_986, %dma_wait3A_987, %dma_wait3A_1001] : memref<200x8x16x2048xf32, #tpu.memory_space<hbm>> -> memref<1x1x1x2048xf32, #tpu.memory_space<hbm>>
        %dma_wait3A_1003 = tpu.memref_squeeze %dma_wait3A_1002 : memref<1x1x1x2048xf32, #tpu.memory_space<hbm>> -> memref<2048xf32, #tpu.memory_space<hbm>>
        tpu.wait_dma2 semaphore(%dma_wait3A_997 : memref<!tpu.dma_semaphore, #tpu.memory_space<semaphore_mem>>) src(%dma_wait3A_1003 : memref<2048xf32, #tpu.memory_space<hbm>>) dst(%dma_wait3A_1000 : memref<2048xf32, #tpu.memory_space<vmem>>)
        %dma_wait3A_1004 = arith.constant 0 : i32
        %dma_wait3A_1005 = arith.constant 0 : i32
        %dma_wait3A_1006 = arith.constant 0 : i32
        %dma_wait3A_1007 = arith.constant 1 : i32
        %dma_wait3A_1008 = arith.constant 1 : i32
        %dma_wait3A_1009 = arith.constant 14336 : i32
        %dma_wait3A_1010 = tpu.memref_slice %arg7[%dma_wait3A_1007, %dma_wait3A_1009] : memref<2x16384xf32, #tpu.memory_space<vmem>> -> memref<1x2048xf32, #tpu.memory_space<vmem>>
        %dma_wait3A_1011 = tpu.memref_squeeze %dma_wait3A_1010 : memref<1x2048xf32, #tpu.memory_space<vmem>> -> memref<2048xf32, #tpu.memory_space<vmem>>
        %dma_wait3A_1012 = arith.constant 0 : i32
        %dma_wait3A_1013 = tpu.memref_slice %arg4[%dma_wait3A_1004, %dma_wait3A_1005, %dma_wait3A_1006, %dma_wait3A_1012] : memref<200x8x16x2048xf32, #tpu.memory_space<hbm>> -> memref<1x1x1x2048xf32, #tpu.memory_space<hbm>>
        %dma_wait3A_1014 = tpu.memref_squeeze %dma_wait3A_1013 : memref<1x1x1x2048xf32, #tpu.memory_space<hbm>> -> memref<2048xf32, #tpu.memory_space<hbm>>
        %dma_wait3A_1015 = tpu.memref_slice %arg9[%dma_wait3A_1008] : memref<2x!tpu.dma_semaphore, #tpu.memory_space<semaphore_mem>> -> memref<1x!tpu.dma_semaphore, #tpu.memory_space<semaphore_mem>>
        %dma_wait3A_1016 = tpu.memref_squeeze %dma_wait3A_1015 : memref<1x!tpu.dma_semaphore, #tpu.memory_space<semaphore_mem>> -> memref<!tpu.dma_semaphore, #tpu.memory_space<semaphore_mem>>
        %dma_wait3A_1017 = arith.constant 14336 : i32
        %dma_wait3A_1018 = tpu.memref_slice %arg7[%dma_wait3A_1007, %dma_wait3A_1017] : memref<2x16384xf32, #tpu.memory_space<vmem>> -> memref<1x2048xf32, #tpu.memory_space<vmem>>
        %dma_wait3A_1019 = tpu.memref_squeeze %dma_wait3A_1018 : memref<1x2048xf32, #tpu.memory_space<vmem>> -> memref<2048xf32, #tpu.memory_space<vmem>>
        %dma_wait3A_1020 = arith.constant 0 : i32
        %dma_wait3A_1021 = tpu.memref_slice %arg4[%dma_wait3A_1004, %dma_wait3A_1005, %dma_wait3A_1006, %dma_wait3A_1020] : memref<200x8x16x2048xf32, #tpu.memory_space<hbm>> -> memref<1x1x1x2048xf32, #tpu.memory_space<hbm>>
        %dma_wait3A_1022 = tpu.memref_squeeze %dma_wait3A_1021 : memref<1x1x1x2048xf32, #tpu.memory_space<hbm>> -> memref<2048xf32, #tpu.memory_space<hbm>>
        tpu.wait_dma2 semaphore(%dma_wait3A_1016 : memref<!tpu.dma_semaphore, #tpu.memory_space<semaphore_mem>>) src(%dma_wait3A_1022 : memref<2048xf32, #tpu.memory_space<hbm>>) dst(%dma_wait3A_1019 : memref<2048xf32, #tpu.memory_space<vmem>>)
      } else {
      }
      %parallel_loop3A_720 = arith.constant 0 : i32
      %parallel_loop3A_721 = arith.constant 128 : i32
      %parallel_loop3A_722 = arith.constant 1 : i32
      scf.for %parallel_loop3A_871 = %parallel_loop3A_720 to %parallel_loop3A_721 step %parallel_loop3A_722  : i32 {
        %parallel_loop3A_872 = vector.broadcast %parallel_loop3A_871 : i32 to vector<16xi32>
        %parallel_loop3A_873 = arith.addi %parallel_loop3A_872, %iota3A : vector<16xi32>
        %parallel_loop3A_874 = arith.constant 127 : i32
        %parallel_loop3A_875 = vector.broadcast %parallel_loop3A_874 : i32 to vector<16xi32>
        %parallel_loop3A_876 = arith.andi %parallel_loop3A_873, %parallel_loop3A_875 : vector<16xi32>
        %parallel_loop3A_877 = arith.constant 0 : i32
        %parallel_loop3A_878 = vector.broadcast %parallel_loop3A_877 : i32 to vector<16xi32>
        %parallel_loop3A_879 = arith.addi %parallel_loop3A_876, %parallel_loop3A_878 : vector<16xi32>
        %parallel_loop3A_880 = arith.constant 1 : i32
        %parallel_loop3A_881 = arith.constant 0 : i32
        %parallel_loop3A_882 = arith.constant 0 : i32
        %parallel_loop3A_883 = tpu.memref_slice %arg6[%parallel_loop3A_880, %parallel_loop3A_881, %parallel_loop3A_882] : memref<2x256x64xf32, #tpu.memory_space<vmem>> -> memref<1x256x64xf32, #tpu.memory_space<vmem>>
        %parallel_loop3A_884 = tpu.memref_squeeze %parallel_loop3A_883 : memref<1x256x64xf32, #tpu.memory_space<vmem>> -> memref<256x64xf32, #tpu.memory_space<vmem>>
        %parallel_loop3A_885 = tpu.vector_load_idx %parallel_loop3A_884[%parallel_loop3A_879, %add3A_5] : memref<256x64xf32, #tpu.memory_space<vmem>>[vector<16xi32>, vector<16xi32>], vector<16xf32>,
        %parallel_loop3A_886 = arith.addi %add3A_28, %parallel_loop3A_876 : vector<16xi32>
        %parallel_loop3A_887 = arith.constant 8.000000e+00 : f32
        %parallel_loop3A_888 = vector.broadcast %parallel_loop3A_887 : f32 to vector<16xf32>
        %parallel_loop3A_889 = arith.mulf %parallel_loop3A_885, %parallel_loop3A_888 : vector<16xf32>
        %parallel_loop3A_890 = arith.constant 1 : i32
        %parallel_loop3A_891 = arith.constant 0 : i32
        %parallel_loop3A_892 = tpu.memref_slice %arg7[%parallel_loop3A_890, %parallel_loop3A_891] : memref<2x16384xf32, #tpu.memory_space<vmem>> -> memref<1x16384xf32, #tpu.memory_space<vmem>>
        %parallel_loop3A_893 = tpu.memref_squeeze %parallel_loop3A_892 : memref<1x16384xf32, #tpu.memory_space<vmem>> -> memref<16384xf32, #tpu.memory_space<vmem>>
        tpu.vector_store_idx %parallel_loop3A_893[%parallel_loop3A_886], %parallel_loop3A_889 : memref<16384xf32, #tpu.memory_space<vmem>>[vector<16xi32>], vector<16xf32>,
        %parallel_loop3A_894 = arith.constant 1 : i32
        %parallel_loop3A_895 = arith.constant 0 : i32
        %parallel_loop3A_896 = arith.constant 0 : i32
        %parallel_loop3A_897 = tpu.memref_slice %arg6[%parallel_loop3A_894, %parallel_loop3A_895, %parallel_loop3A_896] : memref<2x256x64xf32, #tpu.memory_space<vmem>> -> memref<1x256x64xf32, #tpu.memory_space<vmem>>
        %parallel_loop3A_898 = tpu.memref_squeeze %parallel_loop3A_897 : memref<1x256x64xf32, #tpu.memory_space<vmem>> -> memref<256x64xf32, #tpu.memory_space<vmem>>
        %parallel_loop3A_899 = tpu.vector_load_idx %parallel_loop3A_898[%parallel_loop3A_879, %add3A_8] : memref<256x64xf32, #tpu.memory_space<vmem>>[vector<16xi32>, vector<16xi32>], vector<16xf32>,
        %parallel_loop3A_900 = arith.addi %add3A_44, %parallel_loop3A_876 : vector<16xi32>
        %parallel_loop3A_901 = arith.constant 8.000000e+00 : f32
        %parallel_loop3A_902 = vector.broadcast %parallel_loop3A_901 : f32 to vector<16xf32>
        %parallel_loop3A_903 = arith.mulf %parallel_loop3A_899, %parallel_loop3A_902 : vector<16xf32>
        %parallel_loop3A_904 = arith.constant 1 : i32
        %parallel_loop3A_905 = arith.constant 0 : i32
        %parallel_loop3A_906 = tpu.memref_slice %arg7[%parallel_loop3A_904, %parallel_loop3A_905] : memref<2x16384xf32, #tpu.memory_space<vmem>> -> memref<1x16384xf32, #tpu.memory_space<vmem>>
        %parallel_loop3A_907 = tpu.memref_squeeze %parallel_loop3A_906 : memref<1x16384xf32, #tpu.memory_space<vmem>> -> memref<16384xf32, #tpu.memory_space<vmem>>
        tpu.vector_store_idx %parallel_loop3A_907[%parallel_loop3A_900], %parallel_loop3A_903 : memref<16384xf32, #tpu.memory_space<vmem>>[vector<16xi32>], vector<16xf32>,
        %parallel_loop3A_908 = arith.constant 1 : i32
        %parallel_loop3A_909 = arith.constant 0 : i32
        %parallel_loop3A_910 = arith.constant 0 : i32
        %parallel_loop3A_911 = tpu.memref_slice %arg6[%parallel_loop3A_908, %parallel_loop3A_909, %parallel_loop3A_910] : memref<2x256x64xf32, #tpu.memory_space<vmem>> -> memref<1x256x64xf32, #tpu.memory_space<vmem>>
        %parallel_loop3A_912 = tpu.memref_squeeze %parallel_loop3A_911 : memref<1x256x64xf32, #tpu.memory_space<vmem>> -> memref<256x64xf32, #tpu.memory_space<vmem>>
        %parallel_loop3A_913 = tpu.vector_load_idx %parallel_loop3A_912[%parallel_loop3A_879, %add3A_11] : memref<256x64xf32, #tpu.memory_space<vmem>>[vector<16xi32>, vector<16xi32>], vector<16xf32>,
        %parallel_loop3A_914 = arith.addi %add3A_60, %parallel_loop3A_876 : vector<16xi32>
        %parallel_loop3A_915 = arith.constant 8.000000e+00 : f32
        %parallel_loop3A_916 = vector.broadcast %parallel_loop3A_915 : f32 to vector<16xf32>
        %parallel_loop3A_917 = arith.mulf %parallel_loop3A_913, %parallel_loop3A_916 : vector<16xf32>
        %parallel_loop3A_918 = arith.constant 1 : i32
        %parallel_loop3A_919 = arith.constant 0 : i32
        %parallel_loop3A_920 = tpu.memref_slice %arg7[%parallel_loop3A_918, %parallel_loop3A_919] : memref<2x16384xf32, #tpu.memory_space<vmem>> -> memref<1x16384xf32, #tpu.memory_space<vmem>>
        %parallel_loop3A_921 = tpu.memref_squeeze %parallel_loop3A_920 : memref<1x16384xf32, #tpu.memory_space<vmem>> -> memref<16384xf32, #tpu.memory_space<vmem>>
        tpu.vector_store_idx %parallel_loop3A_921[%parallel_loop3A_914], %parallel_loop3A_917 : memref<16384xf32, #tpu.memory_space<vmem>>[vector<16xi32>], vector<16xf32>,
        %parallel_loop3A_922 = arith.constant 1 : i32
        %parallel_loop3A_923 = arith.constant 0 : i32
        %parallel_loop3A_924 = arith.constant 0 : i32
        %parallel_loop3A_925 = tpu.memref_slice %arg6[%parallel_loop3A_922, %parallel_loop3A_923, %parallel_loop3A_924] : memref<2x256x64xf32, #tpu.memory_space<vmem>> -> memref<1x256x64xf32, #tpu.memory_space<vmem>>
        %parallel_loop3A_926 = tpu.memref_squeeze %parallel_loop3A_925 : memref<1x256x64xf32, #tpu.memory_space<vmem>> -> memref<256x64xf32, #tpu.memory_space<vmem>>
        %parallel_loop3A_927 = tpu.vector_load_idx %parallel_loop3A_926[%parallel_loop3A_879, %add3A_14] : memref<256x64xf32, #tpu.memory_space<vmem>>[vector<16xi32>, vector<16xi32>], vector<16xf32>,
        %parallel_loop3A_928 = arith.addi %add3A_76, %parallel_loop3A_876 : vector<16xi32>
        %parallel_loop3A_929 = arith.constant 8.000000e+00 : f32
        %parallel_loop3A_930 = vector.broadcast %parallel_loop3A_929 : f32 to vector<16xf32>
        %parallel_loop3A_931 = arith.mulf %parallel_loop3A_927, %parallel_loop3A_930 : vector<16xf32>
        %parallel_loop3A_932 = arith.constant 1 : i32
        %parallel_loop3A_933 = arith.constant 0 : i32
        %parallel_loop3A_934 = tpu.memref_slice %arg7[%parallel_loop3A_932, %parallel_loop3A_933] : memref<2x16384xf32, #tpu.memory_space<vmem>> -> memref<1x16384xf32, #tpu.memory_space<vmem>>
        %parallel_loop3A_935 = tpu.memref_squeeze %parallel_loop3A_934 : memref<1x16384xf32, #tpu.memory_space<vmem>> -> memref<16384xf32, #tpu.memory_space<vmem>>
        tpu.vector_store_idx %parallel_loop3A_935[%parallel_loop3A_928], %parallel_loop3A_931 : memref<16384xf32, #tpu.memory_space<vmem>>[vector<16xi32>], vector<16xf32>,
      } {sc.loop_unroll_factor = 4 : i64, sc.parallel_access}
      %parallel_loop3A_723 = arith.constant 0 : i32
      %parallel_loop3A_724 = arith.constant 128 : i32
      %parallel_loop3A_725 = arith.constant 1 : i32
      scf.for %parallel_loop3A_871 = %parallel_loop3A_723 to %parallel_loop3A_724 step %parallel_loop3A_725  : i32 {
        %parallel_loop3A_872 = vector.broadcast %parallel_loop3A_871 : i32 to vector<16xi32>
        %parallel_loop3A_873 = arith.addi %parallel_loop3A_872, %iota3A : vector<16xi32>
        %parallel_loop3A_874 = arith.constant 127 : i32
        %parallel_loop3A_875 = vector.broadcast %parallel_loop3A_874 : i32 to vector<16xi32>
        %parallel_loop3A_876 = arith.andi %parallel_loop3A_873, %parallel_loop3A_875 : vector<16xi32>
        %parallel_loop3A_877 = arith.constant 128 : i32
        %parallel_loop3A_878 = vector.broadcast %parallel_loop3A_877 : i32 to vector<16xi32>
        %parallel_loop3A_879 = arith.addi %parallel_loop3A_876, %parallel_loop3A_878 : vector<16xi32>
        %parallel_loop3A_880 = arith.constant 1 : i32
        %parallel_loop3A_881 = arith.constant 0 : i32
        %parallel_loop3A_882 = arith.constant 0 : i32
        %parallel_loop3A_883 = tpu.memref_slice %arg6[%parallel_loop3A_880, %parallel_loop3A_881, %parallel_loop3A_882] : memref<2x256x64xf32, #tpu.memory_space<vmem>> -> memref<1x256x64xf32, #tpu.memory_space<vmem>>
        %parallel_loop3A_884 = tpu.memref_squeeze %parallel_loop3A_883 : memref<1x256x64xf32, #tpu.memory_space<vmem>> -> memref<256x64xf32, #tpu.memory_space<vmem>>
        %parallel_loop3A_885 = tpu.vector_load_idx %parallel_loop3A_884[%parallel_loop3A_879, %add3A_5] : memref<256x64xf32, #tpu.memory_space<vmem>>[vector<16xi32>, vector<16xi32>], vector<16xf32>,
        %parallel_loop3A_886 = arith.addi %add3A_92, %parallel_loop3A_876 : vector<16xi32>
        %parallel_loop3A_887 = arith.constant 8.000000e+00 : f32
        %parallel_loop3A_888 = vector.broadcast %parallel_loop3A_887 : f32 to vector<16xf32>
        %parallel_loop3A_889 = arith.mulf %parallel_loop3A_885, %parallel_loop3A_888 : vector<16xf32>
        %parallel_loop3A_890 = arith.constant 1 : i32
        %parallel_loop3A_891 = arith.constant 0 : i32
        %parallel_loop3A_892 = tpu.memref_slice %arg7[%parallel_loop3A_890, %parallel_loop3A_891] : memref<2x16384xf32, #tpu.memory_space<vmem>> -> memref<1x16384xf32, #tpu.memory_space<vmem>>
        %parallel_loop3A_893 = tpu.memref_squeeze %parallel_loop3A_892 : memref<1x16384xf32, #tpu.memory_space<vmem>> -> memref<16384xf32, #tpu.memory_space<vmem>>
        tpu.vector_store_idx %parallel_loop3A_893[%parallel_loop3A_886], %parallel_loop3A_889 : memref<16384xf32, #tpu.memory_space<vmem>>[vector<16xi32>], vector<16xf32>,
        %parallel_loop3A_894 = arith.constant 1 : i32
        %parallel_loop3A_895 = arith.constant 0 : i32
        %parallel_loop3A_896 = arith.constant 0 : i32
        %parallel_loop3A_897 = tpu.memref_slice %arg6[%parallel_loop3A_894, %parallel_loop3A_895, %parallel_loop3A_896] : memref<2x256x64xf32, #tpu.memory_space<vmem>> -> memref<1x256x64xf32, #tpu.memory_space<vmem>>
        %parallel_loop3A_898 = tpu.memref_squeeze %parallel_loop3A_897 : memref<1x256x64xf32, #tpu.memory_space<vmem>> -> memref<256x64xf32, #tpu.memory_space<vmem>>
        %parallel_loop3A_899 = tpu.vector_load_idx %parallel_loop3A_898[%parallel_loop3A_879, %add3A_8] : memref<256x64xf32, #tpu.memory_space<vmem>>[vector<16xi32>, vector<16xi32>], vector<16xf32>,
        %parallel_loop3A_900 = arith.addi %add3A_108, %parallel_loop3A_876 : vector<16xi32>
        %parallel_loop3A_901 = arith.constant 8.000000e+00 : f32
        %parallel_loop3A_902 = vector.broadcast %parallel_loop3A_901 : f32 to vector<16xf32>
        %parallel_loop3A_903 = arith.mulf %parallel_loop3A_899, %parallel_loop3A_902 : vector<16xf32>
        %parallel_loop3A_904 = arith.constant 1 : i32
        %parallel_loop3A_905 = arith.constant 0 : i32
        %parallel_loop3A_906 = tpu.memref_slice %arg7[%parallel_loop3A_904, %parallel_loop3A_905] : memref<2x16384xf32, #tpu.memory_space<vmem>> -> memref<1x16384xf32, #tpu.memory_space<vmem>>
        %parallel_loop3A_907 = tpu.memref_squeeze %parallel_loop3A_906 : memref<1x16384xf32, #tpu.memory_space<vmem>> -> memref<16384xf32, #tpu.memory_space<vmem>>
        tpu.vector_store_idx %parallel_loop3A_907[%parallel_loop3A_900], %parallel_loop3A_903 : memref<16384xf32, #tpu.memory_space<vmem>>[vector<16xi32>], vector<16xf32>,
        %parallel_loop3A_908 = arith.constant 1 : i32
        %parallel_loop3A_909 = arith.constant 0 : i32
        %parallel_loop3A_910 = arith.constant 0 : i32
        %parallel_loop3A_911 = tpu.memref_slice %arg6[%parallel_loop3A_908, %parallel_loop3A_909, %parallel_loop3A_910] : memref<2x256x64xf32, #tpu.memory_space<vmem>> -> memref<1x256x64xf32, #tpu.memory_space<vmem>>
        %parallel_loop3A_912 = tpu.memref_squeeze %parallel_loop3A_911 : memref<1x256x64xf32, #tpu.memory_space<vmem>> -> memref<256x64xf32, #tpu.memory_space<vmem>>
        %parallel_loop3A_913 = tpu.vector_load_idx %parallel_loop3A_912[%parallel_loop3A_879, %add3A_11] : memref<256x64xf32, #tpu.memory_space<vmem>>[vector<16xi32>, vector<16xi32>], vector<16xf32>,
        %parallel_loop3A_914 = arith.addi %add3A_124, %parallel_loop3A_876 : vector<16xi32>
        %parallel_loop3A_915 = arith.constant 8.000000e+00 : f32
        %parallel_loop3A_916 = vector.broadcast %parallel_loop3A_915 : f32 to vector<16xf32>
        %parallel_loop3A_917 = arith.mulf %parallel_loop3A_913, %parallel_loop3A_916 : vector<16xf32>
        %parallel_loop3A_918 = arith.constant 1 : i32
        %parallel_loop3A_919 = arith.constant 0 : i32
        %parallel_loop3A_920 = tpu.memref_slice %arg7[%parallel_loop3A_918, %parallel_loop3A_919] : memref<2x16384xf32, #tpu.memory_space<vmem>> -> memref<1x16384xf32, #tpu.memory_space<vmem>>
        %parallel_loop3A_921 = tpu.memref_squeeze %parallel_loop3A_920 : memref<1x16384xf32, #tpu.memory_space<vmem>> -> memref<16384xf32, #tpu.memory_space<vmem>>
        tpu.vector_store_idx %parallel_loop3A_921[%parallel_loop3A_914], %parallel_loop3A_917 : memref<16384xf32, #tpu.memory_space<vmem>>[vector<16xi32>], vector<16xf32>,
        %parallel_loop3A_922 = arith.constant 1 : i32
        %parallel_loop3A_923 = arith.constant 0 : i32
        %parallel_loop3A_924 = arith.constant 0 : i32
        %parallel_loop3A_925 = tpu.memref_slice %arg6[%parallel_loop3A_922, %parallel_loop3A_923, %parallel_loop3A_924] : memref<2x256x64xf32, #tpu.memory_space<vmem>> -> memref<1x256x64xf32, #tpu.memory_space<vmem>>
        %parallel_loop3A_926 = tpu.memref_squeeze %parallel_loop3A_925 : memref<1x256x64xf32, #tpu.memory_space<vmem>> -> memref<256x64xf32, #tpu.memory_space<vmem>>
        %parallel_loop3A_927 = tpu.vector_load_idx %parallel_loop3A_926[%parallel_loop3A_879, %add3A_14] : memref<256x64xf32, #tpu.memory_space<vmem>>[vector<16xi32>, vector<16xi32>], vector<16xf32>,
        %parallel_loop3A_928 = arith.addi %add3A_140, %parallel_loop3A_876 : vector<16xi32>
        %parallel_loop3A_929 = arith.constant 8.000000e+00 : f32
        %parallel_loop3A_930 = vector.broadcast %parallel_loop3A_929 : f32 to vector<16xf32>
        %parallel_loop3A_931 = arith.mulf %parallel_loop3A_927, %parallel_loop3A_930 : vector<16xf32>
        %parallel_loop3A_932 = arith.constant 1 : i32
        %parallel_loop3A_933 = arith.constant 0 : i32
        %parallel_loop3A_934 = tpu.memref_slice %arg7[%parallel_loop3A_932, %parallel_loop3A_933] : memref<2x16384xf32, #tpu.memory_space<vmem>> -> memref<1x16384xf32, #tpu.memory_space<vmem>>
        %parallel_loop3A_935 = tpu.memref_squeeze %parallel_loop3A_934 : memref<1x16384xf32, #tpu.memory_space<vmem>> -> memref<16384xf32, #tpu.memory_space<vmem>>
        tpu.vector_store_idx %parallel_loop3A_935[%parallel_loop3A_928], %parallel_loop3A_931 : memref<16384xf32, #tpu.memory_space<vmem>>[vector<16xi32>], vector<16xf32>,
      } {sc.loop_unroll_factor = 4 : i64, sc.parallel_access}
      %div3A_726 = arith.constant 2 : i32
      %div3A_727 = arith.divsi %rem3A_696, %div3A_726 : i32
      %dma_start3A_728 = arith.constant 1 : i32
      %dma_start3A_729 = arith.constant 0 : i32
      %dma_start3A_730 = arith.constant 1 : i32
      %dma_start3A_731 = arith.constant 0 : i32
      %dma_start3A_732 = tpu.memref_slice %arg7[%dma_start3A_728, %dma_start3A_731] : memref<2x16384xf32, #tpu.memory_space<vmem>> -> memref<1x2048xf32, #tpu.memory_space<vmem>>
      %dma_start3A_733 = tpu.memref_squeeze %dma_start3A_732 : memref<1x2048xf32, #tpu.memory_space<vmem>> -> memref<2048xf32, #tpu.memory_space<vmem>>
      %dma_start3A_734 = arith.constant 0 : i32
      %dma_start3A_735 = tpu.memref_slice %arg4[%div3A_694, %dma_start3A_729, %div3A_727, %dma_start3A_734] : memref<200x8x16x2048xf32, #tpu.memory_space<hbm>> -> memref<1x1x1x2048xf32, #tpu.memory_space<hbm>>
      %dma_start3A_736 = tpu.memref_squeeze %dma_start3A_735 : memref<1x1x1x2048xf32, #tpu.memory_space<hbm>> -> memref<2048xf32, #tpu.memory_space<hbm>>
      %dma_start3A_737 = tpu.memref_slice %arg9[%dma_start3A_730] : memref<2x!tpu.dma_semaphore, #tpu.memory_space<semaphore_mem>> -> memref<1x!tpu.dma_semaphore, #tpu.memory_space<semaphore_mem>>
      %dma_start3A_738 = tpu.memref_squeeze %dma_start3A_737 : memref<1x!tpu.dma_semaphore, #tpu.memory_space<semaphore_mem>> -> memref<!tpu.dma_semaphore, #tpu.memory_space<semaphore_mem>>
      %dma_start3A_739 = arith.constant 0 : i32
      %dma_start3A_740 = tpu.memref_slice %arg4[%div3A_694, %dma_start3A_729, %div3A_727, %dma_start3A_739] : memref<200x8x16x2048xf32, #tpu.memory_space<hbm>> -> memref<1x1x1x2048xf32, #tpu.memory_space<hbm>>
      %dma_start3A_741 = tpu.memref_squeeze %dma_start3A_740 : memref<1x1x1x2048xf32, #tpu.memory_space<hbm>> -> memref<2048xf32, #tpu.memory_space<hbm>>
      %dma_start3A_742 = arith.constant 0 : i32
      %dma_start3A_743 = tpu.memref_slice %arg7[%dma_start3A_728, %dma_start3A_742] : memref<2x16384xf32, #tpu.memory_space<vmem>> -> memref<1x2048xf32, #tpu.memory_space<vmem>>
      %dma_start3A_744 = tpu.memref_squeeze %dma_start3A_743 : memref<1x2048xf32, #tpu.memory_space<vmem>> -> memref<2048xf32, #tpu.memory_space<vmem>>
      tpu.enqueue_dma source(%dma_start3A_744 : memref<2048xf32, #tpu.memory_space<vmem>>) target(%dma_start3A_741 : memref<2048xf32, #tpu.memory_space<hbm>>) target_semaphore(%dma_start3A_738 : memref<!tpu.dma_semaphore, #tpu.memory_space<semaphore_mem>>)
      %dma_start3A_745 = arith.constant 1 : i32
      %dma_start3A_746 = arith.constant 1 : i32
      %dma_start3A_747 = arith.constant 1 : i32
      %dma_start3A_748 = arith.constant 2048 : i32
      %dma_start3A_749 = tpu.memref_slice %arg7[%dma_start3A_745, %dma_start3A_748] : memref<2x16384xf32, #tpu.memory_space<vmem>> -> memref<1x2048xf32, #tpu.memory_space<vmem>>
      %dma_start3A_750 = tpu.memref_squeeze %dma_start3A_749 : memref<1x2048xf32, #tpu.memory_space<vmem>> -> memref<2048xf32, #tpu.memory_space<vmem>>
      %dma_start3A_751 = arith.constant 0 : i32
      %dma_start3A_752 = tpu.memref_slice %arg4[%div3A_694, %dma_start3A_746, %div3A_727, %dma_start3A_751] : memref<200x8x16x2048xf32, #tpu.memory_space<hbm>> -> memref<1x1x1x2048xf32, #tpu.memory_space<hbm>>
      %dma_start3A_753 = tpu.memref_squeeze %dma_start3A_752 : memref<1x1x1x2048xf32, #tpu.memory_space<hbm>> -> memref<2048xf32, #tpu.memory_space<hbm>>
      %dma_start3A_754 = tpu.memref_slice %arg9[%dma_start3A_747] : memref<2x!tpu.dma_semaphore, #tpu.memory_space<semaphore_mem>> -> memref<1x!tpu.dma_semaphore, #tpu.memory_space<semaphore_mem>>
      %dma_start3A_755 = tpu.memref_squeeze %dma_start3A_754 : memref<1x!tpu.dma_semaphore, #tpu.memory_space<semaphore_mem>> -> memref<!tpu.dma_semaphore, #tpu.memory_space<semaphore_mem>>
      %dma_start3A_756 = arith.constant 0 : i32
      %dma_start3A_757 = tpu.memref_slice %arg4[%div3A_694, %dma_start3A_746, %div3A_727, %dma_start3A_756] : memref<200x8x16x2048xf32, #tpu.memory_space<hbm>> -> memref<1x1x1x2048xf32, #tpu.memory_space<hbm>>
      %dma_start3A_758 = tpu.memref_squeeze %dma_start3A_757 : memref<1x1x1x2048xf32, #tpu.memory_space<hbm>> -> memref<2048xf32, #tpu.memory_space<hbm>>
      %dma_start3A_759 = arith.constant 2048 : i32
      %dma_start3A_760 = tpu.memref_slice %arg7[%dma_start3A_745, %dma_start3A_759] : memref<2x16384xf32, #tpu.memory_space<vmem>> -> memref<1x2048xf32, #tpu.memory_space<vmem>>
      %dma_start3A_761 = tpu.memref_squeeze %dma_start3A_760 : memref<1x2048xf32, #tpu.memory_space<vmem>> -> memref<2048xf32, #tpu.memory_space<vmem>>
      tpu.enqueue_dma source(%dma_start3A_761 : memref<2048xf32, #tpu.memory_space<vmem>>) target(%dma_start3A_758 : memref<2048xf32, #tpu.memory_space<hbm>>) target_semaphore(%dma_start3A_755 : memref<!tpu.dma_semaphore, #tpu.memory_space<semaphore_mem>>)
      %dma_start3A_762 = arith.constant 1 : i32
      %dma_start3A_763 = arith.constant 2 : i32
      %dma_start3A_764 = arith.constant 1 : i32
      %dma_start3A_765 = arith.constant 4096 : i32
      %dma_start3A_766 = tpu.memref_slice %arg7[%dma_start3A_762, %dma_start3A_765] : memref<2x16384xf32, #tpu.memory_space<vmem>> -> memref<1x2048xf32, #tpu.memory_space<vmem>>
      %dma_start3A_767 = tpu.memref_squeeze %dma_start3A_766 : memref<1x2048xf32, #tpu.memory_space<vmem>> -> memref<2048xf32, #tpu.memory_space<vmem>>
      %dma_start3A_768 = arith.constant 0 : i32
      %dma_start3A_769 = tpu.memref_slice %arg4[%div3A_694, %dma_start3A_763, %div3A_727, %dma_start3A_768] : memref<200x8x16x2048xf32, #tpu.memory_space<hbm>> -> memref<1x1x1x2048xf32, #tpu.memory_space<hbm>>
      %dma_start3A_770 = tpu.memref_squeeze %dma_start3A_769 : memref<1x1x1x2048xf32, #tpu.memory_space<hbm>> -> memref<2048xf32, #tpu.memory_space<hbm>>
      %dma_start3A_771 = tpu.memref_slice %arg9[%dma_start3A_764] : memref<2x!tpu.dma_semaphore, #tpu.memory_space<semaphore_mem>> -> memref<1x!tpu.dma_semaphore, #tpu.memory_space<semaphore_mem>>
      %dma_start3A_772 = tpu.memref_squeeze %dma_start3A_771 : memref<1x!tpu.dma_semaphore, #tpu.memory_space<semaphore_mem>> -> memref<!tpu.dma_semaphore, #tpu.memory_space<semaphore_mem>>
      %dma_start3A_773 = arith.constant 0 : i32
      %dma_start3A_774 = tpu.memref_slice %arg4[%div3A_694, %dma_start3A_763, %div3A_727, %dma_start3A_773] : memref<200x8x16x2048xf32, #tpu.memory_space<hbm>> -> memref<1x1x1x2048xf32, #tpu.memory_space<hbm>>
      %dma_start3A_775 = tpu.memref_squeeze %dma_start3A_774 : memref<1x1x1x2048xf32, #tpu.memory_space<hbm>> -> memref<2048xf32, #tpu.memory_space<hbm>>
      %dma_start3A_776 = arith.constant 4096 : i32
      %dma_start3A_777 = tpu.memref_slice %arg7[%dma_start3A_762, %dma_start3A_776] : memref<2x16384xf32, #tpu.memory_space<vmem>> -> memref<1x2048xf32, #tpu.memory_space<vmem>>
      %dma_start3A_778 = tpu.memref_squeeze %dma_start3A_777 : memref<1x2048xf32, #tpu.memory_space<vmem>> -> memref<2048xf32, #tpu.memory_space<vmem>>
      tpu.enqueue_dma source(%dma_start3A_778 : memref<2048xf32, #tpu.memory_space<vmem>>) target(%dma_start3A_775 : memref<2048xf32, #tpu.memory_space<hbm>>) target_semaphore(%dma_start3A_772 : memref<!tpu.dma_semaphore, #tpu.memory_space<semaphore_mem>>)
      %dma_start3A_779 = arith.constant 1 : i32
      %dma_start3A_780 = arith.constant 3 : i32
      %dma_start3A_781 = arith.constant 1 : i32
      %dma_start3A_782 = arith.constant 6144 : i32
      %dma_start3A_783 = tpu.memref_slice %arg7[%dma_start3A_779, %dma_start3A_782] : memref<2x16384xf32, #tpu.memory_space<vmem>> -> memref<1x2048xf32, #tpu.memory_space<vmem>>
      %dma_start3A_784 = tpu.memref_squeeze %dma_start3A_783 : memref<1x2048xf32, #tpu.memory_space<vmem>> -> memref<2048xf32, #tpu.memory_space<vmem>>
      %dma_start3A_785 = arith.constant 0 : i32
      %dma_start3A_786 = tpu.memref_slice %arg4[%div3A_694, %dma_start3A_780, %div3A_727, %dma_start3A_785] : memref<200x8x16x2048xf32, #tpu.memory_space<hbm>> -> memref<1x1x1x2048xf32, #tpu.memory_space<hbm>>
      %dma_start3A_787 = tpu.memref_squeeze %dma_start3A_786 : memref<1x1x1x2048xf32, #tpu.memory_space<hbm>> -> memref<2048xf32, #tpu.memory_space<hbm>>
      %dma_start3A_788 = tpu.memref_slice %arg9[%dma_start3A_781] : memref<2x!tpu.dma_semaphore, #tpu.memory_space<semaphore_mem>> -> memref<1x!tpu.dma_semaphore, #tpu.memory_space<semaphore_mem>>
      %dma_start3A_789 = tpu.memref_squeeze %dma_start3A_788 : memref<1x!tpu.dma_semaphore, #tpu.memory_space<semaphore_mem>> -> memref<!tpu.dma_semaphore, #tpu.memory_space<semaphore_mem>>
      %dma_start3A_790 = arith.constant 0 : i32
      %dma_start3A_791 = tpu.memref_slice %arg4[%div3A_694, %dma_start3A_780, %div3A_727, %dma_start3A_790] : memref<200x8x16x2048xf32, #tpu.memory_space<hbm>> -> memref<1x1x1x2048xf32, #tpu.memory_space<hbm>>
      %dma_start3A_792 = tpu.memref_squeeze %dma_start3A_791 : memref<1x1x1x2048xf32, #tpu.memory_space<hbm>> -> memref<2048xf32, #tpu.memory_space<hbm>>
      %dma_start3A_793 = arith.constant 6144 : i32
      %dma_start3A_794 = tpu.memref_slice %arg7[%dma_start3A_779, %dma_start3A_793] : memref<2x16384xf32, #tpu.memory_space<vmem>> -> memref<1x2048xf32, #tpu.memory_space<vmem>>
      %dma_start3A_795 = tpu.memref_squeeze %dma_start3A_794 : memref<1x2048xf32, #tpu.memory_space<vmem>> -> memref<2048xf32, #tpu.memory_space<vmem>>
      tpu.enqueue_dma source(%dma_start3A_795 : memref<2048xf32, #tpu.memory_space<vmem>>) target(%dma_start3A_792 : memref<2048xf32, #tpu.memory_space<hbm>>) target_semaphore(%dma_start3A_789 : memref<!tpu.dma_semaphore, #tpu.memory_space<semaphore_mem>>)
      %dma_start3A_796 = arith.constant 1 : i32
      %dma_start3A_797 = arith.constant 4 : i32
      %dma_start3A_798 = arith.constant 1 : i32
      %dma_start3A_799 = arith.constant 8192 : i32
      %dma_start3A_800 = tpu.memref_slice %arg7[%dma_start3A_796, %dma_start3A_799] : memref<2x16384xf32, #tpu.memory_space<vmem>> -> memref<1x2048xf32, #tpu.memory_space<vmem>>
      %dma_start3A_801 = tpu.memref_squeeze %dma_start3A_800 : memref<1x2048xf32, #tpu.memory_space<vmem>> -> memref<2048xf32, #tpu.memory_space<vmem>>
      %dma_start3A_802 = arith.constant 0 : i32
      %dma_start3A_803 = tpu.memref_slice %arg4[%div3A_694, %dma_start3A_797, %div3A_727, %dma_start3A_802] : memref<200x8x16x2048xf32, #tpu.memory_space<hbm>> -> memref<1x1x1x2048xf32, #tpu.memory_space<hbm>>
      %dma_start3A_804 = tpu.memref_squeeze %dma_start3A_803 : memref<1x1x1x2048xf32, #tpu.memory_space<hbm>> -> memref<2048xf32, #tpu.memory_space<hbm>>
      %dma_start3A_805 = tpu.memref_slice %arg9[%dma_start3A_798] : memref<2x!tpu.dma_semaphore, #tpu.memory_space<semaphore_mem>> -> memref<1x!tpu.dma_semaphore, #tpu.memory_space<semaphore_mem>>
      %dma_start3A_806 = tpu.memref_squeeze %dma_start3A_805 : memref<1x!tpu.dma_semaphore, #tpu.memory_space<semaphore_mem>> -> memref<!tpu.dma_semaphore, #tpu.memory_space<semaphore_mem>>
      %dma_start3A_807 = arith.constant 0 : i32
      %dma_start3A_808 = tpu.memref_slice %arg4[%div3A_694, %dma_start3A_797, %div3A_727, %dma_start3A_807] : memref<200x8x16x2048xf32, #tpu.memory_space<hbm>> -> memref<1x1x1x2048xf32, #tpu.memory_space<hbm>>
      %dma_start3A_809 = tpu.memref_squeeze %dma_start3A_808 : memref<1x1x1x2048xf32, #tpu.memory_space<hbm>> -> memref<2048xf32, #tpu.memory_space<hbm>>
      %dma_start3A_810 = arith.constant 8192 : i32
      %dma_start3A_811 = tpu.memref_slice %arg7[%dma_start3A_796, %dma_start3A_810] : memref<2x16384xf32, #tpu.memory_space<vmem>> -> memref<1x2048xf32, #tpu.memory_space<vmem>>
      %dma_start3A_812 = tpu.memref_squeeze %dma_start3A_811 : memref<1x2048xf32, #tpu.memory_space<vmem>> -> memref<2048xf32, #tpu.memory_space<vmem>>
      tpu.enqueue_dma source(%dma_start3A_812 : memref<2048xf32, #tpu.memory_space<vmem>>) target(%dma_start3A_809 : memref<2048xf32, #tpu.memory_space<hbm>>) target_semaphore(%dma_start3A_806 : memref<!tpu.dma_semaphore, #tpu.memory_space<semaphore_mem>>)
      %dma_start3A_813 = arith.constant 1 : i32
      %dma_start3A_814 = arith.constant 5 : i32
      %dma_start3A_815 = arith.constant 1 : i32
      %dma_start3A_816 = arith.constant 10240 : i32
      %dma_start3A_817 = tpu.memref_slice %arg7[%dma_start3A_813, %dma_start3A_816] : memref<2x16384xf32, #tpu.memory_space<vmem>> -> memref<1x2048xf32, #tpu.memory_space<vmem>>
      %dma_start3A_818 = tpu.memref_squeeze %dma_start3A_817 : memref<1x2048xf32, #tpu.memory_space<vmem>> -> memref<2048xf32, #tpu.memory_space<vmem>>
      %dma_start3A_819 = arith.constant 0 : i32
      %dma_start3A_820 = tpu.memref_slice %arg4[%div3A_694, %dma_start3A_814, %div3A_727, %dma_start3A_819] : memref<200x8x16x2048xf32, #tpu.memory_space<hbm>> -> memref<1x1x1x2048xf32, #tpu.memory_space<hbm>>
      %dma_start3A_821 = tpu.memref_squeeze %dma_start3A_820 : memref<1x1x1x2048xf32, #tpu.memory_space<hbm>> -> memref<2048xf32, #tpu.memory_space<hbm>>
      %dma_start3A_822 = tpu.memref_slice %arg9[%dma_start3A_815] : memref<2x!tpu.dma_semaphore, #tpu.memory_space<semaphore_mem>> -> memref<1x!tpu.dma_semaphore, #tpu.memory_space<semaphore_mem>>
      %dma_start3A_823 = tpu.memref_squeeze %dma_start3A_822 : memref<1x!tpu.dma_semaphore, #tpu.memory_space<semaphore_mem>> -> memref<!tpu.dma_semaphore, #tpu.memory_space<semaphore_mem>>
      %dma_start3A_824 = arith.constant 0 : i32
      %dma_start3A_825 = tpu.memref_slice %arg4[%div3A_694, %dma_start3A_814, %div3A_727, %dma_start3A_824] : memref<200x8x16x2048xf32, #tpu.memory_space<hbm>> -> memref<1x1x1x2048xf32, #tpu.memory_space<hbm>>
      %dma_start3A_826 = tpu.memref_squeeze %dma_start3A_825 : memref<1x1x1x2048xf32, #tpu.memory_space<hbm>> -> memref<2048xf32, #tpu.memory_space<hbm>>
      %dma_start3A_827 = arith.constant 10240 : i32
      %dma_start3A_828 = tpu.memref_slice %arg7[%dma_start3A_813, %dma_start3A_827] : memref<2x16384xf32, #tpu.memory_space<vmem>> -> memref<1x2048xf32, #tpu.memory_space<vmem>>
      %dma_start3A_829 = tpu.memref_squeeze %dma_start3A_828 : memref<1x2048xf32, #tpu.memory_space<vmem>> -> memref<2048xf32, #tpu.memory_space<vmem>>
      tpu.enqueue_dma source(%dma_start3A_829 : memref<2048xf32, #tpu.memory_space<vmem>>) target(%dma_start3A_826 : memref<2048xf32, #tpu.memory_space<hbm>>) target_semaphore(%dma_start3A_823 : memref<!tpu.dma_semaphore, #tpu.memory_space<semaphore_mem>>)
      %dma_start3A_830 = arith.constant 1 : i32
      %dma_start3A_831 = arith.constant 6 : i32
      %dma_start3A_832 = arith.constant 1 : i32
      %dma_start3A_833 = arith.constant 12288 : i32
      %dma_start3A_834 = tpu.memref_slice %arg7[%dma_start3A_830, %dma_start3A_833] : memref<2x16384xf32, #tpu.memory_space<vmem>> -> memref<1x2048xf32, #tpu.memory_space<vmem>>
      %dma_start3A_835 = tpu.memref_squeeze %dma_start3A_834 : memref<1x2048xf32, #tpu.memory_space<vmem>> -> memref<2048xf32, #tpu.memory_space<vmem>>
      %dma_start3A_836 = arith.constant 0 : i32
      %dma_start3A_837 = tpu.memref_slice %arg4[%div3A_694, %dma_start3A_831, %div3A_727, %dma_start3A_836] : memref<200x8x16x2048xf32, #tpu.memory_space<hbm>> -> memref<1x1x1x2048xf32, #tpu.memory_space<hbm>>
      %dma_start3A_838 = tpu.memref_squeeze %dma_start3A_837 : memref<1x1x1x2048xf32, #tpu.memory_space<hbm>> -> memref<2048xf32, #tpu.memory_space<hbm>>
      %dma_start3A_839 = tpu.memref_slice %arg9[%dma_start3A_832] : memref<2x!tpu.dma_semaphore, #tpu.memory_space<semaphore_mem>> -> memref<1x!tpu.dma_semaphore, #tpu.memory_space<semaphore_mem>>
      %dma_start3A_840 = tpu.memref_squeeze %dma_start3A_839 : memref<1x!tpu.dma_semaphore, #tpu.memory_space<semaphore_mem>> -> memref<!tpu.dma_semaphore, #tpu.memory_space<semaphore_mem>>
      %dma_start3A_841 = arith.constant 0 : i32
      %dma_start3A_842 = tpu.memref_slice %arg4[%div3A_694, %dma_start3A_831, %div3A_727, %dma_start3A_841] : memref<200x8x16x2048xf32, #tpu.memory_space<hbm>> -> memref<1x1x1x2048xf32, #tpu.memory_space<hbm>>
      %dma_start3A_843 = tpu.memref_squeeze %dma_start3A_842 : memref<1x1x1x2048xf32, #tpu.memory_space<hbm>> -> memref<2048xf32, #tpu.memory_space<hbm>>
      %dma_start3A_844 = arith.constant 12288 : i32
      %dma_start3A_845 = tpu.memref_slice %arg7[%dma_start3A_830, %dma_start3A_844] : memref<2x16384xf32, #tpu.memory_space<vmem>> -> memref<1x2048xf32, #tpu.memory_space<vmem>>
      %dma_start3A_846 = tpu.memref_squeeze %dma_start3A_845 : memref<1x2048xf32, #tpu.memory_space<vmem>> -> memref<2048xf32, #tpu.memory_space<vmem>>
      tpu.enqueue_dma source(%dma_start3A_846 : memref<2048xf32, #tpu.memory_space<vmem>>) target(%dma_start3A_843 : memref<2048xf32, #tpu.memory_space<hbm>>) target_semaphore(%dma_start3A_840 : memref<!tpu.dma_semaphore, #tpu.memory_space<semaphore_mem>>)
      %dma_start3A_847 = arith.constant 1 : i32
      %dma_start3A_848 = arith.constant 7 : i32
      %dma_start3A_849 = arith.constant 1 : i32
      %dma_start3A_850 = arith.constant 14336 : i32
      %dma_start3A_851 = tpu.memref_slice %arg7[%dma_start3A_847, %dma_start3A_850] : memref<2x16384xf32, #tpu.memory_space<vmem>> -> memref<1x2048xf32, #tpu.memory_space<vmem>>
      %dma_start3A_852 = tpu.memref_squeeze %dma_start3A_851 : memref<1x2048xf32, #tpu.memory_space<vmem>> -> memref<2048xf32, #tpu.memory_space<vmem>>
      %dma_start3A_853 = arith.constant 0 : i32
      %dma_start3A_854 = tpu.memref_slice %arg4[%div3A_694, %dma_start3A_848, %div3A_727, %dma_start3A_853] : memref<200x8x16x2048xf32, #tpu.memory_space<hbm>> -> memref<1x1x1x2048xf32, #tpu.memory_space<hbm>>
      %dma_start3A_855 = tpu.memref_squeeze %dma_start3A_854 : memref<1x1x1x2048xf32, #tpu.memory_space<hbm>> -> memref<2048xf32, #tpu.memory_space<hbm>>
      %dma_start3A_856 = tpu.memref_slice %arg9[%dma_start3A_849] : memref<2x!tpu.dma_semaphore, #tpu.memory_space<semaphore_mem>> -> memref<1x!tpu.dma_semaphore, #tpu.memory_space<semaphore_mem>>
      %dma_start3A_857 = tpu.memref_squeeze %dma_start3A_856 : memref<1x!tpu.dma_semaphore, #tpu.memory_space<semaphore_mem>> -> memref<!tpu.dma_semaphore, #tpu.memory_space<semaphore_mem>>
      %dma_start3A_858 = arith.constant 0 : i32
      %dma_start3A_859 = tpu.memref_slice %arg4[%div3A_694, %dma_start3A_848, %div3A_727, %dma_start3A_858] : memref<200x8x16x2048xf32, #tpu.memory_space<hbm>> -> memref<1x1x1x2048xf32, #tpu.memory_space<hbm>>
      %dma_start3A_860 = tpu.memref_squeeze %dma_start3A_859 : memref<1x1x1x2048xf32, #tpu.memory_space<hbm>> -> memref<2048xf32, #tpu.memory_space<hbm>>
      %dma_start3A_861 = arith.constant 14336 : i32
      %dma_start3A_862 = tpu.memref_slice %arg7[%dma_start3A_847, %dma_start3A_861] : memref<2x16384xf32, #tpu.memory_space<vmem>> -> memref<1x2048xf32, #tpu.memory_space<vmem>>
      %dma_start3A_863 = tpu.memref_squeeze %dma_start3A_862 : memref<1x2048xf32, #tpu.memory_space<vmem>> -> memref<2048xf32, #tpu.memory_space<vmem>>
      tpu.enqueue_dma source(%dma_start3A_863 : memref<2048xf32, #tpu.memory_space<vmem>>) target(%dma_start3A_860 : memref<2048xf32, #tpu.memory_space<hbm>>) target_semaphore(%dma_start3A_857 : memref<!tpu.dma_semaphore, #tpu.memory_space<semaphore_mem>>)
      %add3A_864 = arith.constant 2 : i32
      %add3A_865 = arith.addi %add3A_689, %add3A_864 : i32
      %lt3A_866 = arith.constant 100 : i32
      %lt3A_867 = arith.cmpi slt, %add3A_865, %lt3A_866 : i32
      %convert_element_type3A_868 = arith.extui %lt3A_867 : i1 to i32
      %cond3A_869 = arith.constant 0 : i32
      %cond3A_870 = arith.cmpi ne, %convert_element_type3A_868, %cond3A_869 : i32
      scf.if %cond3A_870 {
        %add3A_871 = arith.constant 2 : i32
        %add3A_872 = arith.addi %add3A_689, %add3A_871 : i32
        %mul3A_873 = arith.constant 2 : i32
        %mul3A_874 = arith.muli %add3A_872, %mul3A_873 : i32
        %add3A_875 = arith.constant 0 : i32
        %add3A_876 = arith.addi %mul3A_874, %add3A_875 : i32
        %dma_start3A_877 = arith.constant 1 : i32
        %dma_start3A_878 = arith.constant 1 : i32
        %dma_start3A_879 = arith.constant 0 : i32
        %dma_start3A_880 = arith.constant 0 : i32
        %dma_start3A_881 = tpu.memref_slice %arg6[%dma_start3A_877, %dma_start3A_879, %dma_start3A_880] : memref<2x256x64xf32, #tpu.memory_space<vmem>> -> memref<1x128x64xf32, #tpu.memory_space<vmem>>
        %dma_start3A_882 = tpu.memref_squeeze %dma_start3A_881 : memref<1x128x64xf32, #tpu.memory_space<vmem>> -> memref<128x64xf32, #tpu.memory_space<vmem>>
        %dma_start3A_883 = arith.constant 0 : i32
        %dma_start3A_884 = tpu.memref_slice %arg5[%add3A_876, %dma_start3A_883] : memref<200x128xi32, #tpu.memory_space<vmem>> -> memref<1x128xi32, #tpu.memory_space<vmem>>
        %dma_start3A_885 = tpu.memref_squeeze %dma_start3A_884 : memref<1x128xi32, #tpu.memory_space<vmem>> -> memref<128xi32, #tpu.memory_space<vmem>>
        %dma_start3A_886 = arith.constant 0 : i32
        %dma_start3A_887 = arith.constant 0 : i32
        %dma_start3A_888 = tpu.memref_slice %arg3[%dma_start3A_886, %dma_start3A_887] : memref<2000000x64xf32, #tpu.memory_space<hbm>> -> memref<2000000x64xf32, #tpu.memory_space<hbm>>
        %dma_start3A_889 = tpu.memref_slice %arg8[%dma_start3A_878] : memref<2x!tpu.dma_semaphore, #tpu.memory_space<semaphore_mem>> -> memref<1x!tpu.dma_semaphore, #tpu.memory_space<semaphore_mem>>
        %dma_start3A_890 = tpu.memref_squeeze %dma_start3A_889 : memref<1x!tpu.dma_semaphore, #tpu.memory_space<semaphore_mem>> -> memref<!tpu.dma_semaphore, #tpu.memory_space<semaphore_mem>>
        tpu.enqueue_indirect_dma source(%dma_start3A_888 : memref<2000000x64xf32, #tpu.memory_space<hbm>>) target(%dma_start3A_882 : memref<128x64xf32, #tpu.memory_space<vmem>>) offsets(%dma_start3A_885 : memref<128xi32, #tpu.memory_space<vmem>>) semaphore(%dma_start3A_890 : memref<!tpu.dma_semaphore, #tpu.memory_space<semaphore_mem>>)
        %mul3A_891 = arith.constant 2 : i32
        %mul3A_892 = arith.muli %add3A_872, %mul3A_891 : i32
        %add3A_893 = arith.constant 1 : i32
        %add3A_894 = arith.addi %mul3A_892, %add3A_893 : i32
        %dma_start3A_895 = arith.constant 1 : i32
        %dma_start3A_896 = arith.constant 1 : i32
        %dma_start3A_897 = arith.constant 128 : i32
        %dma_start3A_898 = arith.constant 0 : i32
        %dma_start3A_899 = tpu.memref_slice %arg6[%dma_start3A_895, %dma_start3A_897, %dma_start3A_898] : memref<2x256x64xf32, #tpu.memory_space<vmem>> -> memref<1x128x64xf32, #tpu.memory_space<vmem>>
        %dma_start3A_900 = tpu.memref_squeeze %dma_start3A_899 : memref<1x128x64xf32, #tpu.memory_space<vmem>> -> memref<128x64xf32, #tpu.memory_space<vmem>>
        %dma_start3A_901 = arith.constant 0 : i32
        %dma_start3A_902 = tpu.memref_slice %arg5[%add3A_894, %dma_start3A_901] : memref<200x128xi32, #tpu.memory_space<vmem>> -> memref<1x128xi32, #tpu.memory_space<vmem>>
        %dma_start3A_903 = tpu.memref_squeeze %dma_start3A_902 : memref<1x128xi32, #tpu.memory_space<vmem>> -> memref<128xi32, #tpu.memory_space<vmem>>
        %dma_start3A_904 = arith.constant 0 : i32
        %dma_start3A_905 = arith.constant 0 : i32
        %dma_start3A_906 = tpu.memref_slice %arg3[%dma_start3A_904, %dma_start3A_905] : memref<2000000x64xf32, #tpu.memory_space<hbm>> -> memref<2000000x64xf32, #tpu.memory_space<hbm>>
        %dma_start3A_907 = tpu.memref_slice %arg8[%dma_start3A_896] : memref<2x!tpu.dma_semaphore, #tpu.memory_space<semaphore_mem>> -> memref<1x!tpu.dma_semaphore, #tpu.memory_space<semaphore_mem>>
        %dma_start3A_908 = tpu.memref_squeeze %dma_start3A_907 : memref<1x!tpu.dma_semaphore, #tpu.memory_space<semaphore_mem>> -> memref<!tpu.dma_semaphore, #tpu.memory_space<semaphore_mem>>
        tpu.enqueue_indirect_dma source(%dma_start3A_906 : memref<2000000x64xf32, #tpu.memory_space<hbm>>) target(%dma_start3A_900 : memref<128x64xf32, #tpu.memory_space<vmem>>) offsets(%dma_start3A_903 : memref<128xi32, #tpu.memory_space<vmem>>) semaphore(%dma_start3A_908 : memref<!tpu.dma_semaphore, #tpu.memory_space<semaphore_mem>>)
      } else {
      }
    }
    %scan3A_203 = arith.constant 50 : i32
    %dma_wait3A = arith.constant 0 : i32
    %dma_wait3A_204 = arith.constant 0 : i32
    %dma_wait3A_205 = arith.constant 0 : i32
    %dma_wait3A_206 = arith.constant 0 : i32
    %dma_wait3A_207 = arith.constant 0 : i32
    %dma_wait3A_208 = arith.constant 0 : i32
    %dma_wait3A_209 = tpu.memref_slice %arg7[%dma_wait3A_206, %dma_wait3A_208] : memref<2x16384xf32, #tpu.memory_space<vmem>> -> memref<1x2048xf32, #tpu.memory_space<vmem>>
    %dma_wait3A_210 = tpu.memref_squeeze %dma_wait3A_209 : memref<1x2048xf32, #tpu.memory_space<vmem>> -> memref<2048xf32, #tpu.memory_space<vmem>>
    %dma_wait3A_211 = arith.constant 0 : i32
    %dma_wait3A_212 = tpu.memref_slice %arg4[%dma_wait3A, %dma_wait3A_204, %dma_wait3A_205, %dma_wait3A_211] : memref<200x8x16x2048xf32, #tpu.memory_space<hbm>> -> memref<1x1x1x2048xf32, #tpu.memory_space<hbm>>
    %dma_wait3A_213 = tpu.memref_squeeze %dma_wait3A_212 : memref<1x1x1x2048xf32, #tpu.memory_space<hbm>> -> memref<2048xf32, #tpu.memory_space<hbm>>
    %dma_wait3A_214 = tpu.memref_slice %arg9[%dma_wait3A_207] : memref<2x!tpu.dma_semaphore, #tpu.memory_space<semaphore_mem>> -> memref<1x!tpu.dma_semaphore, #tpu.memory_space<semaphore_mem>>
    %dma_wait3A_215 = tpu.memref_squeeze %dma_wait3A_214 : memref<1x!tpu.dma_semaphore, #tpu.memory_space<semaphore_mem>> -> memref<!tpu.dma_semaphore, #tpu.memory_space<semaphore_mem>>
    %dma_wait3A_216 = arith.constant 0 : i32
    %dma_wait3A_217 = tpu.memref_slice %arg7[%dma_wait3A_206, %dma_wait3A_216] : memref<2x16384xf32, #tpu.memory_space<vmem>> -> memref<1x2048xf32, #tpu.memory_space<vmem>>
    %dma_wait3A_218 = tpu.memref_squeeze %dma_wait3A_217 : memref<1x2048xf32, #tpu.memory_space<vmem>> -> memref<2048xf32, #tpu.memory_space<vmem>>
    %dma_wait3A_219 = arith.constant 0 : i32
    %dma_wait3A_220 = tpu.memref_slice %arg4[%dma_wait3A, %dma_wait3A_204, %dma_wait3A_205, %dma_wait3A_219] : memref<200x8x16x2048xf32, #tpu.memory_space<hbm>> -> memref<1x1x1x2048xf32, #tpu.memory_space<hbm>>
    %dma_wait3A_221 = tpu.memref_squeeze %dma_wait3A_220 : memref<1x1x1x2048xf32, #tpu.memory_space<hbm>> -> memref<2048xf32, #tpu.memory_space<hbm>>
    tpu.wait_dma2 semaphore(%dma_wait3A_215 : memref<!tpu.dma_semaphore, #tpu.memory_space<semaphore_mem>>) src(%dma_wait3A_221 : memref<2048xf32, #tpu.memory_space<hbm>>) dst(%dma_wait3A_218 : memref<2048xf32, #tpu.memory_space<vmem>>)
    %dma_wait3A_222 = arith.constant 0 : i32
    %dma_wait3A_223 = arith.constant 0 : i32
    %dma_wait3A_224 = arith.constant 0 : i32
    %dma_wait3A_225 = arith.constant 0 : i32
    %dma_wait3A_226 = arith.constant 0 : i32
    %dma_wait3A_227 = arith.constant 2048 : i32
    %dma_wait3A_228 = tpu.memref_slice %arg7[%dma_wait3A_225, %dma_wait3A_227] : memref<2x16384xf32, #tpu.memory_space<vmem>> -> memref<1x2048xf32, #tpu.memory_space<vmem>>
    %dma_wait3A_229 = tpu.memref_squeeze %dma_wait3A_228 : memref<1x2048xf32, #tpu.memory_space<vmem>> -> memref<2048xf32, #tpu.memory_space<vmem>>
    %dma_wait3A_230 = arith.constant 0 : i32
    %dma_wait3A_231 = tpu.memref_slice %arg4[%dma_wait3A_222, %dma_wait3A_223, %dma_wait3A_224, %dma_wait3A_230] : memref<200x8x16x2048xf32, #tpu.memory_space<hbm>> -> memref<1x1x1x2048xf32, #tpu.memory_space<hbm>>
    %dma_wait3A_232 = tpu.memref_squeeze %dma_wait3A_231 : memref<1x1x1x2048xf32, #tpu.memory_space<hbm>> -> memref<2048xf32, #tpu.memory_space<hbm>>
    %dma_wait3A_233 = tpu.memref_slice %arg9[%dma_wait3A_226] : memref<2x!tpu.dma_semaphore, #tpu.memory_space<semaphore_mem>> -> memref<1x!tpu.dma_semaphore, #tpu.memory_space<semaphore_mem>>
    %dma_wait3A_234 = tpu.memref_squeeze %dma_wait3A_233 : memref<1x!tpu.dma_semaphore, #tpu.memory_space<semaphore_mem>> -> memref<!tpu.dma_semaphore, #tpu.memory_space<semaphore_mem>>
    %dma_wait3A_235 = arith.constant 2048 : i32
    %dma_wait3A_236 = tpu.memref_slice %arg7[%dma_wait3A_225, %dma_wait3A_235] : memref<2x16384xf32, #tpu.memory_space<vmem>> -> memref<1x2048xf32, #tpu.memory_space<vmem>>
    %dma_wait3A_237 = tpu.memref_squeeze %dma_wait3A_236 : memref<1x2048xf32, #tpu.memory_space<vmem>> -> memref<2048xf32, #tpu.memory_space<vmem>>
    %dma_wait3A_238 = arith.constant 0 : i32
    %dma_wait3A_239 = tpu.memref_slice %arg4[%dma_wait3A_222, %dma_wait3A_223, %dma_wait3A_224, %dma_wait3A_238] : memref<200x8x16x2048xf32, #tpu.memory_space<hbm>> -> memref<1x1x1x2048xf32, #tpu.memory_space<hbm>>
    %dma_wait3A_240 = tpu.memref_squeeze %dma_wait3A_239 : memref<1x1x1x2048xf32, #tpu.memory_space<hbm>> -> memref<2048xf32, #tpu.memory_space<hbm>>
    tpu.wait_dma2 semaphore(%dma_wait3A_234 : memref<!tpu.dma_semaphore, #tpu.memory_space<semaphore_mem>>) src(%dma_wait3A_240 : memref<2048xf32, #tpu.memory_space<hbm>>) dst(%dma_wait3A_237 : memref<2048xf32, #tpu.memory_space<vmem>>)
    %dma_wait3A_241 = arith.constant 0 : i32
    %dma_wait3A_242 = arith.constant 0 : i32
    %dma_wait3A_243 = arith.constant 0 : i32
    %dma_wait3A_244 = arith.constant 0 : i32
    %dma_wait3A_245 = arith.constant 0 : i32
    %dma_wait3A_246 = arith.constant 4096 : i32
    %dma_wait3A_247 = tpu.memref_slice %arg7[%dma_wait3A_244, %dma_wait3A_246] : memref<2x16384xf32, #tpu.memory_space<vmem>> -> memref<1x2048xf32, #tpu.memory_space<vmem>>
    %dma_wait3A_248 = tpu.memref_squeeze %dma_wait3A_247 : memref<1x2048xf32, #tpu.memory_space<vmem>> -> memref<2048xf32, #tpu.memory_space<vmem>>
    %dma_wait3A_249 = arith.constant 0 : i32
    %dma_wait3A_250 = tpu.memref_slice %arg4[%dma_wait3A_241, %dma_wait3A_242, %dma_wait3A_243, %dma_wait3A_249] : memref<200x8x16x2048xf32, #tpu.memory_space<hbm>> -> memref<1x1x1x2048xf32, #tpu.memory_space<hbm>>
    %dma_wait3A_251 = tpu.memref_squeeze %dma_wait3A_250 : memref<1x1x1x2048xf32, #tpu.memory_space<hbm>> -> memref<2048xf32, #tpu.memory_space<hbm>>
    %dma_wait3A_252 = tpu.memref_slice %arg9[%dma_wait3A_245] : memref<2x!tpu.dma_semaphore, #tpu.memory_space<semaphore_mem>> -> memref<1x!tpu.dma_semaphore, #tpu.memory_space<semaphore_mem>>
    %dma_wait3A_253 = tpu.memref_squeeze %dma_wait3A_252 : memref<1x!tpu.dma_semaphore, #tpu.memory_space<semaphore_mem>> -> memref<!tpu.dma_semaphore, #tpu.memory_space<semaphore_mem>>
    %dma_wait3A_254 = arith.constant 4096 : i32
    %dma_wait3A_255 = tpu.memref_slice %arg7[%dma_wait3A_244, %dma_wait3A_254] : memref<2x16384xf32, #tpu.memory_space<vmem>> -> memref<1x2048xf32, #tpu.memory_space<vmem>>
    %dma_wait3A_256 = tpu.memref_squeeze %dma_wait3A_255 : memref<1x2048xf32, #tpu.memory_space<vmem>> -> memref<2048xf32, #tpu.memory_space<vmem>>
    %dma_wait3A_257 = arith.constant 0 : i32
    %dma_wait3A_258 = tpu.memref_slice %arg4[%dma_wait3A_241, %dma_wait3A_242, %dma_wait3A_243, %dma_wait3A_257] : memref<200x8x16x2048xf32, #tpu.memory_space<hbm>> -> memref<1x1x1x2048xf32, #tpu.memory_space<hbm>>
    %dma_wait3A_259 = tpu.memref_squeeze %dma_wait3A_258 : memref<1x1x1x2048xf32, #tpu.memory_space<hbm>> -> memref<2048xf32, #tpu.memory_space<hbm>>
    tpu.wait_dma2 semaphore(%dma_wait3A_253 : memref<!tpu.dma_semaphore, #tpu.memory_space<semaphore_mem>>) src(%dma_wait3A_259 : memref<2048xf32, #tpu.memory_space<hbm>>) dst(%dma_wait3A_256 : memref<2048xf32, #tpu.memory_space<vmem>>)
    %dma_wait3A_260 = arith.constant 0 : i32
    %dma_wait3A_261 = arith.constant 0 : i32
    %dma_wait3A_262 = arith.constant 0 : i32
    %dma_wait3A_263 = arith.constant 0 : i32
    %dma_wait3A_264 = arith.constant 0 : i32
    %dma_wait3A_265 = arith.constant 6144 : i32
    %dma_wait3A_266 = tpu.memref_slice %arg7[%dma_wait3A_263, %dma_wait3A_265] : memref<2x16384xf32, #tpu.memory_space<vmem>> -> memref<1x2048xf32, #tpu.memory_space<vmem>>
    %dma_wait3A_267 = tpu.memref_squeeze %dma_wait3A_266 : memref<1x2048xf32, #tpu.memory_space<vmem>> -> memref<2048xf32, #tpu.memory_space<vmem>>
    %dma_wait3A_268 = arith.constant 0 : i32
    %dma_wait3A_269 = tpu.memref_slice %arg4[%dma_wait3A_260, %dma_wait3A_261, %dma_wait3A_262, %dma_wait3A_268] : memref<200x8x16x2048xf32, #tpu.memory_space<hbm>> -> memref<1x1x1x2048xf32, #tpu.memory_space<hbm>>
    %dma_wait3A_270 = tpu.memref_squeeze %dma_wait3A_269 : memref<1x1x1x2048xf32, #tpu.memory_space<hbm>> -> memref<2048xf32, #tpu.memory_space<hbm>>
    %dma_wait3A_271 = tpu.memref_slice %arg9[%dma_wait3A_264] : memref<2x!tpu.dma_semaphore, #tpu.memory_space<semaphore_mem>> -> memref<1x!tpu.dma_semaphore, #tpu.memory_space<semaphore_mem>>
    %dma_wait3A_272 = tpu.memref_squeeze %dma_wait3A_271 : memref<1x!tpu.dma_semaphore, #tpu.memory_space<semaphore_mem>> -> memref<!tpu.dma_semaphore, #tpu.memory_space<semaphore_mem>>
    %dma_wait3A_273 = arith.constant 6144 : i32
    %dma_wait3A_274 = tpu.memref_slice %arg7[%dma_wait3A_263, %dma_wait3A_273] : memref<2x16384xf32, #tpu.memory_space<vmem>> -> memref<1x2048xf32, #tpu.memory_space<vmem>>
    %dma_wait3A_275 = tpu.memref_squeeze %dma_wait3A_274 : memref<1x2048xf32, #tpu.memory_space<vmem>> -> memref<2048xf32, #tpu.memory_space<vmem>>
    %dma_wait3A_276 = arith.constant 0 : i32
    %dma_wait3A_277 = tpu.memref_slice %arg4[%dma_wait3A_260, %dma_wait3A_261, %dma_wait3A_262, %dma_wait3A_276] : memref<200x8x16x2048xf32, #tpu.memory_space<hbm>> -> memref<1x1x1x2048xf32, #tpu.memory_space<hbm>>
    %dma_wait3A_278 = tpu.memref_squeeze %dma_wait3A_277 : memref<1x1x1x2048xf32, #tpu.memory_space<hbm>> -> memref<2048xf32, #tpu.memory_space<hbm>>
    tpu.wait_dma2 semaphore(%dma_wait3A_272 : memref<!tpu.dma_semaphore, #tpu.memory_space<semaphore_mem>>) src(%dma_wait3A_278 : memref<2048xf32, #tpu.memory_space<hbm>>) dst(%dma_wait3A_275 : memref<2048xf32, #tpu.memory_space<vmem>>)
    %dma_wait3A_279 = arith.constant 0 : i32
    %dma_wait3A_280 = arith.constant 0 : i32
    %dma_wait3A_281 = arith.constant 0 : i32
    %dma_wait3A_282 = arith.constant 0 : i32
    %dma_wait3A_283 = arith.constant 0 : i32
    %dma_wait3A_284 = arith.constant 8192 : i32
    %dma_wait3A_285 = tpu.memref_slice %arg7[%dma_wait3A_282, %dma_wait3A_284] : memref<2x16384xf32, #tpu.memory_space<vmem>> -> memref<1x2048xf32, #tpu.memory_space<vmem>>
    %dma_wait3A_286 = tpu.memref_squeeze %dma_wait3A_285 : memref<1x2048xf32, #tpu.memory_space<vmem>> -> memref<2048xf32, #tpu.memory_space<vmem>>
    %dma_wait3A_287 = arith.constant 0 : i32
    %dma_wait3A_288 = tpu.memref_slice %arg4[%dma_wait3A_279, %dma_wait3A_280, %dma_wait3A_281, %dma_wait3A_287] : memref<200x8x16x2048xf32, #tpu.memory_space<hbm>> -> memref<1x1x1x2048xf32, #tpu.memory_space<hbm>>
    %dma_wait3A_289 = tpu.memref_squeeze %dma_wait3A_288 : memref<1x1x1x2048xf32, #tpu.memory_space<hbm>> -> memref<2048xf32, #tpu.memory_space<hbm>>
    %dma_wait3A_290 = tpu.memref_slice %arg9[%dma_wait3A_283] : memref<2x!tpu.dma_semaphore, #tpu.memory_space<semaphore_mem>> -> memref<1x!tpu.dma_semaphore, #tpu.memory_space<semaphore_mem>>
    %dma_wait3A_291 = tpu.memref_squeeze %dma_wait3A_290 : memref<1x!tpu.dma_semaphore, #tpu.memory_space<semaphore_mem>> -> memref<!tpu.dma_semaphore, #tpu.memory_space<semaphore_mem>>
    %dma_wait3A_292 = arith.constant 8192 : i32
    %dma_wait3A_293 = tpu.memref_slice %arg7[%dma_wait3A_282, %dma_wait3A_292] : memref<2x16384xf32, #tpu.memory_space<vmem>> -> memref<1x2048xf32, #tpu.memory_space<vmem>>
    %dma_wait3A_294 = tpu.memref_squeeze %dma_wait3A_293 : memref<1x2048xf32, #tpu.memory_space<vmem>> -> memref<2048xf32, #tpu.memory_space<vmem>>
    %dma_wait3A_295 = arith.constant 0 : i32
    %dma_wait3A_296 = tpu.memref_slice %arg4[%dma_wait3A_279, %dma_wait3A_280, %dma_wait3A_281, %dma_wait3A_295] : memref<200x8x16x2048xf32, #tpu.memory_space<hbm>> -> memref<1x1x1x2048xf32, #tpu.memory_space<hbm>>
    %dma_wait3A_297 = tpu.memref_squeeze %dma_wait3A_296 : memref<1x1x1x2048xf32, #tpu.memory_space<hbm>> -> memref<2048xf32, #tpu.memory_space<hbm>>
    tpu.wait_dma2 semaphore(%dma_wait3A_291 : memref<!tpu.dma_semaphore, #tpu.memory_space<semaphore_mem>>) src(%dma_wait3A_297 : memref<2048xf32, #tpu.memory_space<hbm>>) dst(%dma_wait3A_294 : memref<2048xf32, #tpu.memory_space<vmem>>)
    %dma_wait3A_298 = arith.constant 0 : i32
    %dma_wait3A_299 = arith.constant 0 : i32
    %dma_wait3A_300 = arith.constant 0 : i32
    %dma_wait3A_301 = arith.constant 0 : i32
    %dma_wait3A_302 = arith.constant 0 : i32
    %dma_wait3A_303 = arith.constant 10240 : i32
    %dma_wait3A_304 = tpu.memref_slice %arg7[%dma_wait3A_301, %dma_wait3A_303] : memref<2x16384xf32, #tpu.memory_space<vmem>> -> memref<1x2048xf32, #tpu.memory_space<vmem>>
    %dma_wait3A_305 = tpu.memref_squeeze %dma_wait3A_304 : memref<1x2048xf32, #tpu.memory_space<vmem>> -> memref<2048xf32, #tpu.memory_space<vmem>>
    %dma_wait3A_306 = arith.constant 0 : i32
    %dma_wait3A_307 = tpu.memref_slice %arg4[%dma_wait3A_298, %dma_wait3A_299, %dma_wait3A_300, %dma_wait3A_306] : memref<200x8x16x2048xf32, #tpu.memory_space<hbm>> -> memref<1x1x1x2048xf32, #tpu.memory_space<hbm>>
    %dma_wait3A_308 = tpu.memref_squeeze %dma_wait3A_307 : memref<1x1x1x2048xf32, #tpu.memory_space<hbm>> -> memref<2048xf32, #tpu.memory_space<hbm>>
    %dma_wait3A_309 = tpu.memref_slice %arg9[%dma_wait3A_302] : memref<2x!tpu.dma_semaphore, #tpu.memory_space<semaphore_mem>> -> memref<1x!tpu.dma_semaphore, #tpu.memory_space<semaphore_mem>>
    %dma_wait3A_310 = tpu.memref_squeeze %dma_wait3A_309 : memref<1x!tpu.dma_semaphore, #tpu.memory_space<semaphore_mem>> -> memref<!tpu.dma_semaphore, #tpu.memory_space<semaphore_mem>>
    %dma_wait3A_311 = arith.constant 10240 : i32
    %dma_wait3A_312 = tpu.memref_slice %arg7[%dma_wait3A_301, %dma_wait3A_311] : memref<2x16384xf32, #tpu.memory_space<vmem>> -> memref<1x2048xf32, #tpu.memory_space<vmem>>
    %dma_wait3A_313 = tpu.memref_squeeze %dma_wait3A_312 : memref<1x2048xf32, #tpu.memory_space<vmem>> -> memref<2048xf32, #tpu.memory_space<vmem>>
    %dma_wait3A_314 = arith.constant 0 : i32
    %dma_wait3A_315 = tpu.memref_slice %arg4[%dma_wait3A_298, %dma_wait3A_299, %dma_wait3A_300, %dma_wait3A_314] : memref<200x8x16x2048xf32, #tpu.memory_space<hbm>> -> memref<1x1x1x2048xf32, #tpu.memory_space<hbm>>
    %dma_wait3A_316 = tpu.memref_squeeze %dma_wait3A_315 : memref<1x1x1x2048xf32, #tpu.memory_space<hbm>> -> memref<2048xf32, #tpu.memory_space<hbm>>
    tpu.wait_dma2 semaphore(%dma_wait3A_310 : memref<!tpu.dma_semaphore, #tpu.memory_space<semaphore_mem>>) src(%dma_wait3A_316 : memref<2048xf32, #tpu.memory_space<hbm>>) dst(%dma_wait3A_313 : memref<2048xf32, #tpu.memory_space<vmem>>)
    %dma_wait3A_317 = arith.constant 0 : i32
    %dma_wait3A_318 = arith.constant 0 : i32
    %dma_wait3A_319 = arith.constant 0 : i32
    %dma_wait3A_320 = arith.constant 0 : i32
    %dma_wait3A_321 = arith.constant 0 : i32
    %dma_wait3A_322 = arith.constant 12288 : i32
    %dma_wait3A_323 = tpu.memref_slice %arg7[%dma_wait3A_320, %dma_wait3A_322] : memref<2x16384xf32, #tpu.memory_space<vmem>> -> memref<1x2048xf32, #tpu.memory_space<vmem>>
    %dma_wait3A_324 = tpu.memref_squeeze %dma_wait3A_323 : memref<1x2048xf32, #tpu.memory_space<vmem>> -> memref<2048xf32, #tpu.memory_space<vmem>>
    %dma_wait3A_325 = arith.constant 0 : i32
    %dma_wait3A_326 = tpu.memref_slice %arg4[%dma_wait3A_317, %dma_wait3A_318, %dma_wait3A_319, %dma_wait3A_325] : memref<200x8x16x2048xf32, #tpu.memory_space<hbm>> -> memref<1x1x1x2048xf32, #tpu.memory_space<hbm>>
    %dma_wait3A_327 = tpu.memref_squeeze %dma_wait3A_326 : memref<1x1x1x2048xf32, #tpu.memory_space<hbm>> -> memref<2048xf32, #tpu.memory_space<hbm>>
    %dma_wait3A_328 = tpu.memref_slice %arg9[%dma_wait3A_321] : memref<2x!tpu.dma_semaphore, #tpu.memory_space<semaphore_mem>> -> memref<1x!tpu.dma_semaphore, #tpu.memory_space<semaphore_mem>>
    %dma_wait3A_329 = tpu.memref_squeeze %dma_wait3A_328 : memref<1x!tpu.dma_semaphore, #tpu.memory_space<semaphore_mem>> -> memref<!tpu.dma_semaphore, #tpu.memory_space<semaphore_mem>>
    %dma_wait3A_330 = arith.constant 12288 : i32
    %dma_wait3A_331 = tpu.memref_slice %arg7[%dma_wait3A_320, %dma_wait3A_330] : memref<2x16384xf32, #tpu.memory_space<vmem>> -> memref<1x2048xf32, #tpu.memory_space<vmem>>
    %dma_wait3A_332 = tpu.memref_squeeze %dma_wait3A_331 : memref<1x2048xf32, #tpu.memory_space<vmem>> -> memref<2048xf32, #tpu.memory_space<vmem>>
    %dma_wait3A_333 = arith.constant 0 : i32
    %dma_wait3A_334 = tpu.memref_slice %arg4[%dma_wait3A_317, %dma_wait3A_318, %dma_wait3A_319, %dma_wait3A_333] : memref<200x8x16x2048xf32, #tpu.memory_space<hbm>> -> memref<1x1x1x2048xf32, #tpu.memory_space<hbm>>
    %dma_wait3A_335 = tpu.memref_squeeze %dma_wait3A_334 : memref<1x1x1x2048xf32, #tpu.memory_space<hbm>> -> memref<2048xf32, #tpu.memory_space<hbm>>
    tpu.wait_dma2 semaphore(%dma_wait3A_329 : memref<!tpu.dma_semaphore, #tpu.memory_space<semaphore_mem>>) src(%dma_wait3A_335 : memref<2048xf32, #tpu.memory_space<hbm>>) dst(%dma_wait3A_332 : memref<2048xf32, #tpu.memory_space<vmem>>)
    %dma_wait3A_336 = arith.constant 0 : i32
    %dma_wait3A_337 = arith.constant 0 : i32
    %dma_wait3A_338 = arith.constant 0 : i32
    %dma_wait3A_339 = arith.constant 0 : i32
    %dma_wait3A_340 = arith.constant 0 : i32
    %dma_wait3A_341 = arith.constant 14336 : i32
    %dma_wait3A_342 = tpu.memref_slice %arg7[%dma_wait3A_339, %dma_wait3A_341] : memref<2x16384xf32, #tpu.memory_space<vmem>> -> memref<1x2048xf32, #tpu.memory_space<vmem>>
    %dma_wait3A_343 = tpu.memref_squeeze %dma_wait3A_342 : memref<1x2048xf32, #tpu.memory_space<vmem>> -> memref<2048xf32, #tpu.memory_space<vmem>>
    %dma_wait3A_344 = arith.constant 0 : i32
    %dma_wait3A_345 = tpu.memref_slice %arg4[%dma_wait3A_336, %dma_wait3A_337, %dma_wait3A_338, %dma_wait3A_344] : memref<200x8x16x2048xf32, #tpu.memory_space<hbm>> -> memref<1x1x1x2048xf32, #tpu.memory_space<hbm>>
    %dma_wait3A_346 = tpu.memref_squeeze %dma_wait3A_345 : memref<1x1x1x2048xf32, #tpu.memory_space<hbm>> -> memref<2048xf32, #tpu.memory_space<hbm>>
    %dma_wait3A_347 = tpu.memref_slice %arg9[%dma_wait3A_340] : memref<2x!tpu.dma_semaphore, #tpu.memory_space<semaphore_mem>> -> memref<1x!tpu.dma_semaphore, #tpu.memory_space<semaphore_mem>>
    %dma_wait3A_348 = tpu.memref_squeeze %dma_wait3A_347 : memref<1x!tpu.dma_semaphore, #tpu.memory_space<semaphore_mem>> -> memref<!tpu.dma_semaphore, #tpu.memory_space<semaphore_mem>>
    %dma_wait3A_349 = arith.constant 14336 : i32
    %dma_wait3A_350 = tpu.memref_slice %arg7[%dma_wait3A_339, %dma_wait3A_349] : memref<2x16384xf32, #tpu.memory_space<vmem>> -> memref<1x2048xf32, #tpu.memory_space<vmem>>
    %dma_wait3A_351 = tpu.memref_squeeze %dma_wait3A_350 : memref<1x2048xf32, #tpu.memory_space<vmem>> -> memref<2048xf32, #tpu.memory_space<vmem>>
    %dma_wait3A_352 = arith.constant 0 : i32
    %dma_wait3A_353 = tpu.memref_slice %arg4[%dma_wait3A_336, %dma_wait3A_337, %dma_wait3A_338, %dma_wait3A_352] : memref<200x8x16x2048xf32, #tpu.memory_space<hbm>> -> memref<1x1x1x2048xf32, #tpu.memory_space<hbm>>
    %dma_wait3A_354 = tpu.memref_squeeze %dma_wait3A_353 : memref<1x1x1x2048xf32, #tpu.memory_space<hbm>> -> memref<2048xf32, #tpu.memory_space<hbm>>
    tpu.wait_dma2 semaphore(%dma_wait3A_348 : memref<!tpu.dma_semaphore, #tpu.memory_space<semaphore_mem>>) src(%dma_wait3A_354 : memref<2048xf32, #tpu.memory_space<hbm>>) dst(%dma_wait3A_351 : memref<2048xf32, #tpu.memory_space<vmem>>)
    %dma_wait3A_355 = arith.constant 0 : i32
    %dma_wait3A_356 = arith.constant 0 : i32
    %dma_wait3A_357 = arith.constant 0 : i32
    %dma_wait3A_358 = arith.constant 1 : i32
    %dma_wait3A_359 = arith.constant 1 : i32
    %dma_wait3A_360 = arith.constant 0 : i32
    %dma_wait3A_361 = tpu.memref_slice %arg7[%dma_wait3A_358, %dma_wait3A_360] : memref<2x16384xf32, #tpu.memory_space<vmem>> -> memref<1x2048xf32, #tpu.memory_space<vmem>>
    %dma_wait3A_362 = tpu.memref_squeeze %dma_wait3A_361 : memref<1x2048xf32, #tpu.memory_space<vmem>> -> memref<2048xf32, #tpu.memory_space<vmem>>
    %dma_wait3A_363 = arith.constant 0 : i32
    %dma_wait3A_364 = tpu.memref_slice %arg4[%dma_wait3A_355, %dma_wait3A_356, %dma_wait3A_357, %dma_wait3A_363] : memref<200x8x16x2048xf32, #tpu.memory_space<hbm>> -> memref<1x1x1x2048xf32, #tpu.memory_space<hbm>>
    %dma_wait3A_365 = tpu.memref_squeeze %dma_wait3A_364 : memref<1x1x1x2048xf32, #tpu.memory_space<hbm>> -> memref<2048xf32, #tpu.memory_space<hbm>>
    %dma_wait3A_366 = tpu.memref_slice %arg9[%dma_wait3A_359] : memref<2x!tpu.dma_semaphore, #tpu.memory_space<semaphore_mem>> -> memref<1x!tpu.dma_semaphore, #tpu.memory_space<semaphore_mem>>
    %dma_wait3A_367 = tpu.memref_squeeze %dma_wait3A_366 : memref<1x!tpu.dma_semaphore, #tpu.memory_space<semaphore_mem>> -> memref<!tpu.dma_semaphore, #tpu.memory_space<semaphore_mem>>
    %dma_wait3A_368 = arith.constant 0 : i32
    %dma_wait3A_369 = tpu.memref_slice %arg7[%dma_wait3A_358, %dma_wait3A_368] : memref<2x16384xf32, #tpu.memory_space<vmem>> -> memref<1x2048xf32, #tpu.memory_space<vmem>>
    %dma_wait3A_370 = tpu.memref_squeeze %dma_wait3A_369 : memref<1x2048xf32, #tpu.memory_space<vmem>> -> memref<2048xf32, #tpu.memory_space<vmem>>
    %dma_wait3A_371 = arith.constant 0 : i32
    %dma_wait3A_372 = tpu.memref_slice %arg4[%dma_wait3A_355, %dma_wait3A_356, %dma_wait3A_357, %dma_wait3A_371] : memref<200x8x16x2048xf32, #tpu.memory_space<hbm>> -> memref<1x1x1x2048xf32, #tpu.memory_space<hbm>>
    %dma_wait3A_373 = tpu.memref_squeeze %dma_wait3A_372 : memref<1x1x1x2048xf32, #tpu.memory_space<hbm>> -> memref<2048xf32, #tpu.memory_space<hbm>>
    tpu.wait_dma2 semaphore(%dma_wait3A_367 : memref<!tpu.dma_semaphore, #tpu.memory_space<semaphore_mem>>) src(%dma_wait3A_373 : memref<2048xf32, #tpu.memory_space<hbm>>) dst(%dma_wait3A_370 : memref<2048xf32, #tpu.memory_space<vmem>>)
    %dma_wait3A_374 = arith.constant 0 : i32
    %dma_wait3A_375 = arith.constant 0 : i32
    %dma_wait3A_376 = arith.constant 0 : i32
    %dma_wait3A_377 = arith.constant 1 : i32
    %dma_wait3A_378 = arith.constant 1 : i32
    %dma_wait3A_379 = arith.constant 2048 : i32
    %dma_wait3A_380 = tpu.memref_slice %arg7[%dma_wait3A_377, %dma_wait3A_379] : memref<2x16384xf32, #tpu.memory_space<vmem>> -> memref<1x2048xf32, #tpu.memory_space<vmem>>
    %dma_wait3A_381 = tpu.memref_squeeze %dma_wait3A_380 : memref<1x2048xf32, #tpu.memory_space<vmem>> -> memref<2048xf32, #tpu.memory_space<vmem>>
    %dma_wait3A_382 = arith.constant 0 : i32
    %dma_wait3A_383 = tpu.memref_slice %arg4[%dma_wait3A_374, %dma_wait3A_375, %dma_wait3A_376, %dma_wait3A_382] : memref<200x8x16x2048xf32, #tpu.memory_space<hbm>> -> memref<1x1x1x2048xf32, #tpu.memory_space<hbm>>
    %dma_wait3A_384 = tpu.memref_squeeze %dma_wait3A_383 : memref<1x1x1x2048xf32, #tpu.memory_space<hbm>> -> memref<2048xf32, #tpu.memory_space<hbm>>
    %dma_wait3A_385 = tpu.memref_slice %arg9[%dma_wait3A_378] : memref<2x!tpu.dma_semaphore, #tpu.memory_space<semaphore_mem>> -> memref<1x!tpu.dma_semaphore, #tpu.memory_space<semaphore_mem>>
    %dma_wait3A_386 = tpu.memref_squeeze %dma_wait3A_385 : memref<1x!tpu.dma_semaphore, #tpu.memory_space<semaphore_mem>> -> memref<!tpu.dma_semaphore, #tpu.memory_space<semaphore_mem>>
    %dma_wait3A_387 = arith.constant 2048 : i32
    %dma_wait3A_388 = tpu.memref_slice %arg7[%dma_wait3A_377, %dma_wait3A_387] : memref<2x16384xf32, #tpu.memory_space<vmem>> -> memref<1x2048xf32, #tpu.memory_space<vmem>>
    %dma_wait3A_389 = tpu.memref_squeeze %dma_wait3A_388 : memref<1x2048xf32, #tpu.memory_space<vmem>> -> memref<2048xf32, #tpu.memory_space<vmem>>
    %dma_wait3A_390 = arith.constant 0 : i32
    %dma_wait3A_391 = tpu.memref_slice %arg4[%dma_wait3A_374, %dma_wait3A_375, %dma_wait3A_376, %dma_wait3A_390] : memref<200x8x16x2048xf32, #tpu.memory_space<hbm>> -> memref<1x1x1x2048xf32, #tpu.memory_space<hbm>>
    %dma_wait3A_392 = tpu.memref_squeeze %dma_wait3A_391 : memref<1x1x1x2048xf32, #tpu.memory_space<hbm>> -> memref<2048xf32, #tpu.memory_space<hbm>>
    tpu.wait_dma2 semaphore(%dma_wait3A_386 : memref<!tpu.dma_semaphore, #tpu.memory_space<semaphore_mem>>) src(%dma_wait3A_392 : memref<2048xf32, #tpu.memory_space<hbm>>) dst(%dma_wait3A_389 : memref<2048xf32, #tpu.memory_space<vmem>>)
    %dma_wait3A_393 = arith.constant 0 : i32
    %dma_wait3A_394 = arith.constant 0 : i32
    %dma_wait3A_395 = arith.constant 0 : i32
    %dma_wait3A_396 = arith.constant 1 : i32
    %dma_wait3A_397 = arith.constant 1 : i32
    %dma_wait3A_398 = arith.constant 4096 : i32
    %dma_wait3A_399 = tpu.memref_slice %arg7[%dma_wait3A_396, %dma_wait3A_398] : memref<2x16384xf32, #tpu.memory_space<vmem>> -> memref<1x2048xf32, #tpu.memory_space<vmem>>
    %dma_wait3A_400 = tpu.memref_squeeze %dma_wait3A_399 : memref<1x2048xf32, #tpu.memory_space<vmem>> -> memref<2048xf32, #tpu.memory_space<vmem>>
    %dma_wait3A_401 = arith.constant 0 : i32
    %dma_wait3A_402 = tpu.memref_slice %arg4[%dma_wait3A_393, %dma_wait3A_394, %dma_wait3A_395, %dma_wait3A_401] : memref<200x8x16x2048xf32, #tpu.memory_space<hbm>> -> memref<1x1x1x2048xf32, #tpu.memory_space<hbm>>
    %dma_wait3A_403 = tpu.memref_squeeze %dma_wait3A_402 : memref<1x1x1x2048xf32, #tpu.memory_space<hbm>> -> memref<2048xf32, #tpu.memory_space<hbm>>
    %dma_wait3A_404 = tpu.memref_slice %arg9[%dma_wait3A_397] : memref<2x!tpu.dma_semaphore, #tpu.memory_space<semaphore_mem>> -> memref<1x!tpu.dma_semaphore, #tpu.memory_space<semaphore_mem>>
    %dma_wait3A_405 = tpu.memref_squeeze %dma_wait3A_404 : memref<1x!tpu.dma_semaphore, #tpu.memory_space<semaphore_mem>> -> memref<!tpu.dma_semaphore, #tpu.memory_space<semaphore_mem>>
    %dma_wait3A_406 = arith.constant 4096 : i32
    %dma_wait3A_407 = tpu.memref_slice %arg7[%dma_wait3A_396, %dma_wait3A_406] : memref<2x16384xf32, #tpu.memory_space<vmem>> -> memref<1x2048xf32, #tpu.memory_space<vmem>>
    %dma_wait3A_408 = tpu.memref_squeeze %dma_wait3A_407 : memref<1x2048xf32, #tpu.memory_space<vmem>> -> memref<2048xf32, #tpu.memory_space<vmem>>
    %dma_wait3A_409 = arith.constant 0 : i32
    %dma_wait3A_410 = tpu.memref_slice %arg4[%dma_wait3A_393, %dma_wait3A_394, %dma_wait3A_395, %dma_wait3A_409] : memref<200x8x16x2048xf32, #tpu.memory_space<hbm>> -> memref<1x1x1x2048xf32, #tpu.memory_space<hbm>>
    %dma_wait3A_411 = tpu.memref_squeeze %dma_wait3A_410 : memref<1x1x1x2048xf32, #tpu.memory_space<hbm>> -> memref<2048xf32, #tpu.memory_space<hbm>>
    tpu.wait_dma2 semaphore(%dma_wait3A_405 : memref<!tpu.dma_semaphore, #tpu.memory_space<semaphore_mem>>) src(%dma_wait3A_411 : memref<2048xf32, #tpu.memory_space<hbm>>) dst(%dma_wait3A_408 : memref<2048xf32, #tpu.memory_space<vmem>>)
    %dma_wait3A_412 = arith.constant 0 : i32
    %dma_wait3A_413 = arith.constant 0 : i32
    %dma_wait3A_414 = arith.constant 0 : i32
    %dma_wait3A_415 = arith.constant 1 : i32
    %dma_wait3A_416 = arith.constant 1 : i32
    %dma_wait3A_417 = arith.constant 6144 : i32
    %dma_wait3A_418 = tpu.memref_slice %arg7[%dma_wait3A_415, %dma_wait3A_417] : memref<2x16384xf32, #tpu.memory_space<vmem>> -> memref<1x2048xf32, #tpu.memory_space<vmem>>
    %dma_wait3A_419 = tpu.memref_squeeze %dma_wait3A_418 : memref<1x2048xf32, #tpu.memory_space<vmem>> -> memref<2048xf32, #tpu.memory_space<vmem>>
    %dma_wait3A_420 = arith.constant 0 : i32
    %dma_wait3A_421 = tpu.memref_slice %arg4[%dma_wait3A_412, %dma_wait3A_413, %dma_wait3A_414, %dma_wait3A_420] : memref<200x8x16x2048xf32, #tpu.memory_space<hbm>> -> memref<1x1x1x2048xf32, #tpu.memory_space<hbm>>
    %dma_wait3A_422 = tpu.memref_squeeze %dma_wait3A_421 : memref<1x1x1x2048xf32, #tpu.memory_space<hbm>> -> memref<2048xf32, #tpu.memory_space<hbm>>
    %dma_wait3A_423 = tpu.memref_slice %arg9[%dma_wait3A_416] : memref<2x!tpu.dma_semaphore, #tpu.memory_space<semaphore_mem>> -> memref<1x!tpu.dma_semaphore, #tpu.memory_space<semaphore_mem>>
    %dma_wait3A_424 = tpu.memref_squeeze %dma_wait3A_423 : memref<1x!tpu.dma_semaphore, #tpu.memory_space<semaphore_mem>> -> memref<!tpu.dma_semaphore, #tpu.memory_space<semaphore_mem>>
    %dma_wait3A_425 = arith.constant 6144 : i32
    %dma_wait3A_426 = tpu.memref_slice %arg7[%dma_wait3A_415, %dma_wait3A_425] : memref<2x16384xf32, #tpu.memory_space<vmem>> -> memref<1x2048xf32, #tpu.memory_space<vmem>>
    %dma_wait3A_427 = tpu.memref_squeeze %dma_wait3A_426 : memref<1x2048xf32, #tpu.memory_space<vmem>> -> memref<2048xf32, #tpu.memory_space<vmem>>
    %dma_wait3A_428 = arith.constant 0 : i32
    %dma_wait3A_429 = tpu.memref_slice %arg4[%dma_wait3A_412, %dma_wait3A_413, %dma_wait3A_414, %dma_wait3A_428] : memref<200x8x16x2048xf32, #tpu.memory_space<hbm>> -> memref<1x1x1x2048xf32, #tpu.memory_space<hbm>>
    %dma_wait3A_430 = tpu.memref_squeeze %dma_wait3A_429 : memref<1x1x1x2048xf32, #tpu.memory_space<hbm>> -> memref<2048xf32, #tpu.memory_space<hbm>>
    tpu.wait_dma2 semaphore(%dma_wait3A_424 : memref<!tpu.dma_semaphore, #tpu.memory_space<semaphore_mem>>) src(%dma_wait3A_430 : memref<2048xf32, #tpu.memory_space<hbm>>) dst(%dma_wait3A_427 : memref<2048xf32, #tpu.memory_space<vmem>>)
    %dma_wait3A_431 = arith.constant 0 : i32
    %dma_wait3A_432 = arith.constant 0 : i32
    %dma_wait3A_433 = arith.constant 0 : i32
    %dma_wait3A_434 = arith.constant 1 : i32
    %dma_wait3A_435 = arith.constant 1 : i32
    %dma_wait3A_436 = arith.constant 8192 : i32
    %dma_wait3A_437 = tpu.memref_slice %arg7[%dma_wait3A_434, %dma_wait3A_436] : memref<2x16384xf32, #tpu.memory_space<vmem>> -> memref<1x2048xf32, #tpu.memory_space<vmem>>
    %dma_wait3A_438 = tpu.memref_squeeze %dma_wait3A_437 : memref<1x2048xf32, #tpu.memory_space<vmem>> -> memref<2048xf32, #tpu.memory_space<vmem>>
    %dma_wait3A_439 = arith.constant 0 : i32
    %dma_wait3A_440 = tpu.memref_slice %arg4[%dma_wait3A_431, %dma_wait3A_432, %dma_wait3A_433, %dma_wait3A_439] : memref<200x8x16x2048xf32, #tpu.memory_space<hbm>> -> memref<1x1x1x2048xf32, #tpu.memory_space<hbm>>
    %dma_wait3A_441 = tpu.memref_squeeze %dma_wait3A_440 : memref<1x1x1x2048xf32, #tpu.memory_space<hbm>> -> memref<2048xf32, #tpu.memory_space<hbm>>
    %dma_wait3A_442 = tpu.memref_slice %arg9[%dma_wait3A_435] : memref<2x!tpu.dma_semaphore, #tpu.memory_space<semaphore_mem>> -> memref<1x!tpu.dma_semaphore, #tpu.memory_space<semaphore_mem>>
    %dma_wait3A_443 = tpu.memref_squeeze %dma_wait3A_442 : memref<1x!tpu.dma_semaphore, #tpu.memory_space<semaphore_mem>> -> memref<!tpu.dma_semaphore, #tpu.memory_space<semaphore_mem>>
    %dma_wait3A_444 = arith.constant 8192 : i32
    %dma_wait3A_445 = tpu.memref_slice %arg7[%dma_wait3A_434, %dma_wait3A_444] : memref<2x16384xf32, #tpu.memory_space<vmem>> -> memref<1x2048xf32, #tpu.memory_space<vmem>>
    %dma_wait3A_446 = tpu.memref_squeeze %dma_wait3A_445 : memref<1x2048xf32, #tpu.memory_space<vmem>> -> memref<2048xf32, #tpu.memory_space<vmem>>
    %dma_wait3A_447 = arith.constant 0 : i32
    %dma_wait3A_448 = tpu.memref_slice %arg4[%dma_wait3A_431, %dma_wait3A_432, %dma_wait3A_433, %dma_wait3A_447] : memref<200x8x16x2048xf32, #tpu.memory_space<hbm>> -> memref<1x1x1x2048xf32, #tpu.memory_space<hbm>>
    %dma_wait3A_449 = tpu.memref_squeeze %dma_wait3A_448 : memref<1x1x1x2048xf32, #tpu.memory_space<hbm>> -> memref<2048xf32, #tpu.memory_space<hbm>>
    tpu.wait_dma2 semaphore(%dma_wait3A_443 : memref<!tpu.dma_semaphore, #tpu.memory_space<semaphore_mem>>) src(%dma_wait3A_449 : memref<2048xf32, #tpu.memory_space<hbm>>) dst(%dma_wait3A_446 : memref<2048xf32, #tpu.memory_space<vmem>>)
    %dma_wait3A_450 = arith.constant 0 : i32
    %dma_wait3A_451 = arith.constant 0 : i32
    %dma_wait3A_452 = arith.constant 0 : i32
    %dma_wait3A_453 = arith.constant 1 : i32
    %dma_wait3A_454 = arith.constant 1 : i32
    %dma_wait3A_455 = arith.constant 10240 : i32
    %dma_wait3A_456 = tpu.memref_slice %arg7[%dma_wait3A_453, %dma_wait3A_455] : memref<2x16384xf32, #tpu.memory_space<vmem>> -> memref<1x2048xf32, #tpu.memory_space<vmem>>
    %dma_wait3A_457 = tpu.memref_squeeze %dma_wait3A_456 : memref<1x2048xf32, #tpu.memory_space<vmem>> -> memref<2048xf32, #tpu.memory_space<vmem>>
    %dma_wait3A_458 = arith.constant 0 : i32
    %dma_wait3A_459 = tpu.memref_slice %arg4[%dma_wait3A_450, %dma_wait3A_451, %dma_wait3A_452, %dma_wait3A_458] : memref<200x8x16x2048xf32, #tpu.memory_space<hbm>> -> memref<1x1x1x2048xf32, #tpu.memory_space<hbm>>
    %dma_wait3A_460 = tpu.memref_squeeze %dma_wait3A_459 : memref<1x1x1x2048xf32, #tpu.memory_space<hbm>> -> memref<2048xf32, #tpu.memory_space<hbm>>
    %dma_wait3A_461 = tpu.memref_slice %arg9[%dma_wait3A_454] : memref<2x!tpu.dma_semaphore, #tpu.memory_space<semaphore_mem>> -> memref<1x!tpu.dma_semaphore, #tpu.memory_space<semaphore_mem>>
    %dma_wait3A_462 = tpu.memref_squeeze %dma_wait3A_461 : memref<1x!tpu.dma_semaphore, #tpu.memory_space<semaphore_mem>> -> memref<!tpu.dma_semaphore, #tpu.memory_space<semaphore_mem>>
    %dma_wait3A_463 = arith.constant 10240 : i32
    %dma_wait3A_464 = tpu.memref_slice %arg7[%dma_wait3A_453, %dma_wait3A_463] : memref<2x16384xf32, #tpu.memory_space<vmem>> -> memref<1x2048xf32, #tpu.memory_space<vmem>>
    %dma_wait3A_465 = tpu.memref_squeeze %dma_wait3A_464 : memref<1x2048xf32, #tpu.memory_space<vmem>> -> memref<2048xf32, #tpu.memory_space<vmem>>
    %dma_wait3A_466 = arith.constant 0 : i32
    %dma_wait3A_467 = tpu.memref_slice %arg4[%dma_wait3A_450, %dma_wait3A_451, %dma_wait3A_452, %dma_wait3A_466] : memref<200x8x16x2048xf32, #tpu.memory_space<hbm>> -> memref<1x1x1x2048xf32, #tpu.memory_space<hbm>>
    %dma_wait3A_468 = tpu.memref_squeeze %dma_wait3A_467 : memref<1x1x1x2048xf32, #tpu.memory_space<hbm>> -> memref<2048xf32, #tpu.memory_space<hbm>>
    tpu.wait_dma2 semaphore(%dma_wait3A_462 : memref<!tpu.dma_semaphore, #tpu.memory_space<semaphore_mem>>) src(%dma_wait3A_468 : memref<2048xf32, #tpu.memory_space<hbm>>) dst(%dma_wait3A_465 : memref<2048xf32, #tpu.memory_space<vmem>>)
    %dma_wait3A_469 = arith.constant 0 : i32
    %dma_wait3A_470 = arith.constant 0 : i32
    %dma_wait3A_471 = arith.constant 0 : i32
    %dma_wait3A_472 = arith.constant 1 : i32
    %dma_wait3A_473 = arith.constant 1 : i32
    %dma_wait3A_474 = arith.constant 12288 : i32
    %dma_wait3A_475 = tpu.memref_slice %arg7[%dma_wait3A_472, %dma_wait3A_474] : memref<2x16384xf32, #tpu.memory_space<vmem>> -> memref<1x2048xf32, #tpu.memory_space<vmem>>
    %dma_wait3A_476 = tpu.memref_squeeze %dma_wait3A_475 : memref<1x2048xf32, #tpu.memory_space<vmem>> -> memref<2048xf32, #tpu.memory_space<vmem>>
    %dma_wait3A_477 = arith.constant 0 : i32
    %dma_wait3A_478 = tpu.memref_slice %arg4[%dma_wait3A_469, %dma_wait3A_470, %dma_wait3A_471, %dma_wait3A_477] : memref<200x8x16x2048xf32, #tpu.memory_space<hbm>> -> memref<1x1x1x2048xf32, #tpu.memory_space<hbm>>
    %dma_wait3A_479 = tpu.memref_squeeze %dma_wait3A_478 : memref<1x1x1x2048xf32, #tpu.memory_space<hbm>> -> memref<2048xf32, #tpu.memory_space<hbm>>
    %dma_wait3A_480 = tpu.memref_slice %arg9[%dma_wait3A_473] : memref<2x!tpu.dma_semaphore, #tpu.memory_space<semaphore_mem>> -> memref<1x!tpu.dma_semaphore, #tpu.memory_space<semaphore_mem>>
    %dma_wait3A_481 = tpu.memref_squeeze %dma_wait3A_480 : memref<1x!tpu.dma_semaphore, #tpu.memory_space<semaphore_mem>> -> memref<!tpu.dma_semaphore, #tpu.memory_space<semaphore_mem>>
    %dma_wait3A_482 = arith.constant 12288 : i32
    %dma_wait3A_483 = tpu.memref_slice %arg7[%dma_wait3A_472, %dma_wait3A_482] : memref<2x16384xf32, #tpu.memory_space<vmem>> -> memref<1x2048xf32, #tpu.memory_space<vmem>>
    %dma_wait3A_484 = tpu.memref_squeeze %dma_wait3A_483 : memref<1x2048xf32, #tpu.memory_space<vmem>> -> memref<2048xf32, #tpu.memory_space<vmem>>
    %dma_wait3A_485 = arith.constant 0 : i32
    %dma_wait3A_486 = tpu.memref_slice %arg4[%dma_wait3A_469, %dma_wait3A_470, %dma_wait3A_471, %dma_wait3A_485] : memref<200x8x16x2048xf32, #tpu.memory_space<hbm>> -> memref<1x1x1x2048xf32, #tpu.memory_space<hbm>>
    %dma_wait3A_487 = tpu.memref_squeeze %dma_wait3A_486 : memref<1x1x1x2048xf32, #tpu.memory_space<hbm>> -> memref<2048xf32, #tpu.memory_space<hbm>>
    tpu.wait_dma2 semaphore(%dma_wait3A_481 : memref<!tpu.dma_semaphore, #tpu.memory_space<semaphore_mem>>) src(%dma_wait3A_487 : memref<2048xf32, #tpu.memory_space<hbm>>) dst(%dma_wait3A_484 : memref<2048xf32, #tpu.memory_space<vmem>>)
    %dma_wait3A_488 = arith.constant 0 : i32
    %dma_wait3A_489 = arith.constant 0 : i32
    %dma_wait3A_490 = arith.constant 0 : i32
    %dma_wait3A_491 = arith.constant 1 : i32
    %dma_wait3A_492 = arith.constant 1 : i32
    %dma_wait3A_493 = arith.constant 14336 : i32
    %dma_wait3A_494 = tpu.memref_slice %arg7[%dma_wait3A_491, %dma_wait3A_493] : memref<2x16384xf32, #tpu.memory_space<vmem>> -> memref<1x2048xf32, #tpu.memory_space<vmem>>
    %dma_wait3A_495 = tpu.memref_squeeze %dma_wait3A_494 : memref<1x2048xf32, #tpu.memory_space<vmem>> -> memref<2048xf32, #tpu.memory_space<vmem>>
    %dma_wait3A_496 = arith.constant 0 : i32
    %dma_wait3A_497 = tpu.memref_slice %arg4[%dma_wait3A_488, %dma_wait3A_489, %dma_wait3A_490, %dma_wait3A_496] : memref<200x8x16x2048xf32, #tpu.memory_space<hbm>> -> memref<1x1x1x2048xf32, #tpu.memory_space<hbm>>
    %dma_wait3A_498 = tpu.memref_squeeze %dma_wait3A_497 : memref<1x1x1x2048xf32, #tpu.memory_space<hbm>> -> memref<2048xf32, #tpu.memory_space<hbm>>
    %dma_wait3A_499 = tpu.memref_slice %arg9[%dma_wait3A_492] : memref<2x!tpu.dma_semaphore, #tpu.memory_space<semaphore_mem>> -> memref<1x!tpu.dma_semaphore, #tpu.memory_space<semaphore_mem>>
    %dma_wait3A_500 = tpu.memref_squeeze %dma_wait3A_499 : memref<1x!tpu.dma_semaphore, #tpu.memory_space<semaphore_mem>> -> memref<!tpu.dma_semaphore, #tpu.memory_space<semaphore_mem>>
    %dma_wait3A_501 = arith.constant 14336 : i32
    %dma_wait3A_502 = tpu.memref_slice %arg7[%dma_wait3A_491, %dma_wait3A_501] : memref<2x16384xf32, #tpu.memory_space<vmem>> -> memref<1x2048xf32, #tpu.memory_space<vmem>>
    %dma_wait3A_503 = tpu.memref_squeeze %dma_wait3A_502 : memref<1x2048xf32, #tpu.memory_space<vmem>> -> memref<2048xf32, #tpu.memory_space<vmem>>
    %dma_wait3A_504 = arith.constant 0 : i32
    %dma_wait3A_505 = tpu.memref_slice %arg4[%dma_wait3A_488, %dma_wait3A_489, %dma_wait3A_490, %dma_wait3A_504] : memref<200x8x16x2048xf32, #tpu.memory_space<hbm>> -> memref<1x1x1x2048xf32, #tpu.memory_space<hbm>>
    %dma_wait3A_506 = tpu.memref_squeeze %dma_wait3A_505 : memref<1x1x1x2048xf32, #tpu.memory_space<hbm>> -> memref<2048xf32, #tpu.memory_space<hbm>>
    tpu.wait_dma2 semaphore(%dma_wait3A_500 : memref<!tpu.dma_semaphore, #tpu.memory_space<semaphore_mem>>) src(%dma_wait3A_506 : memref<2048xf32, #tpu.memory_space<hbm>>) dst(%dma_wait3A_503 : memref<2048xf32, #tpu.memory_space<vmem>>)
    return
  }
}

</mosaic_0001>

<sc_bundles>
// kernel: kernel.3.cloned.1.call-start
scs
__scs_entry_jumppad:
0x0: {  	(pc) =	sbr.rel $0x88, $3  }
0x1: {  	(tag) =	ssettag $0x0;
	lr =	simm.s32 $0x1  }
0x2: {  	[smem:$0x3F9F] =	sst lr;
	_ =	strace $0xD0000000  }
0x3: {  	_ = 	snop  }
0x4: {  	_ = 	snop  }
0x5: {  	_ = 	snop  }
0x6: {  	_ = 	snop  }
0x7: {  	_ = 	snop  }
__scs_overlays_trampoline_lowered:
0x8: {  	[smem:$0x3FAE] =	sst s0  }
0x9: {  	[smem:$0x3FAF] =	sst s1  }
0xa: {  	[smem:$0x3FB0] =	sst s2  }
0xb: {  	[smem:$0x3FB1] =	sst s3  }
0xc: {  	[smem:$0x3FB2] =	sst s4  }
0xd: {  	[smem:$0x3FB3] =	sst s5  }
0xe: {  	[smem:$0x3FB4] =	sst s6  }
0xf: {  	[smem:$0x3FB5] =	sst s7  }
0x10: {  	[smem:$0x3FB6] =	sst s8  }
0x11: {  	[smem:$0x3FB7] =	sst s9;
	s0 =	simm.s32 @!p0 $0x0  }
0x12: {  	s1 =	sld [smem:$0x3F9D];
	s0 =	simm.s32 @p0 $0x1  }
0x13: {  	[smem:$0x3FB8] =	sst s0;
	s0 =	simm.s32 @!p1 $0x0  }
0x14: {  	s2 =	sld [smem:$0x3F9C];
	s0 =	simm.s32 @p1 $0x1  }
0x15: {  	[smem:$0x3FB9] =	sst s0;
	s0 =	simm.s32 @!p2 $0x0  }
0x16: {  	s3 =	sld [smem:$0x3FDB];
	s0 =	simm.s32 @p2 $0x1  }
0x17: {  	s4 =	simm.s32 $0x1BF5;
	[smem:$0x3FBB] =	sst s0  }
0x18: {  	s0 =	sld [smem:$0x3F9E];
	_ =	swait.ge [sflag:s4], $0x0  }
0x19: {  	s7 =	sld [smem:$0x3F9F]  }
0x1a: {  	s8 =	sadd.s32 $0xFFFFE003, lr  }
0x1b: {  	s9 =	sadd.s32 $0xFFFFFEF7, lr;
	s5 =	simm.s32 $0xFFFFFFFF;
	p2 =	slt.u32 s8, $0xFFFFF086  }
0x1c: {  	p1 =	slt.u32 s9, $0xF7A;
	s5 =	simm.s32 @!p2 $0x0  }
0x1d: {  	s5 =	simm.s32 @p1 $0x1;
	p0 =	seq.s32 s7, s2  }
0x1e: {  	s7 =	smul.u32 @!p0 $0xF7A, s2;
	p2 =	seq.s32 @!p0 s5, $0x0  }
0x1f: {  	s9 =	smul.u32 $0xF7A, s1;
	s8 =	simm.s32 @!p0 $0x1BF5;
	p2 =	por !p2, p0  }
0x20: {  	[sflag:s8] =	ssyncset.s32 @!p0 $0xFFFFF086;
	s6 =	sadd.s32 @!p0 s3, s7;
	s7 =	simm.s32 @!p0 $0x108  }
0x21: {  	s3 =	sadd.s32 s3, s9;
	s6 =	sadd.s32 @!p0 $0x88, s6;
	s7 =	simm.s32 @p2 $0x1082  }
0x22: {  	[simem:s7], [sflag:s8] =	dma.local @!p0 [hbm:s6], $0xF7A  }
0x23: {  	s9 =	sor.u32 $0xD0000000, s2;
	s6 =	simm.s32 $0x108;
	_ =	swait.ge @!p0 [sflag:s8], $0x0  }
0x24: {  	s3 =	sadd.s32 $0x88, s3;
	s6 =	simm.s32 @!p1 $0x1082;
	[sflag:s4] =	ssyncset.s32 $0xFFFFF086  }
0x25: {  	[simem:s6], [sflag:s4] =	dma.local [hbm:s3], $0xF7A  }
0x26: {  	[smem:$0x3F9F] =	sst s1;
	(tag) =	ssettag s2;
	_ =	strace s9  }
0x27: {  	s1 =	sld [smem:$0x3FAF]  }
0x28: {  	s2 =	sld [smem:$0x3FB0]  }
0x29: {  	s4 =	sld [smem:$0x3FB2]  }
0x2a: {  	p0 =	seq.s32 s5, $0x0;
	s5 =	sld [smem:$0x3FB3]  }
0x2b: {  	s6 =	sld [smem:$0x3FB4]  }
0x2c: {  	s7 =	sld [smem:$0x3FB5]  }
0x2d: {  	s3 =	simm.s32 $0x108;
	s8 =	sld [smem:$0x3FB6]  }
0x2e: {  	s3 =	simm.s32 @!p0 $0x1082;
	s9 =	sld [smem:$0x3FB7]  }
0x2f: {  	lr =	sadd.s32 s0, s3;
	s0 =	sld [smem:$0x3FAE]  }
0x30: {  	s3 =	sld [smem:$0x3FB1]  }
0x31: {  	[smem:$0x3FBA] =	sst s10  }
0x32: {  	s10 =	sld [smem:$0x3FB8];
	_ =	sdelay $0x3  }
0x33: {  	p0 =	seq.s32 s10, $0x1;
	s10 =	sld [smem:$0x3FBA];
	_ =	sdelay $0x3  }
0x34: {  	[smem:$0x3FBA] =	sst s10  }
0x35: {  	s10 =	sld [smem:$0x3FB9];
	_ =	sdelay $0x3  }
0x36: {  	p1 =	seq.s32 s10, $0x1;
	s10 =	sld [smem:$0x3FBA];
	_ =	sdelay $0x3  }
0x37: {  	[smem:$0x3FBA] =	sst s10  }
0x38: {  	s10 =	sld [smem:$0x3FBB]  }
0x39: {  	_ = 	snop;
	(pc) =	sbr.ind lr, $3  }
0x3a: {  	_ = 	snop  }
0x3b: {  	_ = 	snop  }
0x3c: {  	p2 =	seq.s32 s10, $0x1;
	s10 =	sld [smem:$0x3FBA]  }
0x3d: {  	_ =	shalt  }
0x3e: {  	_ =	shalt  }
0x3f: {  	_ =	shalt  }
0x40: {  	_ =	shalt  }
0x41: {  	_ =	shalt  }
0x42: {  	_ =	shalt  }
0x43: {  	_ =	shalt  }
0x44: {  	_ =	shalt  }
0x45: {  	_ =	shalt  }
0x46: {  	_ =	shalt  }
0x47: {  	_ =	shalt  }
0x48: {  	_ =	shalt  }
0x49: {  	_ =	shalt  }
0x4a: {  	_ =	shalt  }
0x4b: {  	_ =	shalt  }
0x4c: {  	_ =	shalt  }
0x4d: {  	_ =	shalt  }
0x4e: {  	_ =	shalt  }
0x4f: {  	_ =	shalt  }
0x50: {  	_ =	shalt  }
0x51: {  	_ =	shalt  }
0x52: {  	_ =	shalt  }
0x53: {  	_ =	shalt  }
0x54: {  	_ =	shalt  }
0x55: {  	_ =	shalt  }
0x56: {  	_ =	shalt  }
0x57: {  	_ =	shalt  }
0x58: {  	_ =	shalt  }
0x59: {  	_ =	shalt  }
0x5a: {  	_ =	shalt  }
0x5b: {  	_ =	shalt  }
0x5c: {  	_ =	shalt  }
0x5d: {  	_ =	shalt  }
0x5e: {  	_ =	shalt  }
0x5f: {  	_ =	shalt  }
0x60: {  	_ =	shalt  }
0x61: {  	_ =	shalt  }
0x62: {  	_ =	shalt  }
0x63: {  	_ =	shalt  }
0x64: {  	_ =	shalt  }
0x65: {  	_ =	shalt  }
0x66: {  	_ =	shalt  }
0x67: {  	_ =	shalt  }
0x68: {  	_ =	shalt  }
0x69: {  	_ =	shalt  }
0x6a: {  	_ =	shalt  }
0x6b: {  	_ =	shalt  }
0x6c: {  	_ =	shalt  }
0x6d: {  	_ =	shalt  }
0x6e: {  	_ =	shalt  }
0x6f: {  	_ =	shalt  }
0x70: {  	_ =	shalt  }
0x71: {  	_ =	shalt  }
0x72: {  	_ =	shalt  }
0x73: {  	_ =	shalt  }
0x74: {  	_ =	shalt  }
0x75: {  	_ =	shalt  }
0x76: {  	_ =	shalt  }
0x77: {  	_ =	shalt  }
0x78: {  	_ =	shalt  }
0x79: {  	_ =	shalt  }
0x7a: {  	_ =	shalt  }
0x7b: {  	_ =	shalt  }
0x7c: {  	_ =	shalt  }
0x7d: {  	_ =	shalt  }
0x7e: {  	_ =	shalt  }
0x7f: {  	_ =	shalt  }
0x80: {  	_ =	shalt  }
0x81: {  	_ =	shalt  }
0x82: {  	_ =	shalt  }
0x83: {  	_ =	shalt  }
0x84: {  	_ =	shalt  }
0x85: {  	_ =	shalt  }
0x86: {  	_ =	shalt  }
0x87: {  	_ =	shalt  }
.Lfunc_end0:
.L_simem_size_0:
called_computation.1_lowered:
.L_overlay_start_0:
0x88: {  	s2 =	sld [smem:$0x3FD9]  }
0x89: {  	s3 =	sld [smem:$0x3FFE];
	_ =	sdelay $0x1  }
0x8a: {  	s1 =	srdreg.scid  }
0x8b: {  	s0 =	sand.u32 $0x1, s1  }
0x8c: {  	s17 =	sshll.u32 s0, $0xA;
	s2 =	sadd.s32 s3, s2  }
0x8d: {  	s2 =	sadd.s32 s2, s17  }
0x8e: {  	[smem:$0x3FC6] =	sst s2  }
0x8f: {  	_ = 	snop  }
0x90: {  	s2 =	sld [smem:$0x3FD0];
	(tm) =	ssettm $0x1  }
0x91: {  	s18 =	sld [smem:$0x3FFB];
	_ =	sdelay $0x3  }
0x92: {  	_ =	strace s18  }
0x93: {  	s3 =	sld [smem:$0x3FFC];
	_ =	sdelay $0x3  }
0x94: {  	_ =	strace s3  }
0x95: {  	s3 =	sld [smem:$0x3FFD];
	_ =	sdelay $0x3  }
0x96: {  	_ =	strace s3  }
0x97: {  	_ =	strace $0x8FFFFFFF  }
0x98: {  	s19 =	sld [smem:$0x3FDB];
	_ =	sdelay $0x1  }
0x99: {  	s4 =	simm.s32 $_scs_section_size  }
0x9a: {  	s5 =	simm.s32 $_size__tile_overlayer_lowered;
	s6 =	simm.s32 $_tile_overlayer_lowered  }
0x9b: {  	s22 =	simm.s32 $0x1BFF;
	s21 =	sshll.u32 s6, $0x1;
	s3 =	sadd.s32 s4, s19  }
0x9c: {  	s7 =	simm.s32 $0x0;
	s20 =	sshll.u32 s5, $0x1;
	s5 =	sadd.s32 s21, s3  }
0x9d: {  	[timem:s7], [sflag:s22] =	dma.local [hbm:s5], s20  }
0x9e: {  	_ =	swait.ge [sflag:s22], s20  }
0x9f: {  	s4 =	ssub.s32 $0x0, s20;
	[sflag:s22] =	ssyncset.done $0x0  }
0xa0: {  	[sflag:s22] =	ssyncadd.s32 s4;
	_ =	sdelay $0x1  }
0xa1: {  	s23 =	simm.s32 $0x1B8B  }
0xa2: {  	_ =	swait.ge [sflag:s23], $0x1  }
0xa3: {  	[sflag:s23] =	ssyncset.done $0x0  }
0xa4: {  	s25 =	simm.s32 $0x1B8E;
	s24 =	sld [smem:$0x3FFE];
	[sflag:s23] =	ssyncadd.s32 $0xFFFFFFFF  }
0xa5: {  	s26 =	simm.s32 $execute0_lowered;
	[smem:$0x3FD2] =	sst s25  }
0xa6: {  	s5 =	sshll.u32 s26, $0x1;
	_ =	strace $0x80000049;
	[dreg:$0x1] =	wrdreg $0xFFFFFFFF  }
0xa7: {  	s28 =	simm.s32 $_size_execute0_lowered;
	s3 =	sadd.s32 s3, s5;
	[dreg:$0x0] =	wrdreg $0x0  }
0xa8: {  	s5 =	sshll.u32 s28, $0x1;
	[dreg:$0x2] =	wrdreg s3  }
0xa9: {  	[dreg:$0x3] =	wrdreg s5  }
0xaa: {  	[dreg:$0x4] =	wrdreg $0xC0  }
0xab: {  	_ =	task [dreg:s7], $0x5FFFF  }
0xac: {  	[dreg:$0x1] =	wrdreg $0xFFFFFFFF  }
0xad: {  	[dreg:$0x0] =	wrdreg $0x60  }
0xae: {  	[dreg:$0x2] =	wrdreg s24  }
0xaf: {  	[dreg:$0x3] =	wrdreg s2  }
0xb0: {  	[dreg:$0x4] =	wrdreg $0x9  }
0xb1: {  	_ =	task.clear_ibuf [dreg:s7], $0x5FFFF;
	_ =	strace $0x90000049  }
0xb2: {  	s29 =	simm.s32 $0x9;
	_ =	strace $0x8000004B  }
0xb3: {  	_ =	swait.ge [sflag:s29], $0x1  }
0xb4: {  	[sflag:s29] =	ssyncadd.s32 $0xFFFFFFFF  }
0xb5: {  	_ =	strace $0x9000004B  }
0xb6: {  	_ =	sfence  }
0xb7: {  	s30 =	sld [smem:$0x0];
	_ =	sdelay $0x2  }
0xb8: {  	s31 =	sshll.u32 s1, $0xD;
	s1 =	sshrl.u32 s1, $0x2  }
0xb9: {  	s3 =	sand.u32 $0x4000, s31;
	s1 =	sadd.s32 s1, s30  }
0xba: {  	s0 =	sor.u32 s3, s0;
	s1 =	sshll.u32 s1, $0x11  }
0xbb: {  	s0 =	sor.u32 s1, s0  }
0xbc: {  	s0 =	sadd.s32 $0x8F2B, s0  }
0xbd: {  	[sflag:s0] =	ssyncadd.remote.s32 $0x1  }
0xbe: {  	_ =	sfence.sel $0xFFFF  }
0xbf: {  	[dreg:$0x0] =	wrdreg $0xFFFFFFFF;
	(pc) =	sbr.abs _section_cstart, $3  }
0xc0: {  	[dreg:$0x1] =	wrdreg $0xFFFFFFFF  }
0xc1: {  	_ =	task.clear_ibuf [dreg:s7], $0x2FFFF;
	_ =	strace $0x9FFFFFFF  }
0xc2: {  	(tm) =	ssettm $0x7FFFFFFF  }
0xc3: {  	_ =	shalt  }
tec
execute0_lowered:
.L_overlay_start_1:
0x0: {  	(tag) =	ssettag $0x1  }
0x1: {  	v0 =	vimm.s32 $0xB80  }
0x2: {  	vm14 =	vcmask $0x300;
	vm13 =	vcmask $0x704;
	vm12 =	vcmask $0xB08  }
0x3: {  	v1 =	vimm.s32 $0x1B80;
	vm11 =	vcmask $0xF0C;
	vm10 =	vcmask $0x1310  }
0x4: {  	vm9 =	vcmask $0x1714;
	vm8 =	vcmask $0x1B18;
	vm7 =	vcmask $0x1F1C  }
0x5: {  	vm6 =	vcmask $0x2320;
	vm5 =	vcmask $0x2724;
	vm4 =	vcmask $0x2B28  }
0x6: {  	vm3 =	vcmask $0x2F2C;
	vm2 =	vcmask $0x3330;
	vm1 =	vcmask $0x3734  }
0x7: {  	vm0 =	vcmask $0x3B38;
	v4 =	vimm.s32 $0x2B80;
	v6 =	vimm.s32 $0x3B80  }
0x8: {  	v7 =	vimm.s32 $0xF80;
	v11 =	vimm.s32 $0x1F80;
	v12 =	vimm.s32 $0x2F80  }
0x9: {  	v13 =	vimm.s32 $0x3F80;
	v0 =	vsel vm14, $0x0, v0;
	v1 =	vsel vm14, $0x1000, v1  }
0xa: {  	v5 =	vsel vm14, $0x2000, v4;
	v6 =	vsel vm14, $0x3000, v6;
	v7 =	vsel vm14, $0x400, v7  }
0xb: {  	v11 =	vsel vm14, $0x1400, v11;
	v12 =	vsel vm14, $0x2400, v12;
	v13 =	vsel vm14, $0x3400, v13  }
0xc: {  	v0 =	vsel vm13, $0x80, v0;
	v1 =	vsel vm13, $0x1080, v1;
	v5 =	vsel vm13, $0x2080, v5  }
0xd: {  	v6 =	vsel vm13, $0x3080, v6;
	v7 =	vsel vm13, $0x480, v7;
	v11 =	vsel vm13, $0x1480, v11  }
0xe: {  	v12 =	vsel vm13, $0x2480, v12;
	v13 =	vsel vm13, $0x3480, v13;
	v0 =	vsel vm12, $0x100, v0  }
0xf: {  	v1 =	vsel vm12, $0x1100, v1;
	v5 =	vsel vm12, $0x2100, v5;
	v6 =	vsel vm12, $0x3100, v6  }
0x10: {  	v7 =	vsel vm12, $0x500, v7;
	v11 =	vsel vm12, $0x1500, v11;
	v12 =	vsel vm12, $0x2500, v12  }
0x11: {  	v13 =	vsel vm12, $0x3500, v13;
	v0 =	vsel vm11, $0x180, v0;
	v1 =	vsel vm11, $0x1180, v1  }
0x12: {  	v5 =	vsel vm11, $0x2180, v5;
	v6 =	vsel vm11, $0x3180, v6;
	v7 =	vsel vm11, $0x580, v7  }
0x13: {  	v11 =	vsel vm11, $0x1580, v11;
	v12 =	vsel vm11, $0x2580, v12;
	v13 =	vsel vm11, $0x3580, v13  }
0x14: {  	v0 =	vsel vm10, $0x200, v0;
	v1 =	vsel vm10, $0x1200, v1;
	v5 =	vsel vm10, $0x2200, v5  }
0x15: {  	v6 =	vsel vm10, $0x3200, v6;
	v7 =	vsel vm10, $0x600, v7;
	v11 =	vsel vm10, $0x1600, v11  }
0x16: {  	v12 =	vsel vm10, $0x2600, v12;
	v13 =	vsel vm10, $0x3600, v13;
	v0 =	vsel vm9, $0x280, v0  }
0x17: {  	v1 =	vsel vm9, $0x1280, v1;
	v5 =	vsel vm9, $0x2280, v5;
	v6 =	vsel vm9, $0x3280, v6  }
0x18: {  	v7 =	vsel vm9, $0x680, v7;
	v11 =	vsel vm9, $0x1680, v11;
	v12 =	vsel vm9, $0x2680, v12  }
0x19: {  	v13 =	vsel vm9, $0x3680, v13;
	v0 =	vsel vm8, $0x300, v0;
	v1 =	vsel vm8, $0x1300, v1  }
0x1a: {  	v5 =	vsel vm8, $0x2300, v5;
	v6 =	vsel vm8, $0x3300, v6;
	v7 =	vsel vm8, $0x700, v7  }
0x1b: {  	v11 =	vsel vm8, $0x1700, v11;
	v12 =	vsel vm8, $0x2700, v12;
	v13 =	vsel vm8, $0x3700, v13  }
0x1c: {  	v0 =	vsel vm7, $0x380, v0;
	v1 =	vsel vm7, $0x1380, v1;
	v5 =	vsel vm7, $0x2380, v5  }
0x1d: {  	v6 =	vsel vm7, $0x3380, v6;
	v7 =	vsel vm7, $0x780, v7;
	v11 =	vsel vm7, $0x1780, v11  }
0x1e: {  	v12 =	vsel vm7, $0x2780, v12;
	v13 =	vsel vm7, $0x3780, v13;
	v0 =	vsel vm6, $0x800, v0  }
0x1f: {  	v1 =	vsel vm6, $0x1800, v1;
	v5 =	vsel vm6, $0x2800, v5;
	v6 =	vsel vm6, $0x3800, v6  }
0x20: {  	v7 =	vsel vm6, $0xC00, v7;
	v11 =	vsel vm6, $0x1C00, v11;
	v12 =	vsel vm6, $0x2C00, v12  }
0x21: {  	v13 =	vsel vm6, $0x3C00, v13;
	v0 =	vsel vm5, $0x880, v0;
	v1 =	vsel vm5, $0x1880, v1  }
0x22: {  	v5 =	vsel vm5, $0x2880, v5;
	v6 =	vsel vm5, $0x3880, v6;
	v7 =	vsel vm5, $0xC80, v7  }
0x23: {  	v11 =	vsel vm5, $0x1C80, v11;
	v12 =	vsel vm5, $0x2C80, v12;
	v13 =	vsel vm5, $0x3C80, v13  }
0x24: {  	v0 =	vsel vm4, $0x900, v0;
	v1 =	vsel vm4, $0x1900, v1;
	v5 =	vsel vm4, $0x2900, v5  }
0x25: {  	s0 =	srdreg.scid;
	v6 =	vsel vm4, $0x3900, v6;
	v7 =	vsel vm4, $0xD00, v7;
	v11 =	vsel vm4, $0x1D00, v11  }
0x26: {  	s2 =	stileid.u32;
	s1 =	rddreg [dreg:$0x0];
	v12 =	vsel vm4, $0x2D00, v12;
	v13 =	vsel vm4, $0x3D00, v13;
	v0 =	vsel vm3, $0x980, v0  }
0x27: {  	s16 =	simm.s32 $0x80;
	s17 =	simm.s32 $0x6400;
	s20 =	simm.s32 $0xA400;
	v3 =	vsel vm3, $0x1980, v1;
	v5 =	vsel vm3, $0x2980, v5;
	v6 =	vsel vm3, $0x3980, v6  }
0x28: {  	s23 =	simm.s32 $0x1;
	s24 =	simm.s32 $0xE400;
	s18 =	simm.s32 $0x12400;
	v9 =	vsel vm3, $0xD80, v7;
	v11 =	vsel vm3, $0x1D80, v11;
	v12 =	vsel vm3, $0x2D80, v12  }
0x29: {  	s14 =	simm.s32 $0x14400;
	s15 =	simm.s32 $0x14C00;
	s22 =	simm.s32 $0x15400;
	v13 =	vsel vm3, $0x3D80, v13;
	v0 =	vsel vm2, $0xA00, v0;
	v3 =	vsel vm2, $0x1A00, v3  }
0x2a: {  	s25 =	simm.s32 $0x15C00;
	s0 =	sand.u32 $0x1, s0;
	s3 =	sshll.u32 s2, $0x1;
	v5 =	vsel vm2, $0x2A00, v5;
	v6 =	vsel vm2, $0x3A00, v6;
	v9 =	vsel vm2, $0xE00, v9  }
0x2b: {  	s21 =	simm.s32 $0x0;
	s2 =	rddreg [dreg:$0x1];
	s5 =	sor.u32 s0, s3;
	v11 =	vsel vm2, $0x1E00, v11;
	v14 =	vsel vm2, $0x2E00, v12;
	v13 =	vsel vm2, $0x3E00, v13  }
0x2c: {  	s3 =	simm.s32 $0x0;
	s0 =	ssub.s32 $0x2, s0;
	s7 =	sadd.s32 $0x1000, s2;
	v2 =	vsel vm1, $0xA80, v0;
	v0 =	vlaneseq.u32;
	v3 =	vsel vm1, $0x1A80, v3  }
0x2d: {  	s8 =	sadd.s32 $0x2000, s2;
	s9 =	sadd.s32 $0x3000, s2;
	s10 =	sadd.s32 $0x4000, s2;
	v5 =	vsel vm1, $0x2A80, v5;
	v8 =	vsel vm1, $0x3A80, v6;
	v9 =	vsel vm1, $0xE80, v9  }
0x2e: {  	s11 =	sadd.s32 $0x5000, s2;
	s12 =	sadd.s32 $0x6000, s2;
	s4 =	smul.u32 $0xC80, s5;
	v11 =	vsel vm1, $0x1E80, v11;
	v14 =	vsel vm1, $0x2E80, v14;
	v15 =	vsel vm1, $0x3E80, v13  }
.Ltmp0:
0x2f: {  	[smem:$0x7FF] =	sst s3;
	s30 =	sshrl.u32 s0, $0x1;
	v1 =	vsel vm0, $0xB00, v2;
	v2 =	vor.u32 $0x10, v0;
	v3 =	vsel vm0, $0x1B00, v3;
	(pc) =	sbr.rel .LBB2_1-.Ltmp0, $4  }
0x30: {  	s13 =	sadd.s32 $0x7000, s2;
	_ =	strace $0x8000004A;
	s0 =	ssub.s32 s0, s30;
	v4 =	vor.u32 $0x20, v0;
	v5 =	vsel vm0, $0x2B00, v5;
	v6 =	vor.u32 $0x30, v0  }
0x31: {  	s6 =	sadd.s32 s4, s1;
	s4 =	sadd.s32 $0xF5BE00, s1;
	s0 =	smax.u32 s0, $0x1;
	v7 =	vsel vm0, $0x3B00, v8;
	v8 =	vor.u32 $0x2000, v0;
	v9 =	vsel vm0, $0xF00, v9  }
0x32: {  	s5 =	smul.u32 $0xC8, s5;
	s31 =	sadd.s32 $0xF42E00, s6;
	[dreg:$0x4] =	wrdreg s0;
	v10 =	vor.u32 $0x2010, v0;
	v11 =	vsel vm0, $0x1F00, v11;
	v12 =	vor.u32 $0x2020, v0  }
0x33: {  	s0 =	simm.s32 $0x2;
	s6 =	simm.s32 $0x13C00;
	[dreg:$0x3] =	wrdreg s31;
	v13 =	vsel vm0, $0x2F00, v14;
	v14 =	vor.u32 $0x2030, v0;
	v15 =	vsel vm0, $0x3F00, v15  }
.LBB2_12:
0x34: {  	s1 =	simm.s32 $0x3  }
0x35: {  	_ =	swait.ge [sflag:s1], $0x800  }
0x36: {  	[sflag:s1] =	ssyncset.done $0x0  }
0x37: {  	[sflag:s1] =	ssyncadd.s32 $0xFFFFF800  }
0x38: {  	_ =	swait.ge [sflag:s1], $0x800  }
0x39: {  	[sflag:s1] =	ssyncset.done $0x0  }
0x3a: {  	[sflag:s1] =	ssyncadd.s32 $0xFFFFF800  }
0x3b: {  	_ =	swait.ge [sflag:s1], $0x800  }
0x3c: {  	[sflag:s1] =	ssyncset.done $0x0  }
0x3d: {  	[sflag:s1] =	ssyncadd.s32 $0xFFFFF800  }
0x3e: {  	_ =	swait.ge [sflag:s1], $0x800  }
0x3f: {  	[sflag:s1] =	ssyncset.done $0x0  }
0x40: {  	[sflag:s1] =	ssyncadd.s32 $0xFFFFF800  }
0x41: {  	_ =	swait.ge [sflag:s1], $0x800  }
0x42: {  	[sflag:s1] =	ssyncset.done $0x0  }
0x43: {  	[sflag:s1] =	ssyncadd.s32 $0xFFFFF800  }
0x44: {  	_ =	swait.ge [sflag:s1], $0x800  }
0x45: {  	[sflag:s1] =	ssyncset.done $0x0  }
0x46: {  	[sflag:s1] =	ssyncadd.s32 $0xFFFFF800  }
0x47: {  	_ =	swait.ge [sflag:s1], $0x800  }
0x48: {  	[sflag:s1] =	ssyncset.done $0x0  }
0x49: {  	[sflag:s1] =	ssyncadd.s32 $0xFFFFF800  }
0x4a: {  	_ =	swait.ge [sflag:s1], $0x800  }
0x4b: {  	[sflag:s1] =	ssyncset.done $0x0  }
0x4c: {  	s19 =	simm.s32 $0x4;
	[sflag:s1] =	ssyncadd.s32 $0xFFFFF800  }
0x4d: {  	_ =	swait.ge [sflag:s19], $0x800  }
0x4e: {  	[sflag:s19] =	ssyncset.done $0x0  }
0x4f: {  	[sflag:s19] =	ssyncadd.s32 $0xFFFFF800  }
0x50: {  	_ =	swait.ge [sflag:s19], $0x800  }
0x51: {  	[sflag:s19] =	ssyncset.done $0x0  }
0x52: {  	[sflag:s19] =	ssyncadd.s32 $0xFFFFF800  }
0x53: {  	_ =	swait.ge [sflag:s19], $0x800  }
0x54: {  	[sflag:s19] =	ssyncset.done $0x0  }
0x55: {  	[sflag:s19] =	ssyncadd.s32 $0xFFFFF800  }
0x56: {  	_ =	swait.ge [sflag:s19], $0x800  }
0x57: {  	[sflag:s19] =	ssyncset.done $0x0  }
0x58: {  	[sflag:s19] =	ssyncadd.s32 $0xFFFFF800  }
0x59: {  	_ =	swait.ge [sflag:s19], $0x800  }
0x5a: {  	[sflag:s19] =	ssyncset.done $0x0  }
0x5b: {  	[sflag:s19] =	ssyncadd.s32 $0xFFFFF800  }
0x5c: {  	_ =	swait.ge [sflag:s19], $0x800  }
0x5d: {  	[sflag:s19] =	ssyncset.done $0x0  }
0x5e: {  	[sflag:s19] =	ssyncadd.s32 $0xFFFFF800  }
0x5f: {  	_ =	swait.ge [sflag:s19], $0x800  }
0x60: {  	[sflag:s19] =	ssyncset.done $0x0  }
0x61: {  	[sflag:s19] =	ssyncadd.s32 $0xFFFFF800  }
0x62: {  	_ =	swait.ge [sflag:s19], $0x800  }
0x63: {  	s21 =	rddreg [dreg:$0x5]  }
0x64: {  	s31 =	rddreg [dreg:$0x4];
	s21 =	sadd.s32 $0x1, s21  }
0x65: {  	p0 =	sne.s32 s21, s31  }
.Ltmp1:
0x66: {  	_ = 	snop;
	(pc) =	sbr.rel @!p0 .LBB2_13-.Ltmp1, $3  }
0x67: {  	_ =	sdelay $0x1  }
0x68: {  	[sflag:s19] =	ssyncset.done $0x0  }
0x69: {  	[sflag:s19] =	ssyncadd.s32 $0xFFFFF800  }
.LBB2_1:
0x6a: {  	[dreg:$0x5] =	wrdreg s21  }
0x6b: {  	s1 =	rddreg [dreg:$0x3];
	s28 =	simm.s32 $0x5  }
0x6c: {  	[tilespmem:s3], [sflag:$0x5] =	stream.linear.gather [hbm4b:s1+s3], $0x6400, $0x38;
	[tilespmem:$0x16400] =	vst v63  }
0x6d: {  	_ =	swait.ge [sflag:s28], $0x6400  }
0x6e: {  	[sflag:s28] =	ssyncset.done $0x0  }
0x6f: {  	[sflag:s28] =	ssyncadd.s32 $0xFFFF9C00  }
0x70: {  	[tilespmem:s17], [sflag:$0x1] =	stream.indirect.gather [hbm4b:s4+s16], $0x40, s3, s16, $0xb8;
	[tilespmem:$0x16400] =	vst v63  }
0x71: {  	s29 =	simm.s32 $0x8400  }
0x72: {  	[tilespmem:s29], [sflag:$0x1] =	stream.indirect.gather [hbm4b:s4+s16], $0x40, s16, s16, $0xb8;
	[tilespmem:$0x16400] =	vst v63  }
0x73: {  	s30 =	simm.s32 $0x100  }
0x74: {  	[tilespmem:s20], [sflag:$0x2] =	stream.indirect.gather [hbm4b:s4+s16], $0x40, s30, s16, $0xb8;
	[tilespmem:$0x16400] =	vst v63  }
0x75: {  	s31 =	simm.s32 $0x180;
	s19 =	simm.s32 $0xC400;
	s26 =	simm.s32 $0x0  }
0x76: {  	[tilespmem:s19], [sflag:$0x2] =	stream.indirect.gather [hbm4b:s4+s16], $0x40, s31, s16, $0xb8;
	[tilespmem:$0x16400] =	vst v63  }
.LBB2_2:
0x77: {  	_ =	swait.ge [sflag:s23], $0x4000  }
0x78: {  	p0 =	seq.s32 s26, $0x0;
	[sflag:s23] =	ssyncset.done $0x0  }
0x79: {  	s1 =	simm.s32 @!p0 $0x3;
	[sflag:s23] =	ssyncadd.s32 $0xFFFFC000  }
0x7a: {  	_ =	swait.ge @!p0 [sflag:s1], $0x800  }
0x7b: {  	[sflag:s1] =	ssyncset.done @!p0 $0x0  }
0x7c: {  	[sflag:s1] =	ssyncadd.s32 @!p0 $0xFFFFF800  }
0x7d: {  	_ =	swait.ge @!p0 [sflag:s1], $0x800  }
0x7e: {  	[sflag:s1] =	ssyncset.done @!p0 $0x0  }
0x7f: {  	[sflag:s1] =	ssyncadd.s32 @!p0 $0xFFFFF800  }
0x80: {  	_ =	swait.ge @!p0 [sflag:s1], $0x800  }
0x81: {  	[sflag:s1] =	ssyncset.done @!p0 $0x0  }
0x82: {  	[sflag:s1] =	ssyncadd.s32 @!p0 $0xFFFFF800  }
0x83: {  	_ =	swait.ge @!p0 [sflag:s1], $0x800  }
0x84: {  	[sflag:s1] =	ssyncset.done @!p0 $0x0  }
0x85: {  	[sflag:s1] =	ssyncadd.s32 @!p0 $0xFFFFF800  }
0x86: {  	s28 =	simm.s32 $0x1;
	_ =	swait.ge @!p0 [sflag:s1], $0x800  }
0x87: {  	s29 =	simm.s32 $0x2;
	s21 =	simm.s32 $0x0;
	v16 =	vadd.s32 s28, v0;
	[sflag:s1] =	ssyncset.done @!p0 $0x0  }
0x88: {  	s28 =	simm.s32 $0x3;
	v17 =	vadd.s32 s29, v0;
	v53 =	vadd.s32 s21, v0;
	v39 =	vand.u32 $0x7F, v16;
	[sflag:s1] =	ssyncadd.s32 @!p0 $0xFFFFF800  }
0x89: {  	v18 =	vadd.s32 s28, v0;
	v36 =	vand.u32 $0x7F, v17;
	v25 =	vand.u32 $0x7, v16;
	_ =	swait.ge @!p0 [sflag:s1], $0x800  }
0x8a: {  	v27 =	vand.u32 $0x7, v17;
	v54 =	vand.u32 $0x7F, v53;
	v30 =	vshll.u32 v39, $0x6;
	[sflag:s1] =	ssyncset.done @!p0 $0x0  }
0x8b: {  	v40 =	vand.u32 $0x7F, v18;
	v32 =	vshll.u32 v36, $0x6;
	v20 =	vor.u32 v3, v36;
	[sflag:s1] =	ssyncadd.s32 @!p0 $0xFFFFF800  }
0x8c: {  	v26 =	vor.u32 v7, v39;
	v31 =	vor.u32 v1, v39;
	v16 =	vor.u32 v1, v36;
	_ =	swait.ge @!p0 [sflag:s1], $0x800  }
0x8d: {  	v37 =	vor.u32 v5, v39;
	v29 =	vshll.u32 v40, $0x6;
	v21 =	vor.u32 v0, v32;
	[sflag:s1] =	ssyncset.done @!p0 $0x0  }
0x8e: {  	v17 =	vor.u32 v5, v36;
	v28 =	vand.u32 $0x7, v18;
	v22 =	vor.u32 v0, v29;
	[sflag:s1] =	ssyncadd.s32 @!p0 $0xFFFFF800  }
0x8f: {  	v55 =	vor.u32 v3, v54;
	v57 =	vor.u32 v7, v54;
	v19 =	vor.u32 v0, v30;
	_ =	swait.ge @!p0 [sflag:s1], $0x800  }
0x90: {  	v58 =	vor.u32 v5, v54;
	v46 =	vor.u32 v7, v36;
	v23 =	vor.u32 v1, v40;
	[sflag:s1] =	ssyncset.done @!p0 $0x0  }
0x91: {  	v24 =	vor.u32 v3, v40;
	v31 =	vand.u32 $0xBF8, v31;
	v16 =	vand.u32 $0xBF8, v16;
	[sflag:s1] =	ssyncadd.s32 @!p0 $0xFFFFF800  }
0x92: {  	v33 =	vor.u32 v5, v40;
	v35 =	vor.u32 v2, v30;
	v17 =	vand.u32 $0x2BF8, v17;
	v34 =	vld.idx.msk [tilespmem:v21+s17+$0x0], $0xffff  }
0x93: {  	v52 =	vor.u32 v2, v32;
	v43 =	vor.u32 v7, v40;
	v20 =	vand.u32 $0x1BF8, v20;
	v18 =	vld.idx.msk [tilespmem:v22+s17+$0x0], $0xffff  }
0x94: {  	v44 =	vand.u32 $0x3BF8, v26;
	v23 =	vand.u32 $0xBF8, v23;
	v16 =	vor.u32 v27, v16;
	v19 =	vld.idx.msk [tilespmem:v19+s17+$0x0], $0xffff  }
0x95: {  	v47 =	vor.u32 v4, v30;
	v60 =	vand.u32 $0x2BF8, v37;
	v22 =	vor.u32 v28, v23  }
0x96: {  	v37 =	vor.u32 v6, v30;
	v31 =	vor.u32 v25, v31;
	v38 =	vor.u32 v2, v29  }
0x97: {  	v49 =	vor.u32 v6, v32;
	v24 =	vand.u32 $0x1BF8, v24;
	[tilespmem:$0x1FEF0] =	vst v40;
	v34 =	vmul.f32 $8.000000000e+00, v34  }
0x98: {  	v42 =	vor.u32 v27, v17;
	v17 =	vor.u32 v3, v39;
	[tilespmem:$0x1FF00] =	vst v39;
	v18 =	vmul.f32 $8.000000000e+00, v18  }
0x99: {  	v44 =	vor.u32 v25, v44;
	v17 =	vand.u32 $0x1BF8, v17;
	v19 =	vmul.f32 $8.000000000e+00, v19;
	[tilespmem:v16+s24+$0x0] =	vst.idx.msk $0xffff, v34  }
0x9a: {  	v17 =	vor.u32 v25, v17;
	v16 =	vor.u32 v27, v20;
	[tilespmem:v22+s24+$0x0] =	vst.idx.msk $0xffff, v18;
	v20 =	vld.idx.msk [tilespmem:v52+s17+$0x0], $0xffff  }
0x9b: {  	v26 =	vand.u32 $0x3BF8, v57;
	v23 =	vor.u32 v28, v24;
	v24 =	vshll.u32 v54, $0x6;
	[tilespmem:v31+s24+$0x0] =	vst.idx.msk $0xffff, v19;
	v56 =	vld.idx.msk [tilespmem:v38+s17+$0x0], $0xffff  }
0x9c: {  	s19 =	simm.s32 $0x5;
	v39 =	vor.u32 v4, v32;
	v21 =	vand.u32 $0x7, v53;
	v41 =	vor.u32 v0, v24;
	v31 =	vld.idx.msk [tilespmem:v35+s17+$0x0], $0xffff;
	[tilespmem:$0x1FF10] =	vst v54  }
0x9d: {  	v53 =	vadd.s32 s19, v0;
	v45 =	vor.u32 v2, v24;
	v22 =	vor.u32 v1, v54;
	[tilespmem:$0x1FF20] =	vst v36  }
0x9e: {  	v18 =	vor.u32 v4, v29;
	v19 =	vand.u32 $0xBF8, v22;
	v22 =	vand.u32 $0x1BF8, v55;
	[tilespmem:$0x1FF30] =	vst v30  }
0x9f: {  	s29 =	simm.s32 $0x7;
	s28 =	simm.s32 $0x6;
	v35 =	vand.u32 $0x2BF8, v58;
	v38 =	vor.u32 v21, v26;
	[tilespmem:$0x1FF40] =	vst v32;
	v52 =	vor.u32 v6, v29  }
0xa0: {  	[tilespmem:$0x1FF50] =	vst v21;
	v54 =	vadd.s32 s28, v0;
	v55 =	vadd.s32 s29, v0;
	v59 =	vmul.f32 $8.000000000e+00, v56  }
0xa1: {  	v19 =	vor.u32 v21, v19;
	v62 =	vor.u32 v21, v35;
	v50 =	vor.u32 v21, v22;
	v61 =	vld.idx.msk [tilespmem:v41+s17+$0x0], $0xffff  }
0xa2: {  	v22 =	vand.u32 $0x2BF8, v33;
	v35 =	vor.u32 v25, v60;
	v20 =	vmul.f32 $8.000000000e+00, v20;
	[tilespmem:v23+s24+$0x0] =	vst.idx.msk $0xffff, v59  }
0xa3: {  	v30 =	vand.u32 $0x7F, v54;
	v63 =	vmul.f32 $8.000000000e+00, v31;
	v31 =	vand.u32 $0x7F, v53;
	[tilespmem:$0x1FF60] =	vst v29  }
0xa4: {  	v33 =	vand.u32 $0x7F, v55;
	v60 =	vor.u32 v4, v24;
	v29 =	vshll.u32 v31, $0x6;
	v18 =	vld.idx.msk [tilespmem:v18+s17+$0x0], $0xffff;
	[tilespmem:v16+s24+$0x0] =	vst.idx.msk $0xffff, v20  }
0xa5: {  	v51 =	vor.u32 v28, v22;
	v26 =	vshll.u32 v30, $0x6;
	v56 =	vor.u32 v0, v29;
	v20 =	vld.idx.msk [tilespmem:v39+s17+$0x0], $0xffff  }
0xa6: {  	[tilespmem:v17+s24+$0x0] =	vst.idx.msk $0xffff, v63;
	v17 =	vor.u32 v0, v26;
	v16 =	vmul.f32 $8.000000000e+00, v61;
	v39 =	vshll.u32 v33, $0x6  }
0xa7: {  	v57 =	vor.u32 v3, v30;
	v58 =	vor.u32 v1, v33;
	v36 =	vld.idx.msk [tilespmem:v47+s17+$0x0], $0xffff;
	v41 =	vor.u32 v0, v39  }
0xa8: {  	v43 =	vand.u32 $0x3BF8, v43;
	v48 =	vor.u32 v5, v33;
	v34 =	vor.u32 v5, v30;
	[tilespmem:v19+s24+$0x0] =	vst.idx.msk $0xffff, v16  }
0xa9: {  	s21 =	simm.s32 $0x4;
	v58 =	vand.u32 $0xBF8, v58;
	v40 =	vand.u32 $0x2BF8, v34;
	v45 =	vld.idx.msk [tilespmem:v45+s17+$0x0], $0xffff;
	v18 =	vmul.f32 $8.000000000e+00, v18  }
0xaa: {  	v34 =	vadd.s32 s21, v0;
	v21 =	vor.u32 v5, v31;
	v56 =	vld.idx.msk [tilespmem:v56+s17+$0x0], $0xffff;
	v20 =	vmul.f32 $8.000000000e+00, v20  }
0xab: {  	v59 =	vor.u32 v3, v33;
	v63 =	vor.u32 v1, v30;
	v32 =	vld.idx.msk [tilespmem:v17+s17+$0x0], $0xffff;
	[tilespmem:v51+s24+$0x0] =	vst.idx.msk $0xffff, v18  }
0xac: {  	v59 =	vand.u32 $0x1BF8, v59;
	v47 =	vor.u32 v7, v31;
	v61 =	vmul.f32 $8.000000000e+00, v36;
	v36 =	vld.idx.msk [tilespmem:v41+s17+$0x0], $0xffff;
	[tilespmem:v42+s24+$0x0] =	vst.idx.msk $0xffff, v20  }
0xad: {  	v19 =	vor.u32 v1, v31;
	v16 =	vand.u32 $0x7, v53;
	v53 =	vand.u32 $0xBF8, v63;
	v52 =	vld.idx.msk [tilespmem:v52+s17+$0x0], $0xffff;
	[tilespmem:$0x1FF70] =	vst v25  }
0xae: {  	v19 =	vand.u32 $0xBF8, v19;
	v17 =	vand.u32 $0x7, v54;
	v23 =	vmul.f32 $8.000000000e+00, v45;
	[tilespmem:$0x1FF80] =	vst v27  }
0xaf: {  	v63 =	vor.u32 v2, v29;
	v19 =	vor.u32 v16, v19;
	v53 =	vor.u32 v17, v53;
	[tilespmem:$0x1FF90] =	vst v28  }
0xb0: {  	v18 =	vand.u32 $0x7, v55;
	v41 =	vor.u32 v17, v40;
	v40 =	vor.u32 v7, v33;
	[tilespmem:v50+s24+$0x0] =	vst.idx.msk $0xffff, v23  }
0xb1: {  	v54 =	vor.u32 v18, v58;
	v22 =	vor.u32 v18, v59;
	v58 =	vor.u32 v2, v26;
	[tilespmem:$0x1FFA0] =	vst v31  }
0xb2: {  	v59 =	vor.u32 v2, v39;
	v42 =	vand.u32 $0x3BF8, v47;
	v20 =	vmul.f32 $8.000000000e+00, v56;
	[tilespmem:$0x1FFB0] =	vst v24  }
0xb3: {  	v56 =	vand.u32 $0x3BF8, v46;
	v46 =	vor.u32 v28, v43;
	v23 =	vor.u32 v3, v31;
	v60 =	vld.idx.msk [tilespmem:v60+s17+$0x0], $0xffff  }
0xb4: {  	v50 =	vor.u32 v6, v24;
	v28 =	vmul.f32 $8.000000000e+00, v32;
	v45 =	vor.u32 v27, v56;
	[tilespmem:v35+s24+$0x0] =	vst.idx.msk $0xffff, v61  }
0xb5: {  	v23 =	vand.u32 $0x1BF8, v23;
	v24 =	vor.u32 v4, v26;
	v31 =	vmul.f32 $8.000000000e+00, v36;
	v32 =	vld.idx.msk [tilespmem:v37+s17+$0x0], $0xffff  }
0xb6: {  	[tilespmem:v53+s24+$0x0] =	vst.idx.msk $0xffff, v28;
	v61 =	vor.u32 v4, v39;
	v56 =	vmul.f32 $8.000000000e+00, v52;
	v37 =	vand.u32 $0x7F, v34  }
0xb7: {  	[tilespmem:v19+s24+$0x0] =	vst.idx.msk $0xffff, v20;
	v52 =	vor.u32 v16, v23;
	v23 =	vand.u32 $0x1BF8, v57;
	v20 =	vld.idx.msk [tilespmem:v58+s17+$0x0], $0xffff;
	v43 =	vshll.u32 v37, $0x6  }
0xb8: {  	v23 =	vor.u32 v17, v23;
	[tilespmem:v54+s24+$0x0] =	vst.idx.msk $0xffff, v31;
	v36 =	vor.u32 v0, v43;
	v27 =	vmul.f32 $8.000000000e+00, v60  }
0xb9: {  	v49 =	vld.idx.msk [tilespmem:v49+s17+$0x0], $0xffff;
	v19 =	vor.u32 v1, v37;
	v35 =	vor.u32 v3, v37;
	[tilespmem:v46+s24+$0x0] =	vst.idx.msk $0xffff, v56  }
0xba: {  	v25 =	vand.u32 $0x7, v34;
	v31 =	vor.u32 v5, v37;
	v53 =	vld.idx.msk [tilespmem:v59+s17+$0x0], $0xffff;
	v28 =	vmul.f32 $8.000000000e+00, v32;
	[tilespmem:v62+s24+$0x0] =	vst.idx.msk $0xffff, v27  }
0xbb: {  	v63 =	vld.idx.msk [tilespmem:v63+s17+$0x0], $0xffff;
	v54 =	vor.u32 v6, v29;
	v55 =	vor.u32 v2, v43;
	v19 =	vand.u32 $0xBF8, v19;
	[tilespmem:$0x1FFC0] =	vst v30  }
0xbc: {  	v47 =	vand.u32 $0x1BF8, v35;
	v34 =	vand.u32 $0x2BF8, v31;
	v35 =	vmul.f32 $8.000000000e+00, v20;
	v62 =	vld.idx.msk [tilespmem:v50+s17+$0x0], $0xffff;
	[tilespmem:v44+s24+$0x0] =	vst.idx.msk $0xffff, v28  }
0xbd: {  	v56 =	vand.u32 $0x2BF8, v21;
	v59 =	vor.u32 v25, v47;
	v60 =	vor.u32 v25, v19;
	v20 =	vld.idx.msk [tilespmem:v36+s17+$0x0], $0xffff;
	[tilespmem:$0x1FFD0] =	vst v29  }
0xbe: {  	v57 =	vmul.f32 $8.000000000e+00, v49;
	v19 =	vor.u32 v7, v37;
	v49 =	vor.u32 v7, v30;
	[tilespmem:v23+s24+$0x0] =	vst.idx.msk $0xffff, v35  }
0xbf: {  	v46 =	vmovc v16;
	v32 =	vand.u32 $0x3BF8, v19;
	v19 =	vor.u32 v4, v29;
	v36 =	vmul.f32 $8.000000000e+00, v53;
	[tilespmem:$0x1FFE0] =	vst v26  }
0xc0: {  	s29 =	sshll.u32 s26, $0x2;
	v51 =	vmul.f32 $8.000000000e+00, v63;
	v47 =	vmovc v17;
	v58 =	vor.u32 v25, v32;
	v44 =	vor.u32 v25, v34;
	[tilespmem:$0x1FFF0] =	vst v25  }
0xc1: {  	s31 =	simm.s32 $0x8;
	s28 =	sshll.u32 s26, $0xB;
	s30 =	sadd.s32 s5, s29;
	v50 =	vor.u32 v6, v26;
	v53 =	vand.u32 $0x2BF8, v48;
	v48 =	vmov v18;
	v63 =	vld.idx.msk [tilespmem:v24+s17+$0x0], $0xffff;
	[tilespmem:v22+s24+$0x0] =	vst.idx.msk $0xffff, v36  }
.LBB2_3:
0xc2: {  	s1 =	sadd.s32 $0x1, s31;
	s19 =	sadd.s32 $0x2, s31;
	s21 =	sadd.s32 $0x3, s31;
	v21 =	vor.u32 v46, v56;
	v22 =	vld.idx.msk [tilespmem:v61+s17+$0x0], $0xffff;
	v23 =	vor.u32 v48, v53;
	v24 =	vor.u32 v6, v39  }
0xc3: {  	p1 =	slt.u32 s31, $0x7C;
	v61 =	vadd.s32 s1, v0;
	v25 =	vadd.s32 s19, v0;
	v27 =	vadd.s32 s21, v0;
	[tilespmem:v52+s24+$0x0] =	vst.idx.msk $0xffff, v51;
	s1 =	smov.u32 s31;
	s31 =	sadd.s32 $0x4, s31  }
0xc4: {  	v52 =	vand.u32 $0x7F, v61;
	v56 =	vand.u32 $0x7F, v25;
	v28 =	vand.u32 $0x7F, v27;
	v19 =	vld.idx.msk [tilespmem:v19+s17+$0x0], $0xffff;
	[tilespmem:v45+s24+$0x0] =	vst.idx.msk $0xffff, v57  }
0xc5: {  	v45 =	vmul.f32 $8.000000000e+00, v62;
	v53 =	vshll.u32 v52, $0x6;
	v51 =	vshll.u32 v56, $0x6  }
0xc6: {  	v62 =	vor.u32 v3, v56;
	v39 =	vshll.u32 v28, $0x6;
	v57 =	vor.u32 v0, v53  }
0xc7: {  	v20 =	vmul.f32 $8.000000000e+00, v20;
	v34 =	vor.u32 v0, v51;
	v26 =	vor.u32 v0, v39;
	[tilespmem:v38+s24+$0x0] =	vst.idx.msk $0xffff, v45  }
0xc8: {  	v29 =	vor.u32 v7, v52;
	v35 =	vor.u32 v3, v28;
	v45 =	vor.u32 v1, v28;
	v38 =	vmovc v58  }
0xc9: {  	v35 =	vand.u32 $0x1BF8, v35;
	v45 =	vand.u32 $0xBF8, v45;
	[tilespmem:v60+s24+$0x0] =	vst.idx.msk $0xffff, v20;
	v20 =	vmul.f32 $8.000000000e+00, v22  }
0xca: {  	v58 =	vand.u32 $0x7, v61;
	v22 =	vor.u32 v1, v52;
	v60 =	vor.u32 v1, v56;
	v55 =	vld.idx.msk [tilespmem:v55+s17+$0x0], $0xffff  }
0xcb: {  	v30 =	vor.u32 v5, v28;
	v22 =	vand.u32 $0xBF8, v22;
	v60 =	vand.u32 $0xBF8, v60;
	[tilespmem:v23+s24+$0x0] =	vst.idx.msk $0xffff, v20  }
0xcc: {  	v22 =	vor.u32 v58, v22;
	v23 =	vor.u32 v4, v43;
	v20 =	vld.idx.msk [tilespmem:v57+s17+$0x0], $0xffff;
	v57 =	vmul.f32 $8.000000000e+00, v63  }
0xcd: {  	v61 =	vor.u32 v2, v53;
	v19 =	vmul.f32 $8.000000000e+00, v19;
	v63 =	vor.u32 v5, v52;
	v34 =	vld.idx.msk [tilespmem:v34+s17+$0x0], $0xffff  }
0xce: {  	v25 =	vand.u32 $0x7, v25;
	v27 =	vand.u32 $0x7, v27;
	v31 =	vor.u32 v5, v56;
	[tilespmem:v41+s24+$0x0] =	vst.idx.msk $0xffff, v57;
	v24 =	vld.idx.msk [tilespmem:v24+s17+$0x0], $0xffff  }
0xcf: {  	v31 =	vand.u32 $0x2BF8, v31;
	v35 =	vor.u32 v27, v35;
	v57 =	vor.u32 v27, v45;
	v26 =	vld.idx.msk [tilespmem:v26+s17+$0x0], $0xffff  }
0xd0: {  	v32 =	vor.u32 v2, v51;
	v36 =	vor.u32 v2, v39;
	v45 =	vmul.f32 $8.000000000e+00, v55;
	[tilespmem:v21+s24+$0x0] =	vst.idx.msk $0xffff, v19  }
0xd1: {  	v41 =	vor.u32 v25, v31;
	v19 =	vor.u32 v25, v60;
	v21 =	vor.u32 v7, v28;
	v28 =	vld.idx.msk [tilespmem:v54+s17+$0x0], $0xffff  }
0xd2: {  	v31 =	vand.u32 $0x3BF8, v49;
	v49 =	vand.u32 $0x3BF8, v40;
	v20 =	vmul.f32 $8.000000000e+00, v20;
	v40 =	vmovc v21;
	[tilespmem:v59+s24+$0x0] =	vst.idx.msk $0xffff, v45  }
0xd3: {  	v21 =	vor.u32 v46, v42;
	v45 =	vor.u32 v47, v31;
	v31 =	vor.u32 v48, v49;
	v50 =	vld.idx.msk [tilespmem:v50+s17+$0x0], $0xffff  }
0xd4: {  	v42 =	vor.u32 v3, v52;
	v54 =	vor.u32 v6, v43;
	v46 =	vmovc v58;
	v24 =	vmul.f32 $8.000000000e+00, v24;
	v23 =	vld.idx.msk [tilespmem:v23+s17+$0x0], $0xffff  }
0xd5: {  	v42 =	vand.u32 $0x1BF8, v42;
	v34 =	vmul.f32 $8.000000000e+00, v34;
	v47 =	vmovc v25;
	v48 =	vmovc v27;
	v26 =	vmul.f32 $8.000000000e+00, v26  }
0xd6: {  	v52 =	vor.u32 v46, v42;
	[tilespmem:v22+s24+$0x0] =	vst.idx.msk $0xffff, v20;
	v20 =	vand.u32 $0x1BF8, v62;
	v22 =	vor.u32 v4, v51  }
0xd7: {  	v25 =	vadd.s32 s1, v0;
	v42 =	vand.u32 $0x3BF8, v29;
	v27 =	vld.idx.msk [tilespmem:v61+s17+$0x0], $0xffff;
	[tilespmem:v19+s24+$0x0] =	vst.idx.msk $0xffff, v34;
	v29 =	vor.u32 v47, v20  }
0xd8: {  	v19 =	vand.u32 $0x7F, v25;
	v25 =	vand.u32 $0x7, v25;
	v61 =	vor.u32 v4, v39;
	v20 =	vld.idx.msk [tilespmem:v32+s17+$0x0], $0xffff;
	[tilespmem:v57+s24+$0x0] =	vst.idx.msk $0xffff, v26  }
0xd9: {  	v43 =	vshll.u32 v19, $0x6;
	v26 =	vor.u32 v1, v19;
	v32 =	vor.u32 v3, v19;
	v34 =	vld.idx.msk [tilespmem:v36+s17+$0x0], $0xffff  }
0xda: {  	v36 =	vor.u32 v0, v43;
	v55 =	vor.u32 v2, v43;
	v23 =	vmul.f32 $8.000000000e+00, v23  }
0xdb: {  	v57 =	vmul.f32 $8.000000000e+00, v50;
	v26 =	vand.u32 $0xBF8, v26;
	v32 =	vand.u32 $0x1BF8, v32;
	[tilespmem:v31+s24+$0x0] =	vst.idx.msk $0xffff, v24  }
0xdc: {  	v60 =	vor.u32 v25, v26;
	v24 =	vor.u32 v7, v19;
	[tilespmem:v44+s24+$0x0] =	vst.idx.msk $0xffff, v23;
	v23 =	vmul.f32 $8.000000000e+00, v28  }
.Ltmp2:
0xdd: {  	v49 =	vor.u32 v7, v56;
	v19 =	vor.u32 v5, v19;
	v24 =	vand.u32 $0x3BF8, v24;
	v62 =	vld.idx.msk [tilespmem:v54+s17+$0x0], $0xffff;
	(pc) =	sbr.rel @p1 .LBB2_3-.Ltmp2, $4  }
0xde: {  	v26 =	vand.u32 $0x2BF8, v19;
	v19 =	vor.u32 v4, v53;
	v28 =	vmul.f32 $8.000000000e+00, v20;
	[tilespmem:v21+s24+$0x0] =	vst.idx.msk $0xffff, v23  }
0xdf: {  	v44 =	vor.u32 v25, v26;
	v58 =	vor.u32 v25, v24;
	v21 =	vmul.f32 $8.000000000e+00, v34;
	v20 =	vld.idx.msk [tilespmem:v36+s17+$0x0], $0xffff  }
0xe0: {  	v56 =	vand.u32 $0x2BF8, v63;
	v50 =	vor.u32 v6, v51;
	v54 =	vor.u32 v6, v53;
	[tilespmem:v29+s24+$0x0] =	vst.idx.msk $0xffff, v28  }
0xe1: {  	v59 =	vor.u32 v25, v32;
	v51 =	vmul.f32 $8.000000000e+00, v27;
	v53 =	vand.u32 $0x2BF8, v30;
	v63 =	vld.idx.msk [tilespmem:v22+s17+$0x0], $0xffff;
	[tilespmem:v35+s24+$0x0] =	vst.idx.msk $0xffff, v21  }
0xe2: {  	_ =	sdelay $0x1  }
0xe3: {  	v20 =	vmul.f32 $8.000000000e+00, v20;
	_ =	sdelay $0x1  }
0xe4: {  	[tilespmem:v60+s24+$0x0] =	vst.idx.msk $0xffff, v20  }
0xe5: {  	v20 =	vld.idx.msk [tilespmem:v55+s17+$0x0], $0xffff;
	_ =	sdelay $0x2  }
0xe6: {  	v21 =	vor.u32 v4, v43;
	v22 =	vld.idx.msk [tilespmem:v61+s17+$0x0], $0xffff;
	[tilespmem:v52+s24+$0x0] =	vst.idx.msk $0xffff, v51  }
0xe7: {  	v19 =	vld.idx.msk [tilespmem:v19+s17+$0x0], $0xffff  }
0xe8: {  	v23 =	vor.u32 v48, v53;
	v20 =	vmul.f32 $8.000000000e+00, v20  }
0xe9: {  	v24 =	vor.u32 v46, v56;
	v25 =	vor.u32 v6, v39  }
0xea: {  	[tilespmem:v59+s24+$0x0] =	vst.idx.msk $0xffff, v20  }
0xeb: {  	v20 =	vld.idx.msk [tilespmem:v21+s17+$0x0], $0xffff;
	v21 =	vmul.f32 $8.000000000e+00, v22  }
0xec: {  	v19 =	vmul.f32 $8.000000000e+00, v19  }
0xed: {  	[tilespmem:v23+s24+$0x0] =	vst.idx.msk $0xffff, v21;
	v21 =	vmul.f32 $8.000000000e+00, v63  }
0xee: {  	[tilespmem:v24+s24+$0x0] =	vst.idx.msk $0xffff, v19;
	v23 =	vld.idx.msk [tilespmem:v25+s17+$0x0], $0xffff  }
0xef: {  	v19 =	vld.idx.msk [tilespmem:v54+s17+$0x0], $0xffff;
	[tilespmem:v41+s24+$0x0] =	vst.idx.msk $0xffff, v21;
	v21 =	vand.u32 $0x3BF8, v40  }
0xf0: {  	v22 =	vor.u32 v6, v43;
	v20 =	vmul.f32 $8.000000000e+00, v20;
	v21 =	vor.u32 v48, v21  }
0xf1: {  	v26 =	vor.u32 v46, v42;
	v24 =	vld.idx.msk [tilespmem:v50+s17+$0x0], $0xffff  }
0xf2: {  	v25 =	vand.u32 $0x3BF8, v49;
	[tilespmem:v44+s24+$0x0] =	vst.idx.msk $0xffff, v20;
	v20 =	vmul.f32 $8.000000000e+00, v62  }
0xf3: {  	[tilespmem:v45+s24+$0x0] =	vst.idx.msk $0xffff, v57;
	v25 =	vor.u32 v47, v25;
	v23 =	vmul.f32 $8.000000000e+00, v23  }
0xf4: {  	v19 =	vmul.f32 $8.000000000e+00, v19;
	[tilespmem:v38+s24+$0x0] =	vst.idx.msk $0xffff, v20  }
0xf5: {  	v22 =	vld.idx.msk [tilespmem:v22+s17+$0x0], $0xffff;
	[tilespmem:v21+s24+$0x0] =	vst.idx.msk $0xffff, v23  }
0xf6: {  	v20 =	vmul.f32 $8.000000000e+00, v24;
	v44 =	vld [tilespmem:$0x1FF60];
	[tilespmem:v26+s24+$0x0] =	vst.idx.msk $0xffff, v19  }
0xf7: {  	v43 =	vld [tilespmem:$0x1FF40]  }
0xf8: {  	[tilespmem:v25+s24+$0x0] =	vst.idx.msk $0xffff, v20  }
0xf9: {  	v42 =	vld [tilespmem:$0x1FF30]  }
0xfa: {  	v20 =	vmul.f32 $8.000000000e+00, v22;
	v60 =	vld [tilespmem:$0x1FF20]  }
0xfb: {  	v36 =	vld [tilespmem:$0x1FEF0];
	v21 =	vor.u32 v8, v44  }
0xfc: {  	v35 =	vld [tilespmem:$0x1FF00];
	[tilespmem:v58+s24+$0x0] =	vst.idx.msk $0xffff, v20;
	v19 =	vor.u32 v8, v43  }
0xfd: {  	v53 =	vld [tilespmem:$0x1FF90]  }
0xfe: {  	v52 =	vld [tilespmem:$0x1FF80]  }
0xff: {  	v22 =	vor.u32 v8, v42  }
0x100: {  	v25 =	vor.u32 v9, v36;
	v21 =	vld.idx.msk [tilespmem:v21+s17+$0x0], $0xffff  }
0x101: {  	v27 =	vor.u32 v9, v60;
	v25 =	vand.u32 $0xFF8, v25;
	v19 =	vld.idx.msk [tilespmem:v19+s17+$0x0], $0xffff  }
0x102: {  	v51 =	vld [tilespmem:$0x1FF70];
	v27 =	vand.u32 $0xFF8, v27;
	v25 =	vor.u32 v53, v25  }
0x103: {  	v32 =	vor.u32 v10, v44;
	v27 =	vor.u32 v52, v27  }
0x104: {  	v59 =	vor.u32 v9, v33;
	v34 =	vor.u32 v10, v43;
	v22 =	vld.idx.msk [tilespmem:v22+s17+$0x0], $0xffff  }
0x105: {  	v47 =	vor.u32 v13, v33;
	v26 =	vor.u32 v9, v35;
	v21 =	vmul.f32 $8.000000000e+00, v21  }
0x106: {  	v23 =	vor.u32 v11, v60;
	v26 =	vand.u32 $0xFF8, v26;
	v19 =	vmul.f32 $8.000000000e+00, v19  }
0x107: {  	v24 =	vor.u32 v15, v35;
	v23 =	vand.u32 $0x1FF8, v23;
	v26 =	vor.u32 v51, v26;
	[tilespmem:v25+s24+$0x0] =	vst.idx.msk $0xffff, v21  }
0x108: {  	v29 =	vor.u32 v10, v42;
	[tilespmem:v27+s24+$0x0] =	vst.idx.msk $0xffff, v19;
	v19 =	vor.u32 v52, v23;
	v23 =	vld.idx.msk [tilespmem:v32+s17+$0x0], $0xffff  }
0x109: {  	v20 =	vor.u32 v11, v36;
	v21 =	vmul.f32 $8.000000000e+00, v22;
	v22 =	vand.u32 $0x3FF8, v24;
	v24 =	vld.idx.msk [tilespmem:v34+s17+$0x0], $0xffff  }
0x10a: {  	v61 =	vor.u32 v12, v43;
	v43 =	vor.u32 v14, v43;
	v20 =	vand.u32 $0x1FF8, v20;
	v56 =	vld [tilespmem:$0x1FFB0]  }
0x10b: {  	v28 =	vor.u32 v13, v36;
	v30 =	vor.u32 v13, v35;
	v20 =	vor.u32 v53, v20  }
0x10c: {  	v31 =	vor.u32 v13, v60;
	v35 =	vor.u32 v11, v35;
	v62 =	vld [tilespmem:$0x1FF10];
	[tilespmem:v26+s24+$0x0] =	vst.idx.msk $0xffff, v21  }
0x10d: {  	v36 =	vor.u32 v15, v36;
	v40 =	vor.u32 v15, v60;
	v49 =	vor.u32 v12, v42;
	v48 =	vld.idx.msk [tilespmem:v29+s17+$0x0], $0xffff  }
0x10e: {  	v42 =	vor.u32 v14, v42;
	v35 =	vand.u32 $0x1FF8, v35;
	v23 =	vmul.f32 $8.000000000e+00, v23  }
0x10f: {  	v35 =	vor.u32 v51, v35;
	v63 =	vor.u32 v8, v56;
	v24 =	vmul.f32 $8.000000000e+00, v24  }
0x110: {  	v60 =	vor.u32 v11, v33;
	v31 =	vand.u32 $0x2FF8, v31;
	v30 =	vand.u32 $0x2FF8, v30;
	v45 =	vld [tilespmem:$0x1FF50];
	[tilespmem:v20+s24+$0x0] =	vst.idx.msk $0xffff, v23  }
0x111: {  	v46 =	vand.u32 $0x1FF8, v60;
	v31 =	vor.u32 v52, v31;
	v25 =	vor.u32 v12, v44;
	[tilespmem:v19+s24+$0x0] =	vst.idx.msk $0xffff, v24  }
0x112: {  	v22 =	vor.u32 v51, v22;
	v27 =	vor.u32 v9, v62;
	v20 =	vmul.f32 $8.000000000e+00, v48;
	v55 =	vld [tilespmem:$0x1FFD0]  }
0x113: {  	v21 =	vor.u32 v11, v62;
	v26 =	vor.u32 v10, v56;
	v29 =	vor.u32 v15, v62;
	v57 =	vld [tilespmem:$0x1FFC0]  }
0x114: {  	v39 =	vor.u32 v13, v62;
	v62 =	vor.u32 v12, v56;
	[tilespmem:v35+s24+$0x0] =	vst.idx.msk $0xffff, v20;
	v32 =	vld.idx.msk [tilespmem:v63+s17+$0x0], $0xffff  }
0x115: {  	v27 =	vand.u32 $0xFF8, v27;
	v21 =	vand.u32 $0x1FF8, v21;
	v39 =	vand.u32 $0x2FF8, v39;
	v54 =	vld [tilespmem:$0x1FFE0]  }
0x116: {  	v29 =	vand.u32 $0x3FF8, v29;
	v27 =	vor.u32 v45, v27;
	v39 =	vor.u32 v45, v39;
	v23 =	vld.idx.msk [tilespmem:v25+s17+$0x0], $0xffff  }
0x117: {  	v29 =	vor.u32 v45, v29;
	v19 =	vor.u32 v45, v21;
	v21 =	vand.u32 $0x2FF8, v28;
	v58 =	vld [tilespmem:$0x1FFA0]  }
0x118: {  	v24 =	vor.u32 v51, v30;
	v28 =	vor.u32 v14, v44;
	v21 =	vor.u32 v53, v21;
	v41 =	vld.idx.msk [tilespmem:v49+s17+$0x0], $0xffff  }
0x119: {  	v25 =	vshll.u32 v33, $0x6;
	v50 =	vor.u32 v8, v55;
	v32 =	vmul.f32 $8.000000000e+00, v32  }
0x11a: {  	v45 =	vand.u32 $0xFF8, v59;
	v30 =	vld.idx.msk [tilespmem:v61+s17+$0x0], $0xffff;
	v35 =	vor.u32 v8, v25;
	v20 =	vor.u32 v8, v54  }
0x11b: {  	v60 =	vor.u32 v10, v25;
	v23 =	vmul.f32 $8.000000000e+00, v23;
	v38 =	vor.u32 v11, v57;
	[tilespmem:v27+s24+$0x0] =	vst.idx.msk $0xffff, v32  }
0x11c: {  	v61 =	vor.u32 v9, v57;
	v48 =	vor.u32 v10, v55;
	v44 =	vor.u32 v15, v58;
	v26 =	vld.idx.msk [tilespmem:v26+s17+$0x0], $0xffff  }
0x11d: {  	[tilespmem:v21+s24+$0x0] =	vst.idx.msk $0xffff, v23;
	v49 =	vor.u32 v13, v58;
	v63 =	vmul.f32 $8.000000000e+00, v41;
	v41 =	vor.u32 v18, v45  }
0x11e: {  	v45 =	vor.u32 v18, v46;
	v59 =	vor.u32 v10, v54;
	v27 =	vor.u32 v9, v58;
	v21 =	vld.idx.msk [tilespmem:v50+s17+$0x0], $0xffff  }
0x11f: {  	[tilespmem:v24+s24+$0x0] =	vst.idx.msk $0xffff, v63;
	v63 =	vor.u32 v14, v56;
	v27 =	vand.u32 $0xFF8, v27;
	v20 =	vld.idx.msk [tilespmem:v20+s17+$0x0], $0xffff  }
0x120: {  	v35 =	vld.idx.msk [tilespmem:v35+s17+$0x0], $0xffff;
	v23 =	vor.u32 v16, v27;
	v27 =	vmul.f32 $8.000000000e+00, v30;
	v30 =	vand.u32 $0xFF8, v61  }
0x121: {  	v50 =	vor.u32 v13, v57;
	v61 =	vld.idx.msk [tilespmem:v42+s17+$0x0], $0xffff;
	v24 =	vor.u32 v17, v30;
	v26 =	vmul.f32 $8.000000000e+00, v26  }
0x122: {  	v42 =	vor.u32 v12, v55;
	[tilespmem:v31+s24+$0x0] =	vst.idx.msk $0xffff, v27;
	v31 =	vld.idx.msk [tilespmem:v28+s17+$0x0], $0xffff;
	v27 =	vand.u32 $0x2FF8, v50  }
0x123: {  	v28 =	vor.u32 v17, v27;
	v21 =	vmul.f32 $8.000000000e+00, v21;
	[tilespmem:v19+s24+$0x0] =	vst.idx.msk $0xffff, v26;
	v26 =	vand.u32 $0x3FF8, v36  }
0x124: {  	v27 =	vor.u32 v15, v33;
	v43 =	vld.idx.msk [tilespmem:v43+s17+$0x0], $0xffff;
	v20 =	vmul.f32 $8.000000000e+00, v20;
	v26 =	vor.u32 v53, v26  }
0x125: {  	v33 =	vor.u32 v14, v55;
	v19 =	vand.u32 $0x3FF8, v40;
	[tilespmem:v23+s24+$0x0] =	vst.idx.msk $0xffff, v21;
	v21 =	vand.u32 $0x1FF8, v38;
	v62 =	vld.idx.msk [tilespmem:v62+s17+$0x0], $0xffff  }
0x126: {  	v23 =	vor.u32 v12, v54;
	v30 =	vor.u32 v52, v19;
	v52 =	vmul.f32 $8.000000000e+00, v35;
	[tilespmem:v24+s24+$0x0] =	vst.idx.msk $0xffff, v20  }
0x127: {  	v40 =	vor.u32 v12, v25;
	v31 =	vmul.f32 $8.000000000e+00, v31;
	v35 =	vor.u32 v17, v21;
	v21 =	vld.idx.msk [tilespmem:v59+s17+$0x0], $0xffff  }
0x128: {  	v19 =	vor.u32 v11, v58;
	v24 =	vor.u32 v9, v37;
	v48 =	vld.idx.msk [tilespmem:v48+s17+$0x0], $0xffff;
	[tilespmem:v41+s24+$0x0] =	vst.idx.msk $0xffff, v52  }
0x129: {  	v20 =	vshll.u32 v37, $0x6;
	v53 =	vor.u32 v11, v37;
	v19 =	vand.u32 $0x1FF8, v19;
	v41 =	vld.idx.msk [tilespmem:v60+s17+$0x0], $0xffff;
	[tilespmem:v26+s24+$0x0] =	vst.idx.msk $0xffff, v31  }
0x12a: {  	v56 =	vor.u32 v8, v20;
	v34 =	vor.u32 v10, v20;
	v58 =	vmul.f32 $8.000000000e+00, v62;
	v60 =	vld [tilespmem:$0x1FFF0]  }
0x12b: {  	v24 =	vand.u32 $0xFF8, v24;
	v59 =	vand.u32 $0x1FF8, v53;
	v26 =	vmul.f32 $8.000000000e+00, v61  }
0x12c: {  	v36 =	vmul.f32 $8.000000000e+00, v43;
	v31 =	vor.u32 v13, v37;
	v62 =	vmul.f32 $8.000000000e+00, v21;
	[tilespmem:v39+s24+$0x0] =	vst.idx.msk $0xffff, v58  }
0x12d: {  	v32 =	vor.u32 v16, v19;
	v19 =	vand.u32 $0x3FF8, v44;
	v31 =	vand.u32 $0x2FF8, v31;
	[tilespmem:v22+s24+$0x0] =	vst.idx.msk $0xffff, v26  }
0x12e: {  	v26 =	vor.u32 v14, v54;
	v22 =	vmul.f32 $8.000000000e+00, v48;
	v39 =	vld.idx.msk [tilespmem:v63+s17+$0x0], $0xffff;
	v63 =	vmul.f32 $8.000000000e+00, v41;
	[tilespmem:v35+s24+$0x0] =	vst.idx.msk $0xffff, v62  }
0x12f: {  	v41 =	vld.idx.msk [tilespmem:v23+s17+$0x0], $0xffff;
	v23 =	vand.u32 $0x2FF8, v47;
	v38 =	vor.u32 v60, v24;
	v24 =	vor.u32 v15, v37  }
0x130: {  	[tilespmem:v45+s24+$0x0] =	vst.idx.msk $0xffff, v63;
	v21 =	vor.u32 v60, v31;
	v31 =	vand.u32 $0x2FF8, v49;
	v61 =	vand.u32 $0x3FF8, v24  }
0x131: {  	s31 =	simm.s32 $0x8;
	v43 =	vld.idx.msk [tilespmem:v56+s17+$0x0], $0xffff;
	v35 =	vor.u32 v60, v59;
	v24 =	vor.u32 v15, v57;
	v37 =	vor.u32 v60, v61  }
.LBB2_5:
0x132: {  	s1 =	sadd.s32 $0x1, s31;
	s19 =	sadd.s32 $0x2, s31;
	s21 =	sadd.s32 $0x3, s31;
	v44 =	vor.u32 v16, v31;
	v40 =	vld.idx.msk [tilespmem:v40+s17+$0x0], $0xffff;
	v45 =	vor.u32 v18, v23;
	v46 =	vor.u32 v14, v25  }
0x133: {  	p1 =	slt.u32 s31, $0x7C;
	v47 =	vadd.s32 s1, v0;
	v48 =	vadd.s32 s19, v0;
	v49 =	vadd.s32 s21, v0;
	[tilespmem:v32+s24+$0x0] =	vst.idx.msk $0xffff, v22;
	s1 =	smov.u32 s31;
	s31 =	sadd.s32 $0x4, s31  }
0x134: {  	v32 =	vand.u32 $0x7F, v47;
	v31 =	vand.u32 $0x7F, v48;
	v50 =	vand.u32 $0x7F, v49;
	v42 =	vld.idx.msk [tilespmem:v42+s17+$0x0], $0xffff;
	[tilespmem:v30+s24+$0x0] =	vst.idx.msk $0xffff, v36  }
0x135: {  	v30 =	vmul.f32 $8.000000000e+00, v39;
	v23 =	vshll.u32 v32, $0x6;
	v22 =	vshll.u32 v31, $0x6  }
0x136: {  	v39 =	vor.u32 v11, v31;
	v25 =	vshll.u32 v50, $0x6;
	v36 =	vor.u32 v8, v23  }
0x137: {  	v43 =	vmul.f32 $8.000000000e+00, v43;
	v51 =	vor.u32 v8, v22;
	v52 =	vor.u32 v8, v25;
	[tilespmem:v29+s24+$0x0] =	vst.idx.msk $0xffff, v30  }
0x138: {  	v53 =	vor.u32 v15, v32;
	v54 =	vor.u32 v11, v50;
	v30 =	vor.u32 v9, v50;
	v29 =	vmovc v37  }
0x139: {  	v37 =	vand.u32 $0x1FF8, v54;
	v30 =	vand.u32 $0xFF8, v30;
	[tilespmem:v38+s24+$0x0] =	vst.idx.msk $0xffff, v43;
	v38 =	vmul.f32 $8.000000000e+00, v40  }
0x13a: {  	v40 =	vor.u32 v9, v32;
	v43 =	vand.u32 $0x7, v47;
	v47 =	vor.u32 v9, v31;
	v34 =	vld.idx.msk [tilespmem:v34+s17+$0x0], $0xffff  }
0x13b: {  	v54 =	vor.u32 v13, v50;
	v40 =	vand.u32 $0xFF8, v40;
	v47 =	vand.u32 $0xFF8, v47;
	[tilespmem:v45+s24+$0x0] =	vst.idx.msk $0xffff, v38  }
0x13c: {  	v41 =	vmul.f32 $8.000000000e+00, v41;
	v38 =	vor.u32 v43, v40;
	v40 =	vor.u32 v12, v20;
	v36 =	vld.idx.msk [tilespmem:v36+s17+$0x0], $0xffff  }
0x13d: {  	v55 =	vor.u32 v13, v32;
	v42 =	vmul.f32 $8.000000000e+00, v42;
	v45 =	vor.u32 v10, v23;
	v51 =	vld.idx.msk [tilespmem:v51+s17+$0x0], $0xffff  }
0x13e: {  	v48 =	vand.u32 $0x7, v48;
	v49 =	vand.u32 $0x7, v49;
	v56 =	vor.u32 v13, v31;
	[tilespmem:v28+s24+$0x0] =	vst.idx.msk $0xffff, v41;
	v41 =	vld.idx.msk [tilespmem:v46+s17+$0x0], $0xffff  }
0x13f: {  	v28 =	vand.u32 $0x2FF8, v56;
	v56 =	vor.u32 v49, v37;
	v46 =	vld.idx.msk [tilespmem:v52+s17+$0x0], $0xffff;
	v52 =	vor.u32 v49, v30  }
0x140: {  	v57 =	vor.u32 v10, v25;
	v37 =	vor.u32 v10, v22;
	v30 =	vmul.f32 $8.000000000e+00, v34;
	[tilespmem:v44+s24+$0x0] =	vst.idx.msk $0xffff, v42  }
0x141: {  	v34 =	vor.u32 v48, v47;
	v28 =	vor.u32 v48, v28;
	v42 =	vor.u32 v15, v50;
	v33 =	vld.idx.msk [tilespmem:v33+s17+$0x0], $0xffff  }
0x142: {  	v24 =	vand.u32 $0x3FF8, v24;
	v36 =	vmul.f32 $8.000000000e+00, v36;
	[tilespmem:v35+s24+$0x0] =	vst.idx.msk $0xffff, v30;
	v35 =	vand.u32 $0x3FF8, v27;
	v27 =	vmovc v42  }
0x143: {  	v44 =	vor.u32 v16, v19;
	v30 =	vor.u32 v17, v24;
	v26 =	vld.idx.msk [tilespmem:v26+s17+$0x0], $0xffff;
	v24 =	vor.u32 v18, v35  }
0x144: {  	v32 =	vor.u32 v11, v32;
	v16 =	vmovc v43;
	v42 =	vor.u32 v14, v20;
	v41 =	vmul.f32 $8.000000000e+00, v41;
	v35 =	vld.idx.msk [tilespmem:v40+s17+$0x0], $0xffff  }
0x145: {  	v19 =	vand.u32 $0x1FF8, v32;
	v20 =	vmul.f32 $8.000000000e+00, v51;
	v17 =	vmovc v48;
	v18 =	vmovc v49;
	v40 =	vmul.f32 $8.000000000e+00, v46  }
0x146: {  	v32 =	vor.u32 v16, v19;
	v46 =	vor.u32 v12, v22;
	[tilespmem:v38+s24+$0x0] =	vst.idx.msk $0xffff, v36;
	v36 =	vand.u32 $0x1FF8, v39  }
0x147: {  	v19 =	vand.u32 $0x3FF8, v53;
	v38 =	vadd.s32 s1, v0;
	v45 =	vld.idx.msk [tilespmem:v45+s17+$0x0], $0xffff;
	[tilespmem:v34+s24+$0x0] =	vst.idx.msk $0xffff, v20;
	v47 =	vor.u32 v17, v36  }
0x148: {  	v39 =	vand.u32 $0x7F, v38;
	v48 =	vand.u32 $0x7, v38;
	v37 =	vld.idx.msk [tilespmem:v37+s17+$0x0], $0xffff;
	[tilespmem:v52+s24+$0x0] =	vst.idx.msk $0xffff, v40;
	v40 =	vor.u32 v12, v25  }
0x149: {  	v20 =	vshll.u32 v39, $0x6;
	v36 =	vor.u32 v9, v39;
	v38 =	vor.u32 v11, v39;
	v49 =	vld.idx.msk [tilespmem:v57+s17+$0x0], $0xffff  }
0x14a: {  	v43 =	vor.u32 v8, v20;
	v34 =	vor.u32 v10, v20;
	v35 =	vmul.f32 $8.000000000e+00, v35  }
0x14b: {  	v50 =	vand.u32 $0xFF8, v36;
	v51 =	vand.u32 $0x1FF8, v38;
	v36 =	vmul.f32 $8.000000000e+00, v26;
	[tilespmem:v24+s24+$0x0] =	vst.idx.msk $0xffff, v41  }
0x14c: {  	v38 =	vor.u32 v48, v50;
	v24 =	vor.u32 v15, v39;
	[tilespmem:v21+s24+$0x0] =	vst.idx.msk $0xffff, v35;
	v21 =	vmul.f32 $8.000000000e+00, v33  }
.Ltmp3:
0x14d: {  	v26 =	vor.u32 v13, v39;
	v33 =	vand.u32 $0x3FF8, v24;
	v24 =	vor.u32 v15, v31;
	v39 =	vld.idx.msk [tilespmem:v42+s17+$0x0], $0xffff;
	(pc) =	sbr.rel @p1 .LBB2_5-.Ltmp3, $4  }
0x14e: {  	v26 =	vand.u32 $0x2FF8, v26;
	v42 =	vor.u32 v12, v23;
	v35 =	vmul.f32 $8.000000000e+00, v37;
	[tilespmem:v44+s24+$0x0] =	vst.idx.msk $0xffff, v21  }
0x14f: {  	v37 =	vor.u32 v48, v33;
	v21 =	vor.u32 v48, v26;
	v44 =	vmul.f32 $8.000000000e+00, v49;
	v43 =	vld.idx.msk [tilespmem:v43+s17+$0x0], $0xffff  }
0x150: {  	v31 =	vand.u32 $0x2FF8, v55;
	v33 =	vor.u32 v14, v23;
	v26 =	vor.u32 v14, v22;
	[tilespmem:v47+s24+$0x0] =	vst.idx.msk $0xffff, v35  }
0x151: {  	v23 =	vand.u32 $0x2FF8, v54;
	v22 =	vmul.f32 $8.000000000e+00, v45;
	v35 =	vor.u32 v48, v51;
	v41 =	vld.idx.msk [tilespmem:v46+s17+$0x0], $0xffff;
	[tilespmem:v56+s24+$0x0] =	vst.idx.msk $0xffff, v44  }
0x152: {  	_ =	sdelay $0x1  }
0x153: {  	v43 =	vmul.f32 $8.000000000e+00, v43;
	_ =	sdelay $0x1  }
0x154: {  	[tilespmem:v38+s24+$0x0] =	vst.idx.msk $0xffff, v43  }
0x155: {  	v34 =	vld.idx.msk [tilespmem:v34+s17+$0x0], $0xffff;
	_ =	sdelay $0x2  }
0x156: {  	v58 =	vor.u32 v12, v20;
	_ =	sdelay $0x1  }
0x157: {  	v40 =	vld.idx.msk [tilespmem:v40+s17+$0x0], $0xffff;
	[tilespmem:v32+s24+$0x0] =	vst.idx.msk $0xffff, v22;
	v22 =	vmul.f32 $8.000000000e+00, v34  }
0x158: {  	v32 =	vld.idx.msk [tilespmem:v42+s17+$0x0], $0xffff  }
0x159: {  	v23 =	vor.u32 v18, v23;
	[tilespmem:v35+s24+$0x0] =	vst.idx.msk $0xffff, v22  }
0x15a: {  	v25 =	vor.u32 v14, v25;
	v22 =	vor.u32 v16, v31;
	v59 =	vld.idx.msk [tilespmem:v58+s17+$0x0], $0xffff;
	_ =	sdelay $0x1  }
0x15b: {  	v60 =	vmul.f32 $8.000000000e+00, v40  }
0x15c: {  	v20 =	vor.u32 v14, v20;
	v32 =	vmul.f32 $8.000000000e+00, v32  }
0x15d: {  	[tilespmem:v23+s24+$0x0] =	vst.idx.msk $0xffff, v60;
	v23 =	vmul.f32 $8.000000000e+00, v41  }
0x15e: {  	v25 =	vld.idx.msk [tilespmem:v25+s17+$0x0], $0xffff;
	[tilespmem:v22+s24+$0x0] =	vst.idx.msk $0xffff, v32;
	v22 =	vmul.f32 $8.000000000e+00, v59  }
0x15f: {  	v27 =	vand.u32 $0x3FF8, v27;
	[tilespmem:v28+s24+$0x0] =	vst.idx.msk $0xffff, v23;
	v23 =	vld.idx.msk [tilespmem:v33+s17+$0x0], $0xffff  }
0x160: {  	v18 =	vor.u32 v18, v27;
	v26 =	vld.idx.msk [tilespmem:v26+s17+$0x0], $0xffff;
	[tilespmem:v21+s24+$0x0] =	vst.idx.msk $0xffff, v22  }
0x161: {  	v16 =	vor.u32 v16, v19;
	v21 =	vand.u32 $0x3FF8, v24;
	v19 =	vld.idx.msk [tilespmem:v20+s17+$0x0], $0xffff  }
0x162: {  	v20 =	vmul.f32 $8.000000000e+00, v39;
	v17 =	vor.u32 v17, v21  }
0x163: {  	[tilespmem:v30+s24+$0x0] =	vst.idx.msk $0xffff, v36;
	v21 =	vmul.f32 $8.000000000e+00, v25  }
0x164: {  	[tilespmem:v29+s24+$0x0] =	vst.idx.msk $0xffff, v20;
	v20 =	vmul.f32 $8.000000000e+00, v23  }
0x165: {  	s1 =	sshll.u32 s30, $0xA;
	s19 =	sshll.u32 s30, $0x7;
	v22 =	vmul.f32 $8.000000000e+00, v26;
	[tilespmem:v18+s24+$0x0] =	vst.idx.msk $0xffff, v21  }
0x166: {  	s1 =	sand.u32 $0xFFF8000, s1;
	s19 =	sand.u32 $0xE00, s19;
	[tilespmem:v16+s24+$0x0] =	vst.idx.msk $0xffff, v20;
	v16 =	vmul.f32 $8.000000000e+00, v19  }
0x167: {  	s1 =	sor.u32 s19, s1;
	[tilespmem:v17+s24+$0x0] =	vst.idx.msk $0xffff, v22  }
0x168: {  	s19 =	sadd.s32 s2, s1;
	[tilespmem:v37+s24+$0x0] =	vst.idx.msk $0xffff, v16  }
0x169: {  	[hbm4b:s19+s3] =	stream.linear.scatter [tilespmem:s24], [sflag:$0x3], $0x800, $0x38;
	[tilespmem:$0x16400] =	vst v63  }
0x16a: {  	s21 =	simm.s32 $0xEC00;
	s31 =	sadd.s32 s1, s7  }
0x16b: {  	[hbm4b:s31+s3] =	stream.linear.scatter [tilespmem:s21], [sflag:$0x3], $0x800, $0x38;
	[tilespmem:$0x16400] =	vst v63  }
0x16c: {  	s21 =	sadd.s32 s1, s8;
	s31 =	simm.s32 $0xF400  }
0x16d: {  	[hbm4b:s21+s3] =	stream.linear.scatter [tilespmem:s31], [sflag:$0x3], $0x800, $0x38;
	[tilespmem:$0x16400] =	vst v63  }
0x16e: {  	s21 =	sadd.s32 s1, s9;
	s31 =	simm.s32 $0xFC00  }
0x16f: {  	[hbm4b:s21+s3] =	stream.linear.scatter [tilespmem:s31], [sflag:$0x3], $0x800, $0x38;
	[tilespmem:$0x16400] =	vst v63  }
0x170: {  	s21 =	sadd.s32 s1, s10;
	s31 =	simm.s32 $0x10400  }
0x171: {  	[hbm4b:s21+s3] =	stream.linear.scatter [tilespmem:s31], [sflag:$0x3], $0x800, $0x38;
	[tilespmem:$0x16400] =	vst v63  }
0x172: {  	s21 =	sadd.s32 s1, s11;
	s31 =	simm.s32 $0x10C00  }
0x173: {  	[hbm4b:s21+s3] =	stream.linear.scatter [tilespmem:s31], [sflag:$0x3], $0x800, $0x38;
	[tilespmem:$0x16400] =	vst v63  }
0x174: {  	s21 =	sadd.s32 s1, s12;
	s31 =	simm.s32 $0x11400  }
0x175: {  	[hbm4b:s21+s3] =	stream.linear.scatter [tilespmem:s31], [sflag:$0x3], $0x800, $0x38;
	[tilespmem:$0x16400] =	vst v63  }
0x176: {  	p1 =	seq.s32 s26, $0x31;
	s1 =	sadd.s32 s1, s13;
	s21 =	simm.s32 $0x11C00  }
0x177: {  	[hbm4b:s1+s3] =	stream.linear.scatter [tilespmem:s21], [sflag:$0x3], $0x800, $0x38;
	[tilespmem:$0x16400] =	vst v63  }
0x178: {  	s1 =	sshrl.u32 @!p1 s28, $0x2  }
0x179: {  	s30 =	simm.s32 @!p1 $0x6400;
	s21 =	simm.s32 @!p1 $0x80;
	s19 =	sadd.s32 @!p1 $0x200, s1  }
0x17a: {  	[tilespmem:s30], [sflag:$0x1] =	stream.indirect.gather @!p1 [hbm4b:s4+s21], $0x40, s19, s21, $0xb8;
	[tilespmem:$0x16400] =	vst v63  }
0x17b: {  	s1 =	sadd.s32 @!p1 $0x280, s1;
	s19 =	simm.s32 @!p1 $0x8400  }
0x17c: {  	[tilespmem:s19], [sflag:$0x1] =	stream.indirect.gather @!p1 [hbm4b:s4+s21], $0x40, s1, s21, $0xb8;
	[tilespmem:$0x16400] =	vst v63  }
0x17d: {  	_ =	swait.ge [sflag:s0], $0x4000  }
0x17e: {  	[sflag:s0] =	ssyncset.done $0x0  }
0x17f: {  	s1 =	simm.s32 @!p0 $0x4;
	[sflag:s0] =	ssyncadd.s32 $0xFFFFC000  }
0x180: {  	_ =	swait.ge @!p0 [sflag:s1], $0x800  }
0x181: {  	[sflag:s1] =	ssyncset.done @!p0 $0x0  }
0x182: {  	[sflag:s1] =	ssyncadd.s32 @!p0 $0xFFFFF800  }
0x183: {  	_ =	swait.ge @!p0 [sflag:s1], $0x800  }
0x184: {  	[sflag:s1] =	ssyncset.done @!p0 $0x0  }
0x185: {  	[sflag:s1] =	ssyncadd.s32 @!p0 $0xFFFFF800  }
0x186: {  	_ =	swait.ge @!p0 [sflag:s1], $0x800  }
0x187: {  	[sflag:s1] =	ssyncset.done @!p0 $0x0  }
0x188: {  	[sflag:s1] =	ssyncadd.s32 @!p0 $0xFFFFF800  }
0x189: {  	_ =	swait.ge @!p0 [sflag:s1], $0x800  }
0x18a: {  	[sflag:s1] =	ssyncset.done @!p0 $0x0  }
0x18b: {  	s31 =	simm.s32 $0x1;
	[sflag:s1] =	ssyncadd.s32 @!p0 $0xFFFFF800  }
0x18c: {  	v16 =	vadd.s32 s31, v0;
	_ =	swait.ge @!p0 [sflag:s1], $0x800  }
0x18d: {  	s31 =	simm.s32 $0x3;
	v61 =	vand.u32 $0x7F, v16;
	[sflag:s1] =	ssyncset.done @!p0 $0x0  }
0x18e: {  	v18 =	vadd.s32 s31, v0;
	v25 =	vand.u32 $0x7, v16;
	v30 =	vshll.u32 v61, $0x6;
	[sflag:s1] =	ssyncadd.s32 @!p0 $0xFFFFF800  }
0x18f: {  	v63 =	vand.u32 $0x7F, v18;
	v46 =	vor.u32 v7, v61;
	v47 =	vor.u32 v1, v61;
	s21 =	simm.s32 $0x2;
	_ =	swait.ge @!p0 [sflag:s1], $0x800  }
0x190: {  	v49 =	vor.u32 v5, v61;
	v28 =	vand.u32 $0x7, v18;
	v17 =	vadd.s32 s21, v0;
	[sflag:s1] =	ssyncset.done @!p0 $0x0  }
0x191: {  	v19 =	vor.u32 v0, v30;
	v29 =	vshll.u32 v63, $0x6;
	v62 =	vand.u32 $0x7F, v17;
	[sflag:s1] =	ssyncadd.s32 @!p0 $0xFFFFF800  }
0x192: {  	v23 =	vor.u32 v1, v63;
	v45 =	vor.u32 v3, v63;
	v32 =	vshll.u32 v62, $0x6;
	_ =	swait.ge @!p0 [sflag:s1], $0x800  }
0x193: {  	v31 =	vand.u32 $0xBF8, v47;
	v33 =	vor.u32 v5, v63;
	v21 =	vor.u32 v0, v32;
	[sflag:s1] =	ssyncset.done @!p0 $0x0  }
0x194: {  	v48 =	vor.u32 v2, v30;
	v43 =	vor.u32 v7, v63;
	v22 =	vor.u32 v0, v29;
	[sflag:s1] =	ssyncadd.s32 @!p0 $0xFFFFF800  }
0x195: {  	v44 =	vand.u32 $0x3BF8, v46;
	v47 =	vor.u32 v4, v30;
	v37 =	vor.u32 v6, v30;
	_ =	swait.ge @!p0 [sflag:s1], $0x800  }
0x196: {  	v23 =	vand.u32 $0xBF8, v23;
	v24 =	vand.u32 $0x1BF8, v45;
	v31 =	vor.u32 v25, v31;
	[sflag:s1] =	ssyncset.done @!p0 $0x0  }
0x197: {  	v52 =	vor.u32 v2, v29;
	v43 =	vand.u32 $0x3BF8, v43;
	v44 =	vor.u32 v25, v44;
	s19 =	simm.s32 $0x0;
	[sflag:s1] =	ssyncadd.s32 @!p0 $0xFFFFF800  }
0x198: {  	v53 =	vadd.s32 s19, v0;
	v27 =	vand.u32 $0x7, v17;
	v16 =	vor.u32 v1, v62;
	v50 =	vld.idx.msk [tilespmem:v21+s20+$0x0], $0xffff  }
0x199: {  	v54 =	vand.u32 $0x7F, v53;
	v20 =	vor.u32 v3, v62;
	v16 =	vand.u32 $0xBF8, v16;
	v18 =	vld.idx.msk [tilespmem:v22+s20+$0x0], $0xffff  }
0x19a: {  	v17 =	vor.u32 v5, v62;
	v55 =	vor.u32 v3, v54;
	v16 =	vor.u32 v27, v16;
	v19 =	vld.idx.msk [tilespmem:v19+s20+$0x0], $0xffff  }
0x19b: {  	v58 =	vor.u32 v7, v54;
	v51 =	vor.u32 v2, v32;
	v22 =	vor.u32 v28, v23  }
0x19c: {  	v59 =	vor.u32 v5, v54;
	v46 =	vor.u32 v7, v62;
	v17 =	vand.u32 $0x2BF8, v17  }
0x19d: {  	v20 =	vand.u32 $0x1BF8, v20;
	v39 =	vor.u32 v4, v32;
	[tilespmem:$0x1FDE0] =	vst v63;
	v34 =	vmul.f32 $8.000000000e+00, v50  }
0x19e: {  	v42 =	vor.u32 v27, v17;
	v17 =	vor.u32 v3, v61;
	[tilespmem:$0x1FDF0] =	vst v61;
	v18 =	vmul.f32 $8.000000000e+00, v18  }
0x19f: {  	v26 =	vand.u32 $0x3BF8, v58;
	v17 =	vand.u32 $0x1BF8, v17;
	v19 =	vmul.f32 $8.000000000e+00, v19;
	[tilespmem:v16+s18+$0x0] =	vst.idx.msk $0xffff, v34  }
0x1a0: {  	v17 =	vor.u32 v25, v17;
	v16 =	vor.u32 v27, v20;
	[tilespmem:v22+s18+$0x0] =	vst.idx.msk $0xffff, v18;
	v20 =	vld.idx.msk [tilespmem:v51+s20+$0x0], $0xffff  }
0x1a1: {  	v35 =	vand.u32 $0x2BF8, v59;
	v23 =	vor.u32 v28, v24;
	v24 =	vshll.u32 v54, $0x6;
	[tilespmem:v31+s18+$0x0] =	vst.idx.msk $0xffff, v19;
	v56 =	vld.idx.msk [tilespmem:v52+s20+$0x0], $0xffff  }
0x1a2: {  	s21 =	simm.s32 $0x5;
	v21 =	vand.u32 $0x7, v53;
	v61 =	vand.u32 $0x2BF8, v49;
	v57 =	vor.u32 v0, v24;
	v31 =	vld.idx.msk [tilespmem:v48+s20+$0x0], $0xffff;
	[tilespmem:$0x1FE00] =	vst v54  }
0x1a3: {  	v49 =	vor.u32 v6, v32;
	v63 =	vadd.s32 s21, v0;
	v45 =	vor.u32 v2, v24;
	[tilespmem:$0x1FE10] =	vst v62  }
0x1a4: {  	v38 =	vor.u32 v21, v26;
	v18 =	vor.u32 v4, v29;
	v22 =	vor.u32 v1, v54;
	[tilespmem:$0x1FE20] =	vst v30  }
0x1a5: {  	s31 =	simm.s32 $0x6;
	v19 =	vand.u32 $0xBF8, v22;
	v22 =	vand.u32 $0x1BF8, v55;
	v62 =	vor.u32 v21, v35;
	[tilespmem:$0x1FE30] =	vst v32  }
0x1a6: {  	s19 =	simm.s32 $0x7;
	[tilespmem:$0x1FE40] =	vst v21;
	v52 =	vadd.s32 s31, v0;
	v35 =	vor.u32 v25, v61;
	v60 =	vmul.f32 $8.000000000e+00, v56  }
0x1a7: {  	v54 =	vor.u32 v6, v29;
	v55 =	vadd.s32 s19, v0;
	v19 =	vor.u32 v21, v19;
	v41 =	vld.idx.msk [tilespmem:v57+s20+$0x0], $0xffff  }
0x1a8: {  	v50 =	vor.u32 v21, v22;
	v22 =	vand.u32 $0x2BF8, v33;
	v20 =	vmul.f32 $8.000000000e+00, v20;
	[tilespmem:v23+s18+$0x0] =	vst.idx.msk $0xffff, v60  }
0x1a9: {  	v30 =	vand.u32 $0x7F, v52;
	v51 =	vmul.f32 $8.000000000e+00, v31;
	v31 =	vand.u32 $0x7F, v63;
	[tilespmem:$0x1FE50] =	vst v29  }
0x1aa: {  	v33 =	vand.u32 $0x7F, v55;
	v53 =	vor.u32 v28, v22;
	v29 =	vshll.u32 v31, $0x6;
	v18 =	vld.idx.msk [tilespmem:v18+s20+$0x0], $0xffff;
	[tilespmem:v16+s18+$0x0] =	vst.idx.msk $0xffff, v20  }
0x1ab: {  	v26 =	vshll.u32 v30, $0x6;
	v57 =	vor.u32 v3, v30;
	v56 =	vor.u32 v0, v29;
	v20 =	vld.idx.msk [tilespmem:v39+s20+$0x0], $0xffff  }
0x1ac: {  	[tilespmem:v17+s18+$0x0] =	vst.idx.msk $0xffff, v51;
	v17 =	vor.u32 v0, v26;
	v16 =	vmul.f32 $8.000000000e+00, v41;
	v39 =	vshll.u32 v33, $0x6  }
0x1ad: {  	v58 =	vor.u32 v1, v33;
	v59 =	vor.u32 v3, v33;
	v51 =	vor.u32 v0, v39  }
0x1ae: {  	v48 =	vor.u32 v5, v33;
	v32 =	vor.u32 v5, v30;
	v36 =	vld.idx.msk [tilespmem:v47+s20+$0x0], $0xffff;
	[tilespmem:v19+s18+$0x0] =	vst.idx.msk $0xffff, v16  }
0x1af: {  	v58 =	vand.u32 $0xBF8, v58;
	v59 =	vand.u32 $0x1BF8, v59;
	v45 =	vld.idx.msk [tilespmem:v45+s20+$0x0], $0xffff;
	v18 =	vmul.f32 $8.000000000e+00, v18  }
0x1b0: {  	v21 =	vor.u32 v5, v31;
	v60 =	vor.u32 v4, v24;
	v56 =	vld.idx.msk [tilespmem:v56+s20+$0x0], $0xffff;
	v20 =	vmul.f32 $8.000000000e+00, v20  }
0x1b1: {  	v47 =	vor.u32 v7, v31;
	v19 =	vor.u32 v1, v31;
	[tilespmem:v53+s18+$0x0] =	vst.idx.msk $0xffff, v18;
	v53 =	vld.idx.msk [tilespmem:v17+s20+$0x0], $0xffff  }
0x1b2: {  	v41 =	vand.u32 $0x2BF8, v32;
	v16 =	vand.u32 $0x7, v63;
	v63 =	vor.u32 v1, v30;
	v51 =	vld.idx.msk [tilespmem:v51+s20+$0x0], $0xffff;
	[tilespmem:v42+s18+$0x0] =	vst.idx.msk $0xffff, v20  }
0x1b3: {  	v19 =	vand.u32 $0xBF8, v19;
	v40 =	vand.u32 $0xBF8, v63;
	v63 =	vor.u32 v2, v29;
	v34 =	vld.idx.msk [tilespmem:v54+s20+$0x0], $0xffff;
	[tilespmem:$0x1FE60] =	vst v25  }
0x1b4: {  	v61 =	vmul.f32 $8.000000000e+00, v36;
	v18 =	vand.u32 $0x7, v55;
	v36 =	vmul.f32 $8.000000000e+00, v45;
	[tilespmem:$0x1FE70] =	vst v27  }
0x1b5: {  	v19 =	vor.u32 v16, v19;
	v55 =	vor.u32 v2, v26;
	v54 =	vor.u32 v18, v58;
	[tilespmem:$0x1FE80] =	vst v28  }
0x1b6: {  	v17 =	vand.u32 $0x7, v52;
	v22 =	vor.u32 v18, v59;
	v58 =	vor.u32 v2, v39;
	[tilespmem:v50+s18+$0x0] =	vst.idx.msk $0xffff, v36  }
0x1b7: {  	v23 =	vor.u32 v17, v40;
	v41 =	vor.u32 v17, v41;
	v40 =	vor.u32 v7, v33;
	[tilespmem:$0x1FE90] =	vst v31  }
0x1b8: {  	v42 =	vand.u32 $0x3BF8, v47;
	v20 =	vmul.f32 $8.000000000e+00, v56;
	v56 =	vand.u32 $0x3BF8, v46;
	[tilespmem:$0x1FEA0] =	vst v24  }
0x1b9: {  	v25 =	vor.u32 v3, v31;
	v46 =	vor.u32 v28, v43;
	v45 =	vor.u32 v27, v56;
	v56 =	vld.idx.msk [tilespmem:v60+s20+$0x0], $0xffff  }
0x1ba: {  	s21 =	simm.s32 $0x4;
	v50 =	vor.u32 v6, v24;
	v27 =	vand.u32 $0x1BF8, v25;
	[tilespmem:v35+s18+$0x0] =	vst.idx.msk $0xffff, v61;
	v28 =	vmul.f32 $8.000000000e+00, v53  }
0x1bb: {  	v24 =	vor.u32 v4, v26;
	v52 =	vmul.f32 $8.000000000e+00, v34;
	v32 =	vld.idx.msk [tilespmem:v37+s20+$0x0], $0xffff;
	v34 =	vadd.s32 s21, v0  }
0x1bc: {  	v51 =	vmul.f32 $8.000000000e+00, v51;
	v53 =	vor.u32 v16, v27;
	[tilespmem:v23+s18+$0x0] =	vst.idx.msk $0xffff, v28;
	v37 =	vand.u32 $0x7F, v34  }
0x1bd: {  	v31 =	vand.u32 $0x1BF8, v57;
	[tilespmem:v19+s18+$0x0] =	vst.idx.msk $0xffff, v20;
	v61 =	vor.u32 v4, v39;
	v20 =	vld.idx.msk [tilespmem:v55+s20+$0x0], $0xffff;
	v43 =	vshll.u32 v37, $0x6  }
0x1be: {  	v23 =	vor.u32 v17, v31;
	[tilespmem:v54+s18+$0x0] =	vst.idx.msk $0xffff, v51;
	v27 =	vor.u32 v0, v43;
	v56 =	vmul.f32 $8.000000000e+00, v56  }
0x1bf: {  	v49 =	vld.idx.msk [tilespmem:v49+s20+$0x0], $0xffff;
	v54 =	vor.u32 v6, v29;
	v19 =	vor.u32 v1, v37;
	[tilespmem:v46+s18+$0x0] =	vst.idx.msk $0xffff, v52  }
0x1c0: {  	v25 =	vand.u32 $0x7, v34;
	v36 =	vor.u32 v3, v37;
	v51 =	vld.idx.msk [tilespmem:v58+s20+$0x0], $0xffff;
	v28 =	vmul.f32 $8.000000000e+00, v32;
	[tilespmem:v62+s18+$0x0] =	vst.idx.msk $0xffff, v56  }
0x1c1: {  	v63 =	vld.idx.msk [tilespmem:v63+s20+$0x0], $0xffff;
	v31 =	vor.u32 v5, v37;
	v52 =	vand.u32 $0x2BF8, v48;
	v55 =	vor.u32 v2, v43;
	[tilespmem:$0x1FEB0] =	vst v30  }
0x1c2: {  	v19 =	vand.u32 $0xBF8, v19;
	v47 =	vand.u32 $0x1BF8, v36;
	v35 =	vmul.f32 $8.000000000e+00, v20;
	v62 =	vld.idx.msk [tilespmem:v50+s20+$0x0], $0xffff;
	[tilespmem:v44+s18+$0x0] =	vst.idx.msk $0xffff, v28  }
0x1c3: {  	v34 =	vand.u32 $0x2BF8, v31;
	v60 =	vor.u32 v25, v19;
	v19 =	vor.u32 v7, v37;
	v20 =	vld.idx.msk [tilespmem:v27+s20+$0x0], $0xffff;
	[tilespmem:$0x1FEC0] =	vst v29  }
0x1c4: {  	v57 =	vmul.f32 $8.000000000e+00, v49;
	v49 =	vor.u32 v7, v30;
	v59 =	vor.u32 v25, v47;
	[tilespmem:v23+s18+$0x0] =	vst.idx.msk $0xffff, v35  }
0x1c5: {  	v46 =	vmovc v16;
	v32 =	vand.u32 $0x3BF8, v19;
	v19 =	vor.u32 v4, v29;
	v36 =	vmul.f32 $8.000000000e+00, v51;
	[tilespmem:$0x1FED0] =	vst v26  }
0x1c6: {  	s31 =	sadd.s32 s29, s5;
	v48 =	vmovc v18;
	v58 =	vor.u32 v25, v32;
	v56 =	vand.u32 $0x2BF8, v21;
	v51 =	vor.u32 v6, v26;
	[tilespmem:$0x1FEE0] =	vst v25  }
0x1c7: {  	s30 =	simm.s32 $0x8;
	s29 =	sadd.s32 $0x2, s31;
	v47 =	vmov v17;
	v44 =	vor.u32 v25, v34;
	v50 =	vmul.f32 $8.000000000e+00, v63;
	v63 =	vld.idx.msk [tilespmem:v24+s20+$0x0], $0xffff;
	[tilespmem:v22+s18+$0x0] =	vst.idx.msk $0xffff, v36  }
.LBB2_7:
0x1c8: {  	s1 =	sadd.s32 $0x1, s30;
	s19 =	sadd.s32 $0x2, s30;
	s21 =	sadd.s32 $0x3, s30;
	v21 =	vor.u32 v46, v56;
	v22 =	vld.idx.msk [tilespmem:v61+s20+$0x0], $0xffff;
	v23 =	vor.u32 v48, v52;
	v24 =	vor.u32 v6, v39  }
0x1c9: {  	p0 =	slt.u32 s30, $0x7C;
	v61 =	vadd.s32 s1, v0;
	v25 =	vadd.s32 s19, v0;
	v27 =	vadd.s32 s21, v0;
	[tilespmem:v53+s18+$0x0] =	vst.idx.msk $0xffff, v50;
	s1 =	smov.u32 s30;
	s30 =	sadd.s32 $0x4, s30  }
0x1ca: {  	v53 =	vand.u32 $0x7F, v61;
	v56 =	vand.u32 $0x7F, v25;
	v28 =	vand.u32 $0x7F, v27;
	v19 =	vld.idx.msk [tilespmem:v19+s20+$0x0], $0xffff;
	[tilespmem:v45+s18+$0x0] =	vst.idx.msk $0xffff, v57  }
0x1cb: {  	v45 =	vmul.f32 $8.000000000e+00, v62;
	v52 =	vshll.u32 v53, $0x6;
	v50 =	vshll.u32 v56, $0x6  }
0x1cc: {  	v62 =	vor.u32 v3, v56;
	v39 =	vshll.u32 v28, $0x6;
	v57 =	vor.u32 v0, v52  }
0x1cd: {  	v20 =	vmul.f32 $8.000000000e+00, v20;
	v34 =	vor.u32 v0, v50;
	v26 =	vor.u32 v0, v39;
	[tilespmem:v38+s18+$0x0] =	vst.idx.msk $0xffff, v45  }
0x1ce: {  	v29 =	vor.u32 v7, v53;
	v35 =	vor.u32 v3, v28;
	v45 =	vor.u32 v1, v28;
	v38 =	vmovc v58  }
0x1cf: {  	v35 =	vand.u32 $0x1BF8, v35;
	v45 =	vand.u32 $0xBF8, v45;
	[tilespmem:v60+s18+$0x0] =	vst.idx.msk $0xffff, v20;
	v20 =	vmul.f32 $8.000000000e+00, v22  }
0x1d0: {  	v58 =	vand.u32 $0x7, v61;
	v22 =	vor.u32 v1, v53;
	v60 =	vor.u32 v1, v56;
	v55 =	vld.idx.msk [tilespmem:v55+s20+$0x0], $0xffff  }
0x1d1: {  	v30 =	vor.u32 v5, v28;
	v22 =	vand.u32 $0xBF8, v22;
	v60 =	vand.u32 $0xBF8, v60;
	[tilespmem:v23+s18+$0x0] =	vst.idx.msk $0xffff, v20  }
0x1d2: {  	v22 =	vor.u32 v58, v22;
	v23 =	vor.u32 v4, v43;
	v20 =	vld.idx.msk [tilespmem:v57+s20+$0x0], $0xffff;
	v57 =	vmul.f32 $8.000000000e+00, v63  }
0x1d3: {  	v61 =	vor.u32 v2, v52;
	v19 =	vmul.f32 $8.000000000e+00, v19;
	v63 =	vor.u32 v5, v53;
	v34 =	vld.idx.msk [tilespmem:v34+s20+$0x0], $0xffff  }
0x1d4: {  	v25 =	vand.u32 $0x7, v25;
	v27 =	vand.u32 $0x7, v27;
	v31 =	vor.u32 v5, v56;
	[tilespmem:v41+s18+$0x0] =	vst.idx.msk $0xffff, v57;
	v24 =	vld.idx.msk [tilespmem:v24+s20+$0x0], $0xffff  }
0x1d5: {  	v31 =	vand.u32 $0x2BF8, v31;
	v35 =	vor.u32 v27, v35;
	v57 =	vor.u32 v27, v45;
	v26 =	vld.idx.msk [tilespmem:v26+s20+$0x0], $0xffff  }
0x1d6: {  	v32 =	vor.u32 v2, v50;
	v36 =	vor.u32 v2, v39;
	v45 =	vmul.f32 $8.000000000e+00, v55;
	[tilespmem:v21+s18+$0x0] =	vst.idx.msk $0xffff, v19  }
0x1d7: {  	v41 =	vor.u32 v25, v31;
	v19 =	vor.u32 v25, v60;
	v21 =	vor.u32 v7, v28;
	v28 =	vld.idx.msk [tilespmem:v54+s20+$0x0], $0xffff  }
0x1d8: {  	v31 =	vand.u32 $0x3BF8, v49;
	v49 =	vand.u32 $0x3BF8, v40;
	v20 =	vmul.f32 $8.000000000e+00, v20;
	v40 =	vmovc v21;
	[tilespmem:v59+s18+$0x0] =	vst.idx.msk $0xffff, v45  }
0x1d9: {  	v21 =	vor.u32 v46, v42;
	v45 =	vor.u32 v47, v31;
	v31 =	vor.u32 v48, v49;
	v51 =	vld.idx.msk [tilespmem:v51+s20+$0x0], $0xffff  }
0x1da: {  	v42 =	vor.u32 v3, v53;
	v54 =	vor.u32 v6, v43;
	v46 =	vmovc v58;
	v24 =	vmul.f32 $8.000000000e+00, v24;
	v23 =	vld.idx.msk [tilespmem:v23+s20+$0x0], $0xffff  }
0x1db: {  	v42 =	vand.u32 $0x1BF8, v42;
	v34 =	vmul.f32 $8.000000000e+00, v34;
	v47 =	vmovc v25;
	v48 =	vmovc v27;
	v26 =	vmul.f32 $8.000000000e+00, v26  }
0x1dc: {  	v53 =	vor.u32 v46, v42;
	[tilespmem:v22+s18+$0x0] =	vst.idx.msk $0xffff, v20;
	v20 =	vand.u32 $0x1BF8, v62;
	v22 =	vor.u32 v4, v50  }
0x1dd: {  	v25 =	vadd.s32 s1, v0;
	v42 =	vand.u32 $0x3BF8, v29;
	v27 =	vld.idx.msk [tilespmem:v61+s20+$0x0], $0xffff;
	[tilespmem:v19+s18+$0x0] =	vst.idx.msk $0xffff, v34;
	v29 =	vor.u32 v47, v20  }
0x1de: {  	v19 =	vand.u32 $0x7F, v25;
	v25 =	vand.u32 $0x7, v25;
	v61 =	vor.u32 v4, v39;
	v20 =	vld.idx.msk [tilespmem:v32+s20+$0x0], $0xffff;
	[tilespmem:v57+s18+$0x0] =	vst.idx.msk $0xffff, v26  }
0x1df: {  	v43 =	vshll.u32 v19, $0x6;
	v26 =	vor.u32 v1, v19;
	v32 =	vor.u32 v3, v19;
	v34 =	vld.idx.msk [tilespmem:v36+s20+$0x0], $0xffff  }
0x1e0: {  	v36 =	vor.u32 v0, v43;
	v55 =	vor.u32 v2, v43;
	v23 =	vmul.f32 $8.000000000e+00, v23  }
0x1e1: {  	v57 =	vmul.f32 $8.000000000e+00, v51;
	v26 =	vand.u32 $0xBF8, v26;
	v32 =	vand.u32 $0x1BF8, v32;
	[tilespmem:v31+s18+$0x0] =	vst.idx.msk $0xffff, v24  }
0x1e2: {  	v60 =	vor.u32 v25, v26;
	v24 =	vor.u32 v7, v19;
	[tilespmem:v44+s18+$0x0] =	vst.idx.msk $0xffff, v23;
	v23 =	vmul.f32 $8.000000000e+00, v28  }
.Ltmp4:
0x1e3: {  	v49 =	vor.u32 v7, v56;
	v19 =	vor.u32 v5, v19;
	v24 =	vand.u32 $0x3BF8, v24;
	v62 =	vld.idx.msk [tilespmem:v54+s20+$0x0], $0xffff;
	(pc) =	sbr.rel @p0 .LBB2_7-.Ltmp4, $4  }
0x1e4: {  	v26 =	vand.u32 $0x2BF8, v19;
	v19 =	vor.u32 v4, v52;
	v28 =	vmul.f32 $8.000000000e+00, v20;
	[tilespmem:v21+s18+$0x0] =	vst.idx.msk $0xffff, v23  }
0x1e5: {  	v44 =	vor.u32 v25, v26;
	v58 =	vor.u32 v25, v24;
	v21 =	vmul.f32 $8.000000000e+00, v34;
	v20 =	vld.idx.msk [tilespmem:v36+s20+$0x0], $0xffff  }
0x1e6: {  	v56 =	vand.u32 $0x2BF8, v63;
	v51 =	vor.u32 v6, v50;
	v54 =	vor.u32 v6, v52;
	[tilespmem:v29+s18+$0x0] =	vst.idx.msk $0xffff, v28  }
0x1e7: {  	v59 =	vor.u32 v25, v32;
	v50 =	vmul.f32 $8.000000000e+00, v27;
	v52 =	vand.u32 $0x2BF8, v30;
	v63 =	vld.idx.msk [tilespmem:v22+s20+$0x0], $0xffff;
	[tilespmem:v35+s18+$0x0] =	vst.idx.msk $0xffff, v21  }
0x1e8: {  	_ =	sdelay $0x1  }
0x1e9: {  	v20 =	vmul.f32 $8.000000000e+00, v20;
	_ =	sdelay $0x1  }
0x1ea: {  	[tilespmem:v60+s18+$0x0] =	vst.idx.msk $0xffff, v20  }
0x1eb: {  	v20 =	vld.idx.msk [tilespmem:v55+s20+$0x0], $0xffff;
	_ =	sdelay $0x2  }
0x1ec: {  	v21 =	vor.u32 v4, v43;
	v22 =	vld.idx.msk [tilespmem:v61+s20+$0x0], $0xffff;
	[tilespmem:v53+s18+$0x0] =	vst.idx.msk $0xffff, v50  }
0x1ed: {  	v19 =	vld.idx.msk [tilespmem:v19+s20+$0x0], $0xffff  }
0x1ee: {  	v23 =	vor.u32 v48, v52;
	v20 =	vmul.f32 $8.000000000e+00, v20  }
0x1ef: {  	v24 =	vor.u32 v46, v56;
	v25 =	vor.u32 v6, v39  }
0x1f0: {  	[tilespmem:v59+s18+$0x0] =	vst.idx.msk $0xffff, v20  }
0x1f1: {  	v20 =	vld.idx.msk [tilespmem:v21+s20+$0x0], $0xffff;
	v21 =	vmul.f32 $8.000000000e+00, v22  }
0x1f2: {  	v19 =	vmul.f32 $8.000000000e+00, v19  }
0x1f3: {  	[tilespmem:v23+s18+$0x0] =	vst.idx.msk $0xffff, v21;
	v21 =	vmul.f32 $8.000000000e+00, v63  }
0x1f4: {  	[tilespmem:v24+s18+$0x0] =	vst.idx.msk $0xffff, v19;
	v23 =	vld.idx.msk [tilespmem:v25+s20+$0x0], $0xffff  }
0x1f5: {  	v19 =	vld.idx.msk [tilespmem:v54+s20+$0x0], $0xffff;
	[tilespmem:v41+s18+$0x0] =	vst.idx.msk $0xffff, v21;
	v21 =	vand.u32 $0x3BF8, v40  }
0x1f6: {  	v22 =	vor.u32 v6, v43;
	v20 =	vmul.f32 $8.000000000e+00, v20;
	v21 =	vor.u32 v48, v21  }
0x1f7: {  	v26 =	vor.u32 v46, v42;
	v24 =	vld.idx.msk [tilespmem:v51+s20+$0x0], $0xffff  }
0x1f8: {  	v25 =	vand.u32 $0x3BF8, v49;
	[tilespmem:v44+s18+$0x0] =	vst.idx.msk $0xffff, v20;
	v20 =	vmul.f32 $8.000000000e+00, v62  }
0x1f9: {  	[tilespmem:v45+s18+$0x0] =	vst.idx.msk $0xffff, v57;
	v25 =	vor.u32 v47, v25;
	v23 =	vmul.f32 $8.000000000e+00, v23  }
0x1fa: {  	v19 =	vmul.f32 $8.000000000e+00, v19;
	[tilespmem:v38+s18+$0x0] =	vst.idx.msk $0xffff, v20  }
0x1fb: {  	v22 =	vld.idx.msk [tilespmem:v22+s20+$0x0], $0xffff;
	[tilespmem:v21+s18+$0x0] =	vst.idx.msk $0xffff, v23  }
0x1fc: {  	v20 =	vmul.f32 $8.000000000e+00, v24;
	v44 =	vld [tilespmem:$0x1FE50];
	[tilespmem:v26+s18+$0x0] =	vst.idx.msk $0xffff, v19  }
0x1fd: {  	v43 =	vld [tilespmem:$0x1FE30]  }
0x1fe: {  	[tilespmem:v25+s18+$0x0] =	vst.idx.msk $0xffff, v20  }
0x1ff: {  	v42 =	vld [tilespmem:$0x1FE20]  }
0x200: {  	v20 =	vmul.f32 $8.000000000e+00, v22;
	v60 =	vld [tilespmem:$0x1FE10]  }
0x201: {  	v36 =	vld [tilespmem:$0x1FDE0];
	v21 =	vor.u32 v8, v44  }
0x202: {  	v35 =	vld [tilespmem:$0x1FDF0];
	[tilespmem:v58+s18+$0x0] =	vst.idx.msk $0xffff, v20;
	v19 =	vor.u32 v8, v43  }
0x203: {  	v53 =	vld [tilespmem:$0x1FE80]  }
0x204: {  	v52 =	vld [tilespmem:$0x1FE70]  }
0x205: {  	v22 =	vor.u32 v8, v42  }
0x206: {  	v25 =	vor.u32 v9, v36;
	v21 =	vld.idx.msk [tilespmem:v21+s20+$0x0], $0xffff  }
0x207: {  	v27 =	vor.u32 v9, v60;
	v25 =	vand.u32 $0xFF8, v25;
	v19 =	vld.idx.msk [tilespmem:v19+s20+$0x0], $0xffff  }
0x208: {  	v51 =	vld [tilespmem:$0x1FE60];
	v27 =	vand.u32 $0xFF8, v27;
	v25 =	vor.u32 v53, v25  }
0x209: {  	v32 =	vor.u32 v10, v44;
	v27 =	vor.u32 v52, v27  }
0x20a: {  	v59 =	vor.u32 v9, v33;
	v34 =	vor.u32 v10, v43;
	v22 =	vld.idx.msk [tilespmem:v22+s20+$0x0], $0xffff  }
0x20b: {  	v47 =	vor.u32 v13, v33;
	v26 =	vor.u32 v9, v35;
	v21 =	vmul.f32 $8.000000000e+00, v21  }
0x20c: {  	v23 =	vor.u32 v11, v60;
	v26 =	vand.u32 $0xFF8, v26;
	v19 =	vmul.f32 $8.000000000e+00, v19  }
0x20d: {  	v24 =	vor.u32 v15, v35;
	v23 =	vand.u32 $0x1FF8, v23;
	v26 =	vor.u32 v51, v26;
	[tilespmem:v25+s18+$0x0] =	vst.idx.msk $0xffff, v21  }
0x20e: {  	v29 =	vor.u32 v10, v42;
	[tilespmem:v27+s18+$0x0] =	vst.idx.msk $0xffff, v19;
	v19 =	vor.u32 v52, v23;
	v23 =	vld.idx.msk [tilespmem:v32+s20+$0x0], $0xffff  }
0x20f: {  	v20 =	vor.u32 v11, v36;
	v21 =	vmul.f32 $8.000000000e+00, v22;
	v22 =	vand.u32 $0x3FF8, v24;
	v24 =	vld.idx.msk [tilespmem:v34+s20+$0x0], $0xffff  }
0x210: {  	v61 =	vor.u32 v12, v43;
	v43 =	vor.u32 v14, v43;
	v20 =	vand.u32 $0x1FF8, v20;
	v56 =	vld [tilespmem:$0x1FEA0]  }
0x211: {  	v28 =	vor.u32 v13, v36;
	v30 =	vor.u32 v13, v35;
	v20 =	vor.u32 v53, v20  }
0x212: {  	v31 =	vor.u32 v13, v60;
	v35 =	vor.u32 v11, v35;
	v62 =	vld [tilespmem:$0x1FE00];
	[tilespmem:v26+s18+$0x0] =	vst.idx.msk $0xffff, v21  }
0x213: {  	v36 =	vor.u32 v15, v36;
	v40 =	vor.u32 v15, v60;
	v49 =	vor.u32 v12, v42;
	v48 =	vld.idx.msk [tilespmem:v29+s20+$0x0], $0xffff  }
0x214: {  	v42 =	vor.u32 v14, v42;
	v35 =	vand.u32 $0x1FF8, v35;
	v23 =	vmul.f32 $8.000000000e+00, v23  }
0x215: {  	v35 =	vor.u32 v51, v35;
	v63 =	vor.u32 v8, v56;
	v24 =	vmul.f32 $8.000000000e+00, v24  }
0x216: {  	v60 =	vor.u32 v11, v33;
	v31 =	vand.u32 $0x2FF8, v31;
	v30 =	vand.u32 $0x2FF8, v30;
	v45 =	vld [tilespmem:$0x1FE40];
	[tilespmem:v20+s18+$0x0] =	vst.idx.msk $0xffff, v23  }
0x217: {  	v46 =	vand.u32 $0x1FF8, v60;
	v31 =	vor.u32 v52, v31;
	v25 =	vor.u32 v12, v44;
	[tilespmem:v19+s18+$0x0] =	vst.idx.msk $0xffff, v24  }
0x218: {  	v22 =	vor.u32 v51, v22;
	v27 =	vor.u32 v9, v62;
	v20 =	vmul.f32 $8.000000000e+00, v48;
	v55 =	vld [tilespmem:$0x1FEC0]  }
0x219: {  	v21 =	vor.u32 v11, v62;
	v26 =	vor.u32 v10, v56;
	v29 =	vor.u32 v15, v62;
	v57 =	vld [tilespmem:$0x1FEB0]  }
0x21a: {  	v39 =	vor.u32 v13, v62;
	v62 =	vor.u32 v12, v56;
	[tilespmem:v35+s18+$0x0] =	vst.idx.msk $0xffff, v20;
	v32 =	vld.idx.msk [tilespmem:v63+s20+$0x0], $0xffff  }
0x21b: {  	v27 =	vand.u32 $0xFF8, v27;
	v21 =	vand.u32 $0x1FF8, v21;
	v39 =	vand.u32 $0x2FF8, v39;
	v54 =	vld [tilespmem:$0x1FED0]  }
0x21c: {  	v29 =	vand.u32 $0x3FF8, v29;
	v27 =	vor.u32 v45, v27;
	v39 =	vor.u32 v45, v39;
	v23 =	vld.idx.msk [tilespmem:v25+s20+$0x0], $0xffff  }
0x21d: {  	v29 =	vor.u32 v45, v29;
	v19 =	vor.u32 v45, v21;
	v21 =	vand.u32 $0x2FF8, v28;
	v58 =	vld [tilespmem:$0x1FE90]  }
0x21e: {  	v24 =	vor.u32 v51, v30;
	v28 =	vor.u32 v14, v44;
	v21 =	vor.u32 v53, v21;
	v41 =	vld.idx.msk [tilespmem:v49+s20+$0x0], $0xffff  }
0x21f: {  	v25 =	vshll.u32 v33, $0x6;
	v50 =	vor.u32 v8, v55;
	v32 =	vmul.f32 $8.000000000e+00, v32  }
0x220: {  	v45 =	vand.u32 $0xFF8, v59;
	v30 =	vld.idx.msk [tilespmem:v61+s20+$0x0], $0xffff;
	v35 =	vor.u32 v8, v25;
	v20 =	vor.u32 v8, v54  }
0x221: {  	v60 =	vor.u32 v10, v25;
	v23 =	vmul.f32 $8.000000000e+00, v23;
	v38 =	vor.u32 v11, v57;
	[tilespmem:v27+s18+$0x0] =	vst.idx.msk $0xffff, v32  }
0x222: {  	v61 =	vor.u32 v9, v57;
	v48 =	vor.u32 v10, v55;
	v44 =	vor.u32 v15, v58;
	v26 =	vld.idx.msk [tilespmem:v26+s20+$0x0], $0xffff  }
0x223: {  	[tilespmem:v21+s18+$0x0] =	vst.idx.msk $0xffff, v23;
	v49 =	vor.u32 v13, v58;
	v63 =	vmul.f32 $8.000000000e+00, v41;
	v41 =	vor.u32 v18, v45  }
0x224: {  	v45 =	vor.u32 v18, v46;
	v59 =	vor.u32 v10, v54;
	v27 =	vor.u32 v9, v58;
	v21 =	vld.idx.msk [tilespmem:v50+s20+$0x0], $0xffff  }
0x225: {  	[tilespmem:v24+s18+$0x0] =	vst.idx.msk $0xffff, v63;
	v63 =	vor.u32 v14, v56;
	v27 =	vand.u32 $0xFF8, v27;
	v20 =	vld.idx.msk [tilespmem:v20+s20+$0x0], $0xffff  }
0x226: {  	v35 =	vld.idx.msk [tilespmem:v35+s20+$0x0], $0xffff;
	v23 =	vor.u32 v16, v27;
	v27 =	vmul.f32 $8.000000000e+00, v30;
	v30 =	vand.u32 $0xFF8, v61  }
0x227: {  	v50 =	vor.u32 v13, v57;
	v61 =	vld.idx.msk [tilespmem:v42+s20+$0x0], $0xffff;
	v24 =	vor.u32 v17, v30;
	v26 =	vmul.f32 $8.000000000e+00, v26  }
0x228: {  	v42 =	vor.u32 v12, v55;
	[tilespmem:v31+s18+$0x0] =	vst.idx.msk $0xffff, v27;
	v31 =	vld.idx.msk [tilespmem:v28+s20+$0x0], $0xffff;
	v27 =	vand.u32 $0x2FF8, v50  }
0x229: {  	v28 =	vor.u32 v17, v27;
	v21 =	vmul.f32 $8.000000000e+00, v21;
	[tilespmem:v19+s18+$0x0] =	vst.idx.msk $0xffff, v26;
	v26 =	vand.u32 $0x3FF8, v36  }
0x22a: {  	v27 =	vor.u32 v15, v33;
	v43 =	vld.idx.msk [tilespmem:v43+s20+$0x0], $0xffff;
	v20 =	vmul.f32 $8.000000000e+00, v20;
	v26 =	vor.u32 v53, v26  }
0x22b: {  	v33 =	vor.u32 v14, v55;
	v19 =	vand.u32 $0x3FF8, v40;
	[tilespmem:v23+s18+$0x0] =	vst.idx.msk $0xffff, v21;
	v21 =	vand.u32 $0x1FF8, v38;
	v62 =	vld.idx.msk [tilespmem:v62+s20+$0x0], $0xffff  }
0x22c: {  	v23 =	vor.u32 v12, v54;
	v30 =	vor.u32 v52, v19;
	v52 =	vmul.f32 $8.000000000e+00, v35;
	[tilespmem:v24+s18+$0x0] =	vst.idx.msk $0xffff, v20  }
0x22d: {  	v40 =	vor.u32 v12, v25;
	v31 =	vmul.f32 $8.000000000e+00, v31;
	v35 =	vor.u32 v17, v21;
	v21 =	vld.idx.msk [tilespmem:v59+s20+$0x0], $0xffff  }
0x22e: {  	v19 =	vor.u32 v11, v58;
	v24 =	vor.u32 v9, v37;
	v48 =	vld.idx.msk [tilespmem:v48+s20+$0x0], $0xffff;
	[tilespmem:v41+s18+$0x0] =	vst.idx.msk $0xffff, v52  }
0x22f: {  	v20 =	vshll.u32 v37, $0x6;
	v53 =	vor.u32 v11, v37;
	v19 =	vand.u32 $0x1FF8, v19;
	v41 =	vld.idx.msk [tilespmem:v60+s20+$0x0], $0xffff;
	[tilespmem:v26+s18+$0x0] =	vst.idx.msk $0xffff, v31  }
0x230: {  	v56 =	vor.u32 v8, v20;
	v34 =	vor.u32 v10, v20;
	v58 =	vmul.f32 $8.000000000e+00, v62;
	v60 =	vld [tilespmem:$0x1FEE0]  }
0x231: {  	v24 =	vand.u32 $0xFF8, v24;
	v59 =	vand.u32 $0x1FF8, v53;
	v26 =	vmul.f32 $8.000000000e+00, v61  }
0x232: {  	v36 =	vmul.f32 $8.000000000e+00, v43;
	v31 =	vor.u32 v13, v37;
	v62 =	vmul.f32 $8.000000000e+00, v21;
	[tilespmem:v39+s18+$0x0] =	vst.idx.msk $0xffff, v58  }
0x233: {  	v32 =	vor.u32 v16, v19;
	v19 =	vand.u32 $0x3FF8, v44;
	v31 =	vand.u32 $0x2FF8, v31;
	[tilespmem:v22+s18+$0x0] =	vst.idx.msk $0xffff, v26  }
0x234: {  	v26 =	vor.u32 v14, v54;
	v22 =	vmul.f32 $8.000000000e+00, v48;
	v39 =	vld.idx.msk [tilespmem:v63+s20+$0x0], $0xffff;
	v63 =	vmul.f32 $8.000000000e+00, v41;
	[tilespmem:v35+s18+$0x0] =	vst.idx.msk $0xffff, v62  }
0x235: {  	v41 =	vld.idx.msk [tilespmem:v23+s20+$0x0], $0xffff;
	v23 =	vand.u32 $0x2FF8, v47;
	v38 =	vor.u32 v60, v24;
	v24 =	vor.u32 v15, v37  }
0x236: {  	[tilespmem:v45+s18+$0x0] =	vst.idx.msk $0xffff, v63;
	v21 =	vor.u32 v60, v31;
	v31 =	vand.u32 $0x2FF8, v49;
	v61 =	vand.u32 $0x3FF8, v24  }
0x237: {  	s30 =	simm.s32 $0x8;
	v43 =	vld.idx.msk [tilespmem:v56+s20+$0x0], $0xffff;
	v35 =	vor.u32 v60, v59;
	v24 =	vor.u32 v15, v57;
	v37 =	vor.u32 v60, v61  }
.LBB2_9:
0x238: {  	s1 =	sadd.s32 $0x1, s30;
	s19 =	sadd.s32 $0x2, s30;
	s21 =	sadd.s32 $0x3, s30;
	v44 =	vor.u32 v16, v31;
	v40 =	vld.idx.msk [tilespmem:v40+s20+$0x0], $0xffff;
	v45 =	vor.u32 v18, v23;
	v46 =	vor.u32 v14, v25  }
0x239: {  	p0 =	slt.u32 s30, $0x7C;
	v47 =	vadd.s32 s1, v0;
	v48 =	vadd.s32 s19, v0;
	v49 =	vadd.s32 s21, v0;
	[tilespmem:v32+s18+$0x0] =	vst.idx.msk $0xffff, v22;
	s1 =	smov.u32 s30;
	s30 =	sadd.s32 $0x4, s30  }
0x23a: {  	v32 =	vand.u32 $0x7F, v47;
	v31 =	vand.u32 $0x7F, v48;
	v50 =	vand.u32 $0x7F, v49;
	v42 =	vld.idx.msk [tilespmem:v42+s20+$0x0], $0xffff;
	[tilespmem:v30+s18+$0x0] =	vst.idx.msk $0xffff, v36  }
0x23b: {  	v30 =	vmul.f32 $8.000000000e+00, v39;
	v23 =	vshll.u32 v32, $0x6;
	v22 =	vshll.u32 v31, $0x6  }
0x23c: {  	v39 =	vor.u32 v11, v31;
	v25 =	vshll.u32 v50, $0x6;
	v36 =	vor.u32 v8, v23  }
0x23d: {  	v43 =	vmul.f32 $8.000000000e+00, v43;
	v51 =	vor.u32 v8, v22;
	v52 =	vor.u32 v8, v25;
	[tilespmem:v29+s18+$0x0] =	vst.idx.msk $0xffff, v30  }
0x23e: {  	v53 =	vor.u32 v15, v32;
	v54 =	vor.u32 v11, v50;
	v30 =	vor.u32 v9, v50;
	v29 =	vmovc v37  }
0x23f: {  	v37 =	vand.u32 $0x1FF8, v54;
	v30 =	vand.u32 $0xFF8, v30;
	[tilespmem:v38+s18+$0x0] =	vst.idx.msk $0xffff, v43;
	v38 =	vmul.f32 $8.000000000e+00, v40  }
0x240: {  	v40 =	vor.u32 v9, v32;
	v43 =	vand.u32 $0x7, v47;
	v47 =	vor.u32 v9, v31;
	v34 =	vld.idx.msk [tilespmem:v34+s20+$0x0], $0xffff  }
0x241: {  	v54 =	vor.u32 v13, v50;
	v40 =	vand.u32 $0xFF8, v40;
	v47 =	vand.u32 $0xFF8, v47;
	[tilespmem:v45+s18+$0x0] =	vst.idx.msk $0xffff, v38  }
0x242: {  	v41 =	vmul.f32 $8.000000000e+00, v41;
	v38 =	vor.u32 v43, v40;
	v40 =	vor.u32 v12, v20;
	v36 =	vld.idx.msk [tilespmem:v36+s20+$0x0], $0xffff  }
0x243: {  	v55 =	vor.u32 v13, v32;
	v42 =	vmul.f32 $8.000000000e+00, v42;
	v45 =	vor.u32 v10, v23;
	v51 =	vld.idx.msk [tilespmem:v51+s20+$0x0], $0xffff  }
0x244: {  	v48 =	vand.u32 $0x7, v48;
	v49 =	vand.u32 $0x7, v49;
	v56 =	vor.u32 v13, v31;
	[tilespmem:v28+s18+$0x0] =	vst.idx.msk $0xffff, v41;
	v41 =	vld.idx.msk [tilespmem:v46+s20+$0x0], $0xffff  }
0x245: {  	v28 =	vand.u32 $0x2FF8, v56;
	v56 =	vor.u32 v49, v37;
	v46 =	vld.idx.msk [tilespmem:v52+s20+$0x0], $0xffff;
	v52 =	vor.u32 v49, v30  }
0x246: {  	v57 =	vor.u32 v10, v25;
	v37 =	vor.u32 v10, v22;
	v30 =	vmul.f32 $8.000000000e+00, v34;
	[tilespmem:v44+s18+$0x0] =	vst.idx.msk $0xffff, v42  }
0x247: {  	v34 =	vor.u32 v48, v47;
	v28 =	vor.u32 v48, v28;
	v42 =	vor.u32 v15, v50;
	v33 =	vld.idx.msk [tilespmem:v33+s20+$0x0], $0xffff  }
0x248: {  	v24 =	vand.u32 $0x3FF8, v24;
	v36 =	vmul.f32 $8.000000000e+00, v36;
	[tilespmem:v35+s18+$0x0] =	vst.idx.msk $0xffff, v30;
	v35 =	vand.u32 $0x3FF8, v27;
	v27 =	vmovc v42  }
0x249: {  	v44 =	vor.u32 v16, v19;
	v30 =	vor.u32 v17, v24;
	v26 =	vld.idx.msk [tilespmem:v26+s20+$0x0], $0xffff;
	v24 =	vor.u32 v18, v35  }
0x24a: {  	v32 =	vor.u32 v11, v32;
	v16 =	vmovc v43;
	v42 =	vor.u32 v14, v20;
	v41 =	vmul.f32 $8.000000000e+00, v41;
	v35 =	vld.idx.msk [tilespmem:v40+s20+$0x0], $0xffff  }
0x24b: {  	v19 =	vand.u32 $0x1FF8, v32;
	v20 =	vmul.f32 $8.000000000e+00, v51;
	v17 =	vmovc v48;
	v18 =	vmovc v49;
	v40 =	vmul.f32 $8.000000000e+00, v46  }
0x24c: {  	v32 =	vor.u32 v16, v19;
	v46 =	vor.u32 v12, v22;
	[tilespmem:v38+s18+$0x0] =	vst.idx.msk $0xffff, v36;
	v36 =	vand.u32 $0x1FF8, v39  }
0x24d: {  	v19 =	vand.u32 $0x3FF8, v53;
	v38 =	vadd.s32 s1, v0;
	v45 =	vld.idx.msk [tilespmem:v45+s20+$0x0], $0xffff;
	[tilespmem:v34+s18+$0x0] =	vst.idx.msk $0xffff, v20;
	v47 =	vor.u32 v17, v36  }
0x24e: {  	v39 =	vand.u32 $0x7F, v38;
	v48 =	vand.u32 $0x7, v38;
	v37 =	vld.idx.msk [tilespmem:v37+s20+$0x0], $0xffff;
	[tilespmem:v52+s18+$0x0] =	vst.idx.msk $0xffff, v40;
	v40 =	vor.u32 v12, v25  }
0x24f: {  	v20 =	vshll.u32 v39, $0x6;
	v36 =	vor.u32 v9, v39;
	v38 =	vor.u32 v11, v39;
	v49 =	vld.idx.msk [tilespmem:v57+s20+$0x0], $0xffff  }
0x250: {  	v43 =	vor.u32 v8, v20;
	v34 =	vor.u32 v10, v20;
	v35 =	vmul.f32 $8.000000000e+00, v35  }
0x251: {  	v50 =	vand.u32 $0xFF8, v36;
	v51 =	vand.u32 $0x1FF8, v38;
	v36 =	vmul.f32 $8.000000000e+00, v26;
	[tilespmem:v24+s18+$0x0] =	vst.idx.msk $0xffff, v41  }
0x252: {  	v38 =	vor.u32 v48, v50;
	v24 =	vor.u32 v15, v39;
	[tilespmem:v21+s18+$0x0] =	vst.idx.msk $0xffff, v35;
	v21 =	vmul.f32 $8.000000000e+00, v33  }
.Ltmp5:
0x253: {  	v26 =	vor.u32 v13, v39;
	v33 =	vand.u32 $0x3FF8, v24;
	v24 =	vor.u32 v15, v31;
	v39 =	vld.idx.msk [tilespmem:v42+s20+$0x0], $0xffff;
	(pc) =	sbr.rel @p0 .LBB2_9-.Ltmp5, $4  }
0x254: {  	v26 =	vand.u32 $0x2FF8, v26;
	v42 =	vor.u32 v12, v23;
	v35 =	vmul.f32 $8.000000000e+00, v37;
	[tilespmem:v44+s18+$0x0] =	vst.idx.msk $0xffff, v21  }
0x255: {  	v37 =	vor.u32 v48, v33;
	v21 =	vor.u32 v48, v26;
	v44 =	vmul.f32 $8.000000000e+00, v49;
	v43 =	vld.idx.msk [tilespmem:v43+s20+$0x0], $0xffff  }
0x256: {  	v31 =	vand.u32 $0x2FF8, v55;
	v33 =	vor.u32 v14, v23;
	v26 =	vor.u32 v14, v22;
	[tilespmem:v47+s18+$0x0] =	vst.idx.msk $0xffff, v35  }
0x257: {  	v23 =	vand.u32 $0x2FF8, v54;
	v22 =	vmul.f32 $8.000000000e+00, v45;
	v35 =	vor.u32 v48, v51;
	v41 =	vld.idx.msk [tilespmem:v46+s20+$0x0], $0xffff;
	[tilespmem:v56+s18+$0x0] =	vst.idx.msk $0xffff, v44  }
0x258: {  	_ =	sdelay $0x1  }
0x259: {  	v43 =	vmul.f32 $8.000000000e+00, v43;
	_ =	sdelay $0x1  }
0x25a: {  	[tilespmem:v38+s18+$0x0] =	vst.idx.msk $0xffff, v43  }
0x25b: {  	v34 =	vld.idx.msk [tilespmem:v34+s20+$0x0], $0xffff;
	_ =	sdelay $0x2  }
0x25c: {  	v48 =	vor.u32 v12, v20;
	_ =	sdelay $0x1  }
0x25d: {  	[tilespmem:v32+s18+$0x0] =	vst.idx.msk $0xffff, v22;
	v49 =	vmul.f32 $8.000000000e+00, v34  }
0x25e: {  	v32 =	vld.idx.msk [tilespmem:v42+s20+$0x0], $0xffff  }
0x25f: {  	v40 =	vld.idx.msk [tilespmem:v40+s20+$0x0], $0xffff;
	[tilespmem:v35+s18+$0x0] =	vst.idx.msk $0xffff, v49  }
0x260: {  	v50 =	vor.u32 v16, v31;
	v51 =	vld.idx.msk [tilespmem:v48+s20+$0x0], $0xffff  }
0x261: {  	v23 =	vor.u32 v18, v23  }
0x262: {  	v25 =	vor.u32 v14, v25;
	v54 =	vmul.f32 $8.000000000e+00, v41  }
0x263: {  	v53 =	vor.u32 v14, v20;
	v32 =	vmul.f32 $8.000000000e+00, v32  }
0x264: {  	v52 =	vmul.f32 $8.000000000e+00, v40;
	[tilespmem:v28+s18+$0x0] =	vst.idx.msk $0xffff, v54  }
0x265: {  	v26 =	vld.idx.msk [tilespmem:v26+s20+$0x0], $0xffff;
	[tilespmem:v50+s18+$0x0] =	vst.idx.msk $0xffff, v32;
	v55 =	vmul.f32 $8.000000000e+00, v51  }
0x266: {  	v58 =	vand.u32 $0x3FF8, v24;
	[tilespmem:v23+s18+$0x0] =	vst.idx.msk $0xffff, v52;
	v56 =	vld.idx.msk [tilespmem:v33+s20+$0x0], $0xffff  }
0x267: {  	v17 =	vor.u32 v17, v58;
	v25 =	vld.idx.msk [tilespmem:v25+s20+$0x0], $0xffff;
	[tilespmem:v21+s18+$0x0] =	vst.idx.msk $0xffff, v55  }
0x268: {  	v27 =	vand.u32 $0x3FF8, v27;
	v16 =	vor.u32 v16, v19;
	v59 =	vld.idx.msk [tilespmem:v53+s20+$0x0], $0xffff  }
0x269: {  	v60 =	vmul.f32 $8.000000000e+00, v39;
	v57 =	vor.u32 v18, v27  }
0x26a: {  	[tilespmem:v30+s18+$0x0] =	vst.idx.msk $0xffff, v36;
	v63 =	vmul.f32 $8.000000000e+00, v26  }
0x26b: {  	[tilespmem:v29+s18+$0x0] =	vst.idx.msk $0xffff, v60;
	v62 =	vmul.f32 $8.000000000e+00, v56  }
0x26c: {  	s1 =	sshll.u32 s29, $0xA;
	s19 =	sshll.u32 s29, $0x7;
	v61 =	vmul.f32 $8.000000000e+00, v25;
	[tilespmem:v17+s18+$0x0] =	vst.idx.msk $0xffff, v63  }
0x26d: {  	s1 =	sand.u32 $0xFFF8000, s1;
	s19 =	sand.u32 $0xF00, s19;
	[tilespmem:v16+s18+$0x0] =	vst.idx.msk $0xffff, v62;
	v16 =	vmul.f32 $8.000000000e+00, v59  }
0x26e: {  	s1 =	sor.u32 s19, s1;
	[tilespmem:v57+s18+$0x0] =	vst.idx.msk $0xffff, v61  }
0x26f: {  	s19 =	sadd.s32 s2, s1;
	[tilespmem:v37+s18+$0x0] =	vst.idx.msk $0xffff, v16  }
0x270: {  	[hbm4b:s19+s3] =	stream.linear.scatter [tilespmem:s18], [sflag:$0x4], $0x800, $0x38;
	[tilespmem:$0x16400] =	vst v63  }
0x271: {  	s21 =	simm.s32 $0x12C00;
	s29 =	sadd.s32 s1, s7  }
0x272: {  	[hbm4b:s29+s3] =	stream.linear.scatter [tilespmem:s21], [sflag:$0x4], $0x800, $0x38;
	[tilespmem:$0x16400] =	vst v63  }
0x273: {  	s31 =	simm.s32 $0x13400;
	s30 =	sadd.s32 s1, s8  }
0x274: {  	[hbm4b:s30+s3] =	stream.linear.scatter [tilespmem:s31], [sflag:$0x4], $0x800, $0x38;
	[tilespmem:$0x16400] =	vst v63  }
0x275: {  	s21 =	sadd.s32 s1, s9  }
0x276: {  	[hbm4b:s21+s3] =	stream.linear.scatter [tilespmem:s6], [sflag:$0x4], $0x800, $0x38;
	[tilespmem:$0x16400] =	vst v63  }
0x277: {  	s29 =	sadd.s32 s1, s10  }
0x278: {  	[hbm4b:s29+s3] =	stream.linear.scatter [tilespmem:s14], [sflag:$0x4], $0x800, $0x38;
	[tilespmem:$0x16400] =	vst v63  }
0x279: {  	s30 =	sadd.s32 s1, s11  }
0x27a: {  	[hbm4b:s30+s3] =	stream.linear.scatter [tilespmem:s15], [sflag:$0x4], $0x800, $0x38;
	[tilespmem:$0x16400] =	vst v63  }
.Ltmp6:
0x27b: {  	_ = 	snop;
	(pc) =	sbr.rel @p1 .LBB2_12-.Ltmp6, $4  }
0x27c: {  	s31 =	sadd.s32 s1, s12  }
0x27d: {  	[hbm4b:s31+s3] =	stream.linear.scatter [tilespmem:s22], [sflag:$0x4], $0x800, $0x38;
	[tilespmem:$0x16400] =	vst v63  }
0x27e: {  	s1 =	sadd.s32 s1, s13  }
0x27f: {  	[hbm4b:s1+s3] =	stream.linear.scatter [tilespmem:s25], [sflag:$0x4], $0x800, $0x38;
	[tilespmem:$0x16400] =	vst v63  }
.Ltmp7:
0x280: {  	s1 =	sshrl.u32 s28, $0x2;
	(pc) =	sbr.rel .LBB2_2-.Ltmp7, $4  }
0x281: {  	s19 =	sadd.s32 $0x300, s1  }
0x282: {  	[tilespmem:s20], [sflag:$0x2] =	stream.indirect.gather [hbm4b:s4+s16], $0x40, s19, s16, $0xb8;
	[tilespmem:$0x16400] =	vst v63  }
0x283: {  	s31 =	simm.s32 $0xC400;
	s26 =	sadd.s32 $0x1, s26;
	s1 =	sadd.s32 $0x380, s1  }
0x284: {  	[tilespmem:s31], [sflag:$0x2] =	stream.indirect.gather [hbm4b:s4+s16], $0x40, s1, s16, $0xb8;
	[tilespmem:$0x16400] =	vst v63  }
.LBB2_13:
0x285: {  	_ =	sfence.sel $0x180000  }
0x286: {  	[bflag:$0x0] =	sbarrier.arrive $0xFFFF  }
0x287: {  	_ =	strace $0x9000004A  }
0x288: {  	s0 =	stileid.u32;
	[bflag:$0x2] =	sbarrier.arrive $0xFFFF  }
0x289: {  	p0 =	sne.s32 s0, $0x0;
	s0 =	rddreg [dreg:$0x2]  }
0x28a: {  	s0 =	sadd.s32 @!p0 $0x100000, s0  }
0x28b: {  	[sflag:s0] =	ssyncadd.tile.s32 @!p0 $0x1;
	_ =	shalt  }
.Lfunc_end2:
_tile_overlayer_lowered:
.L_overlay_start_2:
0x28c: {  	(tag) =	ssettag $0x2  }
0x28d: {  	s0 =	rddreg [dreg:$0x0];
	s2 =	stileid.u32  }
0x28e: {  	s1 =	rddreg [dreg:$0x1];
	p0 =	sne.s32 s2, $0x0  }
0x28f: {  	s3 =	rddreg [dreg:$0x2];
	[bflag:$0x3] =	sbarrier.arrive $0xFFFF;
	s2 =	simm.s32 @!p0 $0x1C05  }
0x290: {  	[timem:s3], [sflag:s2] =	dma.local @!p0 [hbm:s0], s1  }
0x291: {  	s0 =	simm.s32 @!p0 $0x5  }
0x292: {  	_ =	swait.ge @!p0 [sflag:s0], s1  }
0x293: {  	s1 =	ssub.s32 @!p0 $0x0, s1;
	[sflag:s0] =	ssyncset.done @!p0 $0x0  }
0x294: {  	[sflag:s0] =	ssyncadd.s32 @!p0 s1  }
0x295: {  	[bflag:$0x3] =	sbarrier.arrive $0xFFFF  }
0x296: {  	_ =	shalt  }

// kernel: sparse-core-data-format-call.cloned.1.call-start
scs
called_computation_lowered:
.L_overlay_start_0:
0x0: {  	s2 =	sld [smem:$0x3FD9]  }
0x1: {  	s3 =	sld [smem:$0x3FFE];
	_ =	sdelay $0x1  }
0x2: {  	s1 =	srdreg.scid  }
0x3: {  	s0 =	sand.u32 $0x1, s1  }
0x4: {  	s18 =	sshll.u32 s0, $0xA;
	s2 =	sadd.s32 s3, s2  }
0x5: {  	s2 =	sadd.s32 s2, s18  }
0x6: {  	[smem:$0x3FC6] =	sst s2  }
0x7: {  	_ = 	snop  }
0x8: {  	s2 =	sld [smem:$0x3FC8];
	(tm) =	ssettm $0x1  }
0x9: {  	s19 =	sld [smem:$0x3FFB];
	_ =	sdelay $0x3  }
0xa: {  	_ =	strace s19  }
0xb: {  	s3 =	sld [smem:$0x3FFC];
	_ =	sdelay $0x3  }
0xc: {  	_ =	strace s3  }
0xd: {  	s3 =	sld [smem:$0x3FFD];
	_ =	sdelay $0x3  }
0xe: {  	_ =	strace s3  }
0xf: {  	_ =	strace $0x8FFFFFFF  }
0x10: {  	s20 =	sld [smem:$0x3FDB];
	_ =	sdelay $0x1  }
0x11: {  	s4 =	simm.s32 $_scs_section_size  }
0x12: {  	s5 =	simm.s32 $_size__tile_overlayer_lowered;
	s6 =	simm.s32 $_tile_overlayer_lowered  }
0x13: {  	s23 =	simm.s32 $0x1BFF;
	s22 =	sshll.u32 s6, $0x1;
	s3 =	sadd.s32 s4, s20  }
0x14: {  	s7 =	simm.s32 $0x0;
	s21 =	sshll.u32 s5, $0x1;
	s5 =	sadd.s32 s22, s3  }
0x15: {  	[timem:s7], [sflag:s23] =	dma.local [hbm:s5], s21  }
0x16: {  	_ =	swait.ge [sflag:s23], s21  }
0x17: {  	s4 =	ssub.s32 $0x0, s21;
	[sflag:s23] =	ssyncset.done $0x0  }
0x18: {  	[sflag:s23] =	ssyncadd.s32 s4;
	_ =	sdelay $0x1  }
0x19: {  	s24 =	simm.s32 $0x1B8B  }
0x1a: {  	_ =	swait.ge [sflag:s24], $0x1  }
0x1b: {  	[sflag:s24] =	ssyncset.done $0x0  }
0x1c: {  	s26 =	simm.s32 $0x1B8E;
	s25 =	sld [smem:$0x3FFE];
	[sflag:s24] =	ssyncadd.s32 $0xFFFFFFFF  }
0x1d: {  	s27 =	simm.s32 $execute0_lowered;
	[smem:$0x3FD2] =	sst s26  }
0x1e: {  	s5 =	sshll.u32 s27, $0x1;
	_ =	strace $0x80000046;
	[dreg:$0x1] =	wrdreg $0xFFFFFFFF  }
0x1f: {  	s28 =	simm.s32 $_size_execute0_lowered;
	s3 =	sadd.s32 s3, s5;
	[dreg:$0x0] =	wrdreg $0x0  }
0x20: {  	s5 =	sshll.u32 s28, $0x1;
	[dreg:$0x2] =	wrdreg s3  }
0x21: {  	[dreg:$0x3] =	wrdreg s5  }
0x22: {  	[dreg:$0x4] =	wrdreg $0xC0  }
0x23: {  	_ =	task [dreg:s7], $0x5FFFF  }
0x24: {  	[dreg:$0x1] =	wrdreg $0xFFFFFFFF  }
0x25: {  	[dreg:$0x0] =	wrdreg $0x60  }
0x26: {  	[dreg:$0x2] =	wrdreg s2  }
0x27: {  	[dreg:$0x3] =	wrdreg s25  }
0x28: {  	[dreg:$0x4] =	wrdreg $0x9  }
0x29: {  	_ =	task.clear_ibuf [dreg:s7], $0x5FFFF;
	_ =	strace $0x90000046  }
0x2a: {  	s29 =	simm.s32 $0x9;
	_ =	strace $0x80000048  }
0x2b: {  	_ =	swait.ge [sflag:s29], $0x1  }
0x2c: {  	[sflag:s29] =	ssyncadd.s32 $0xFFFFFFFF  }
0x2d: {  	_ =	strace $0x90000048  }
0x2e: {  	_ =	sfence  }
0x2f: {  	s30 =	sld [smem:$0x0];
	_ =	sdelay $0x2  }
0x30: {  	s31 =	sshll.u32 s1, $0xD;
	s1 =	sshrl.u32 s1, $0x2  }
0x31: {  	s3 =	sand.u32 $0x4000, s31;
	s1 =	sadd.s32 s1, s30  }
0x32: {  	s0 =	sor.u32 s3, s0;
	s1 =	sshll.u32 s1, $0x11  }
0x33: {  	s0 =	sor.u32 s1, s0  }
0x34: {  	s0 =	sadd.s32 $0x8F2B, s0  }
0x35: {  	[sflag:s0] =	ssyncadd.remote.s32 $0x1  }
0x36: {  	_ =	sfence.sel $0xFFFF  }
0x37: {  	[dreg:$0x0] =	wrdreg $0xFFFFFFFF;
	(pc) =	sbr.abs _section_cstart, $3  }
0x38: {  	[dreg:$0x1] =	wrdreg $0xFFFFFFFF  }
0x39: {  	_ =	task.clear_ibuf [dreg:s7], $0x2FFFF;
	_ =	strace $0x9FFFFFFF  }
0x3a: {  	(tm) =	ssettm $0x7FFFFFFF  }
0x3b: {  	_ =	shalt  }
tec
execute0_lowered:
.L_overlay_start_1:
0x0: {  	(tag) =	ssettag $0x1  }
0x1: {  	s0 =	srdreg.scid;
	s2 =	rddreg [dreg:$0x0]  }
0x2: {  	s5 =	rddreg [dreg:$0x1];
	s1 =	stileid.u32  }
0x3: {  	s4 =	simm.s32 $0x1;
	s6 =	simm.s32 $0x2;
	s15 =	simm.s32 $0x0  }
0x4: {  	p0 =	por $0x0, $0x0;
	s8 =	simm.s32 $0x80;
	s0 =	sshll.u32 s0, $0x4  }
0x5: {  	s14 =	simm.s32 $0x0;
	s9 =	simm.s32 $0x0;
	s3 =	sand.u32 $0x10, s0  }
.Ltmp0:
0x6: {  	s10 =	simm.s32 $0x0;
	s3 =	sor.u32 s1, s3;
	(pc) =	sbr.rel .LBB1_1-.Ltmp0, $4  }
0x7: {  	s0 =	rddreg [dreg:$0x2];
	_ =	strace $0x80000047;
	s3 =	sshll.u32 s3, $0x7  }
0x8: {  	s12 =	simm.s32 $0x0;
	[sflag:s4] =	ssyncpa.u1 $0x0;
	s7 =	ssub.s32 $0xF4200, s3  }
0x9: {  	s13 =	simm.s32 $0x0;
	[sflag:s6] =	ssyncpa.u1 $0x0;
	s6 =	sshrl.u32 s7, $0xC  }
0xa: {  	s5 =	sadd.s32 $0xA00, s5;
	s11 =	smov.u32 s3;
	s7 =	sadd.s32 $0x2, s6  }
.LBB1_5:
0xb: {  	p1 =	slt.u32 s13, $0x2  }
0xc: {  	s17 =	smov.u32 s15;
	p2 =	sgt.s32 @!p1 s15, $0xF41C0;
	s16 =	sshra.s32 @!p1 s15, $0x1F  }
0xd: {  	p3 =	sgt.s32 @!p1 s14, $0x40;
	s18 =	sshra.s32 @!p1 s14, $0x1F;
	p2 =	por !p2, p1  }
0xe: {  	s15 =	sand.u32 @!p1 s16, s15;
	p3 =	por !p3, p1;
	s16 =	smov.u32 s14  }
0xf: {  	s14 =	sand.u32 @!p1 s18, s14;
	s17 =	simm.s32 @p2 $0xF41C0;
	s16 =	simm.s32 @p3 $0x40  }
0x10: {  	s15 =	ssub.s32 @!p1 s17, s15;
	s14 =	ssub.s32 @!p1 s16, s14  }
0x11: {  	s18 =	smov.u32 s12;
	s16 =	sadd.s32 @!p1 $0xFFF0BE40, s15;
	s17 =	sadd.s32 @!p1 $0xFFFFFFC0, s14  }
0x12: {  	s15 =	ssub.s32 @!p1 $0xF4240, s15;
	p2 =	sgt.s32 @!p1 s16, $0x7F;
	p3 =	sgt.s32 @!p1 s17, $0x3F  }
0x13: {  	s14 =	ssub.s32 @!p1 $0x80, s14;
	p2 =	por !p2, p1;
	p3 =	por !p3, p1  }
0x14: {  	s16 =	sadd.s32 $0x1000, s11;
	s15 =	simm.s32 @!p2 $0x0;
	s14 =	simm.s32 @!p3 $0x0  }
0x15: {  	p2 =	sgt.s32 s16, $0xF423F;
	s14 =	smul.u32 @!p1 s14, s15;
	s15 =	sadd.s32 $0x40, s12  }
0x16: {  	s18 =	smov.u32 @p2 s15  }
0x17: {  	s16 =	smov.u32 @p2 s3;
	p2 =	sgt.s32 s18, $0x3F  }
0x18: {  	s18 =	simm.s32 @p2 $0x0;
	p2 =	sne.s32 s13, s7  }
.Ltmp1:
0x19: {  	p0 =	por !p0, !p0;
	s17 =	simm.s32 @!p1 $0x2;
	(pc) =	sbr.rel @!p2 .LBB1_6-.Ltmp1, $4  }
0x1a: {  	s15 =	smov.u32 s9;
	s9 =	smov.u32 s11;
	s14 =	sand.u32 @!p1 $0x3FFFFFFF, s14  }
0x1b: {  	s11 =	smov.u32 s16;
	_ =	swait.ge @!p1 [sflag:s17], s14;
	s19 =	ssub.s32 @!p1 $0x0, s14  }
0x1c: {  	s14 =	smov.u32 s10;
	s13 =	sadd.s32 $0x1, s13;
	[sflag:s17] =	ssyncset.done @!p1 $0x0  }
0x1d: {  	s10 =	smov.u32 s12;
	s12 =	smov.u32 s18;
	[sflag:s17] =	ssyncadd.s32 @!p1 s19  }
.LBB1_1:
0x1e: {  	p1 =	sgt.u32 s13, s6  }
0x1f: {  	s16 =	sshrl.u32 @!p1 s12, $0x3  }
0x20: {  	s17 =	sshll.u32 @!p1 s11, $0x3;
	s16 =	smul.u32 @!p1 $0x7A1400, s16  }
0x21: {  	s18 =	sshll.u32 @!p1 s12, $0x7;
	s17 =	sand.u32 @!p1 $0xFFFFFC00, s17  }
0x22: {  	s16 =	sadd.s32 @!p1 s16, s17;
	s17 =	sand.u32 @!p1 $0x380, s18  }
0x23: {  	s18 =	sand.u32 @!p1 $0x7F, s11;
	s16 =	sor.u32 @!p1 s17, s16  }
0x24: {  	s17 =	sor.u32 @!p1 s18, s16  }
0x25: {  	s18 =	smulhi.u32 @!p1 $0x218D6287, s17;
	_ =	sdelay $0x1  }
0x26: {  	s16 =	smulhi.u32 @!p1 $0x218D6287, s16;
	s18 =	sshrl.u32 @!p1 s18, $0x11  }
0x27: {  	s18 =	smul.u32 @!p1 $0xF4280, s18  }
0x28: {  	s19 =	sxor.u32 @!p1 $0xFFFFFFFF, s13;
	s16 =	sshrl.u32 @!p1 s16, $0x11  }
0x29: {  	s19 =	sshll.u32 @!p1 s19, $0xD;
	s16 =	sand.u32 @!p1 $0x3F, s16;
	s17 =	ssub.s32 @!p1 s17, s18  }
0x2a: {  	s16 =	smul.u32 @!p1 $0x1E850, s16;
	s18 =	sshrl.u32 @!p1 s17, $0x3;
	s17 =	sand.u32 @!p1 $0x7, s17  }
0x2b: {  	s19 =	sand.u32 @!p1 $0x2000, s19;
	s18 =	sadd.s32 @!p1 s2, s18;
	s17 =	sshll.u32 @!p1 s17, $0x12  }
0x2c: {  	s16 =	sadd.s32 @!p1 s16, s18;
	s17 =	sor.u32 @!p1 $0x400, s17;
	s18 =	simm.s32 @!p1 $0x7A1400  }
0x2d: {  	[tilespmem:s19], [sflag:$0x1] =	stream.strided.gather @!p1 [hbm4b:s16+s17], $0x2000, s18, s17, $0x38;
	[tilespmem:$0x8100] =	vst v63  }
0x2e: {  	p1 =	seq.s32 s13, $0x0  }
0x2f: {  	p2 =	sge.u32 @!p1 s13, s7  }
0x30: {  	p1 =	por p1, p2  }
.Ltmp2:
0x31: {  	_ = 	snop;
	(pc) =	sbr.rel @p1 .LBB1_5-.Ltmp2, $1  }
0x32: {  	_ =	sdelay $0x3  }
0x33: {  	s16 =	simm.s32 $0x1  }
0x34: {  	_ =	swait.ge [sflag:s4], $0x2000;
	s16 =	simm.s32 @!p0 $0x0  }
0x35: {  	[sflag:s4] =	ssyncset.done $0x0;
	s17 =	sshll.u32 s16, $0xD  }
0x36: {  	[sflag:s4] =	ssyncadd.s32 $0xFFFFE000;
	s17 =	sor.u32 $0x40, s17  }
0x37: {  	s16 =	smul.u32 $0x8200, s16;
	v0 =	vld [tilespmem:s17+$0x30]  }
0x38: {  	v1 =	vld [tilespmem:s17+$0xFFFFFFD0]  }
0x39: {  	s16 =	sshrl.u32 s16, $0x2;
	v5 =	vld [tilespmem:s17+$0xFFFFFFE0]  }
0x3a: {  	v6 =	vld [tilespmem:s17+$0xFFFFFFF0];
	s19 =	sor.u32 $0x4000, s16  }
0x3b: {  	s31 =	sand.u32 $0x1, s13;
	v4 =	vld [tilespmem:s17+$0x0];
	s18 =	sadd.s32 $0x0, s19  }
0x3c: {  	v3 =	vld [tilespmem:s17+$0x10];
	s16 =	smul.u32 $0x8200, s31;
	[tilespmem:s18+$0x1C70 ss:$0x41] =	vst.msk $0xffff, v0  }
0x3d: {  	v2 =	vld [tilespmem:s17+$0x20];
	[tilespmem:s18+$0x410 ss:$0x41] =	vst.msk $0xffff, v1  }
0x3e: {  	s16 =	sshrl.u32 s16, $0x2;
	v1 =	vld [tilespmem:s17+$0xFFFFFFC0];
	[tilespmem:s18+$0x820 ss:$0x41] =	vst.msk $0xffff, v5;
	s17 =	sadd.s32 $0x80, s17  }
0x3f: {  	s20 =	simm.s32 $0x4;
	s21 =	simm.s32 $0x8;
	s16 =	sor.u32 $0x4000, s16;
	[tilespmem:s18+$0xC30 ss:$0x41] =	vst.msk $0xffff, v6;
	v0 =	vld [tilespmem:s17+$0x30]  }
.LBB1_3:
0x40: {  	p1 =	sne.s32 s21, $0xFC;
	v5 =	vld [tilespmem:s17+$0xFFFFFFD0];
	[tilespmem:s18+$0x1040 ss:$0x41] =	vst.msk $0xffff, v4  }
0x41: {  	v6 =	vld [tilespmem:s17+$0xFFFFFFE0];
	[tilespmem:s18+$0x1450 ss:$0x41] =	vst.msk $0xffff, v3  }
0x42: {  	s22 =	sshra.s32 s20, $0x2;
	s20 =	smov.u32 s21;
	v7 =	vld [tilespmem:s17+$0xFFFFFFF0];
	[tilespmem:s18+$0x1860 ss:$0x41] =	vst.msk $0xffff, v2  }
.Ltmp3:
0x43: {  	v4 =	vld [tilespmem:s17+$0x0];
	[tilespmem:s18+$0x0 ss:$0x41] =	vst.msk $0xffff, v1;
	s18 =	sadd.s32 s22, s19;
	(pc) =	sbr.rel @p1 .LBB1_3-.Ltmp3, $4  }
0x44: {  	v3 =	vld [tilespmem:s17+$0x10];
	[tilespmem:s18+$0x1C70 ss:$0x41] =	vst.msk $0xffff, v0  }
0x45: {  	[tilespmem:s18+$0x410 ss:$0x41] =	vst.msk $0xffff, v5;
	v2 =	vld [tilespmem:s17+$0x20]  }
0x46: {  	v1 =	vld [tilespmem:s17+$0xFFFFFFC0];
	[tilespmem:s18+$0x820 ss:$0x41] =	vst.msk $0xffff, v6;
	s17 =	sadd.s32 $0x80, s17  }
0x47: {  	s21 =	sadd.s32 $0x4, s21;
	v0 =	vld [tilespmem:s17+$0x30];
	[tilespmem:s18+$0xC30 ss:$0x41] =	vst.msk $0xffff, v7  }
0x48: {  	s21 =	sshll.u32 s9, $0x7;
	s22 =	sshll.u32 s10, $0x3;
	s20 =	sshra.s32 s20, $0x2  }
0x49: {  	p1 =	sgt.s32 s9, $0xF41C0;
	s30 =	sshra.s32 s9, $0x1F;
	s25 =	sshra.s32 s10, $0x1F  }
0x4a: {  	v5 =	vld [tilespmem:s17+$0xFFFFFFD0];
	s28 =	sshrl.u32 s10, $0x3;
	s23 =	sand.u32 $0xFFFFFC00, s21;
	s22 =	sand.u32 $0xFFFFFC00, s22  }
0x4b: {  	[tilespmem:s18+$0x1040 ss:$0x41] =	vst.msk $0xffff, v4;
	v58 =	vld [tilespmem:s17+$0xFFFFFFE0];
	s21 =	sand.u32 $0x380, s21;
	s19 =	sadd.s32 s20, s19;
	s22 =	sadd.s32 s22, s23  }
0x4c: {  	v59 =	vld [tilespmem:s17+$0xFFFFFFF0];
	[tilespmem:s18+$0x1450 ss:$0x41] =	vst.msk $0xffff, v3;
	s29 =	sor.u32 s21, s22;
	s21 =	smov.u32 s9;
	s22 =	sand.u32 s30, s9  }
0x4d: {  	v60 =	vld [tilespmem:s17+$0x0];
	[tilespmem:s18+$0x1860 ss:$0x41] =	vst.msk $0xffff, v2;
	s30 =	sand.u32 $0x7, s10;
	s20 =	sshrl.u32 s29, $0x7;
	s21 =	simm.s32 @!p1 $0xF41C0  }
0x4e: {  	v61 =	vld [tilespmem:s17+$0x10];
	[tilespmem:s18+$0x0 ss:$0x41] =	vst.msk $0xffff, v1;
	p1 =	sgt.s32 s10, $0x40;
	s24 =	ssub.s32 s21, s22;
	s21 =	smov.u32 s10  }
0x4f: {  	v62 =	vld [tilespmem:s17+$0x20];
	[tilespmem:s19+$0x1C70 ss:$0x41] =	vst.msk $0xffff, v0;
	s31 =	smulhi.u32 $0x218DEF5, s20;
	s22 =	sand.u32 s25, s10;
	s21 =	simm.s32 @!p1 $0x40  }
0x50: {  	v63 =	vld [tilespmem:s17+$0xFFFFFFC0];
	[tilespmem:s19+$0x410 ss:$0x41] =	vst.msk $0xffff, v5;
	s26 =	sadd.s32 $0xFFF0BE40, s24;
	s17 =	ssub.s32 $0xF4240, s24;
	s21 =	ssub.s32 s21, s22  }
0x51: {  	[tilespmem:s19+$0x820 ss:$0x41] =	vst.msk $0xffff, v58;
	s23 =	sshrl.u32 s31, $0xD;
	p1 =	sgt.s32 s26, $0x7F;
	s27 =	sadd.s32 $0xFFFFFFC0, s21  }
0x52: {  	[tilespmem:s19+$0xC30 ss:$0x41] =	vst.msk $0xffff, v59;
	s23 =	smul.u32 $0xF4240, s23;
	s18 =	ssub.s32 $0x80, s21;
	p2 =	sgt.s32 s27, $0x3F  }
.Ltmp4:
0x53: {  	[tilespmem:s19+$0x1040 ss:$0x41] =	vst.msk $0xffff, v60;
	s17 =	simm.s32 @p1 $0x0;
	s18 =	simm.s32 @p2 $0x0;
	(pc) =	sbr.rel .LBB1_5-.Ltmp4, $4  }
0x54: {  	s29 =	sand.u32 $0xF, s28;
	[tilespmem:s19+$0x1450 ss:$0x41] =	vst.msk $0xffff, v61;
	s20 =	ssub.s32 s20, s23;
	s17 =	smul.u32 s18, s17  }
0x55: {  	[tilespmem:s19+$0x1860 ss:$0x41] =	vst.msk $0xffff, v62;
	s21 =	sshll.u32 s30, $0x12;
	s20 =	sshll.u32 s20, $0x4;
	s18 =	sadd.s32 s5, s29  }
0x56: {  	[tilespmem:s19+$0x0 ss:$0x41] =	vst.msk $0xffff, v63;
	s31 =	sor.u32 $0x40, s21;
	s18 =	sadd.s32 s20, s18;
	s17 =	sand.u32 $0x3FFFFFFF, s17  }
0x57: {  	[hbm4b:s18+s31] =	stream.strided.scatter [tilespmem:s16], [sflag:$0x2], s17, s8, s31, $0x18;
	[tilespmem:$0x8100] =	vst v63  }
.LBB1_6:
0x58: {  	_ =	sfence.sel $0x180000  }
0x59: {  	s2 =	simm.s32 $0x1;
	[bflag:$0x0] =	sbarrier.arrive $0xFFFF  }
0x5a: {  	s31 =	simm.s32 $0x2;
	[sflag:s2] =	ssyncpa.u1 $0x1  }
0x5b: {  	[sflag:s31] =	ssyncpa.u1 $0x1  }
0x5c: {  	p0 =	sne.s32 s1, $0x0;
	_ =	strace $0x90000047  }
0x5d: {  	s0 =	sadd.s32 @!p0 $0x100000, s0;
	[bflag:$0x2] =	sbarrier.arrive $0xFFFF  }
0x5e: {  	[sflag:s0] =	ssyncadd.tile.s32 @!p0 $0x1;
	_ =	shalt  }
.Lfunc_end1:
_tile_overlayer_lowered:
.L_overlay_start_2:
0x5f: {  	(tag) =	ssettag $0x2  }
0x60: {  	s0 =	rddreg [dreg:$0x0];
	s2 =	stileid.u32  }
0x61: {  	s1 =	rddreg [dreg:$0x1];
	p0 =	sne.s32 s2, $0x0  }
0x62: {  	s3 =	rddreg [dreg:$0x2];
	[bflag:$0x3] =	sbarrier.arrive $0xFFFF;
	s2 =	simm.s32 @!p0 $0x1C01  }
0x63: {  	[timem:s3], [sflag:s2] =	dma.local @!p0 [hbm:s0], s1  }
0x64: {  	s0 =	simm.s32 @!p0 $0x1  }
0x65: {  	_ =	swait.ge @!p0 [sflag:s0], s1  }
0x66: {  	s1 =	ssub.s32 @!p0 $0x0, s1;
	[sflag:s0] =	ssyncset.done @!p0 $0x0  }
0x67: {  	[sflag:s0] =	ssyncadd.s32 @!p0 s1  }
0x68: {  	[bflag:$0x3] =	sbarrier.arrive $0xFFFF  }
0x69: {  	_ =	shalt  }

</sc_bundles>
